<compile_context>
chip_gen: v7x
topology: tpu7x:2x2x1
jax: 0.10.2.dev20260603
libtpu: 0.0.44.dev20260713+nightly
codegen_flags: <defaults>
</compile_context>

<pallas_src>
import jax
import jax.numpy as jnp
from jax import lax
from jax.experimental import pallas as pl
from jax.experimental.pallas import tpu as pltpu
from jax.experimental.pallas import tpu_sc as plsc

_K = 64
_NC, _NS, _L = 2, 16, 16
_NW = _NC * _NS
_B, _N = 64, 8192
_RPW = _B // _NW
_NV = _N // _L
_NBKT = 256
_INT_MIN = -2147483648
_MASK31 = 0x7FFFFFFF


def _scalar(x):
    return x if x.ndim == 0 else jnp.max(x)


def _key_of(v):
    b = lax.bitcast_convert_type(v, jnp.int32)
    key = jnp.where(b >= 0, b, b ^ jnp.int32(_MASK31))
    return jnp.where(b == jnp.int32(_INT_MIN), jnp.int32(0), key)


def _sc_body(x_hbm, w_hbm, st_hbm,
             rows_v, ws_v, keys_v, hist_v, totals_v, ck_v, ci_v, st_v,
             sin0, sin1, sout0, sout1):
    wid = lax.axis_index("c") * _NS + lax.axis_index("s")
    iota = lax.iota(jnp.int32, _L)
    onesi = jnp.ones((_L,), jnp.int32)
    zeroi = jnp.zeros((_L,), jnp.int32)
    inv_k = jnp.float32(1.0 / _K)
    R = range(_RPW)

    row0 = wid * _RPW
    hin = [pltpu.async_copy(x_hbm.at[row0 + rr], rows_v.at[rr], sem)
           for rr, sem in enumerate((sin0, sin1))]

    @plsc.parallel_loop(0, _RPW * _NBKT, unroll=8)
    def _(j):
        hist_v[pl.ds(j * _L, _L)] = zeroi

    for h in hin:
        h.wait()

    @plsc.parallel_loop(0, _NV, unroll=4)
    def _(j):
        for rr in R:
            key = _key_of(rows_v.at[rr][pl.ds(j * _L, _L)])
            keys_v.at[rr][pl.ds(j * _L, _L)] = key
            bkt = (key >> 24) + 128
            plsc.addupdate_scatter(
                hist_v, [(rr * _NBKT * _L) + (iota << 8) + bkt], onesi)

    def tbody(g, gts):
        out = []
        for rr, gtot in zip(R, gts):
            acc = zeroi
            for l in range(_L):
                acc = acc + hist_v[pl.ds((rr * _L + l) * _NBKT + g * _L, _L)]
            totals_v.at[rr][pl.ds(g * _L, _L)] = acc
            out.append(jnp.where(iota == g,
                                 jnp.broadcast_to(jnp.sum(acc), (_L,)), gtot))
        return tuple(out)
    gtots = lax.fori_loop(0, _NBKT // _L, tbody, (zeroi,) * _RPW)

    b1s, cgt1s = [], []
    for rr in R:
        gtot = gtots[rr]
        cs = plsc.cumsum(lax.rev(gtot, (0,)))
        i0 = _scalar(plsc.all_reduce_ffs(cs >= _K))
        em = iota == i0
        above = (jnp.max(jnp.where(em, cs, zeroi))
                 - jnp.max(jnp.where(em, lax.rev(gtot, (0,)), zeroi)))
        grp = 15 - i0
        trev = lax.rev(totals_v.at[rr][pl.ds(grp * _L, _L)], (0,))
        cs2 = plsc.cumsum(trev) + above
        j0 = _scalar(plsc.all_reduce_ffs(cs2 >= _K))
        em2 = iota == j0
        b1s.append((grp << 4) + 15 - j0)
        cgt1s.append(jnp.max(jnp.where(em2, cs2, zeroi))
                     - jnp.max(jnp.where(em2, trev, zeroi)))

    top1s = [b1s[rr] - 128 for rr in R]
    @plsc.parallel_loop(0, _NV, unroll=4, carry=(zeroi,) * _RPW)
    def cnts(j, cnt):
        col = (j << 4) + iota
        out = []
        for rr in R:
            key = keys_v.at[rr][pl.ds(j * _L, _L)]
            m = (key >> 24) == top1s[rr]
            mv = jnp.where(m, onesi, zeroi)
            pos = cnt[rr] + plsc.cumsum(mv) - mv
            plsc.store_scatter(ck_v.at[rr], [pos], key, mask=m)
            plsc.store_scatter(ci_v.at[rr], [pos], col, mask=m)
            out.append(cnt[rr] + plsc.all_reduce_population_count(m))
        return tuple(out)
    n2s = [jnp.max(cnts[rr]) for rr in R]
    nv2s = [(n2s[rr] + _L - 1) >> 4 for rr in R]
    nv2m = jnp.maximum(nv2s[0], nv2s[1])

    def bitstep(s, tks):
        cands = [tks[rr] | (jnp.int32(1) << (23 - s)) for rr in R]
        @plsc.parallel_loop(0, nv2m, unroll=4, carry=(zeroi,) * _RPW)
        def cc(vi, c):
            pos = (vi << 4) + iota
            out = []
            for rr in R:
                kk = ck_v.at[rr][pl.ds(vi * _L, _L)]
                valid = pos < n2s[rr]
                out.append(c[rr] + plsc.all_reduce_population_count(
                    valid & (kk >= cands[rr])))
            return tuple(out)
        return tuple(
            jnp.where(cgt1s[rr] + jnp.max(cc[rr]) >= _K, cands[rr], tks[rr])
            for rr in R)
    tkeys = lax.fori_loop(0, 24, bitstep,
                          tuple((b1s[rr] - 128) << 24 for rr in R))

    @plsc.parallel_loop(0, nv2m, unroll=4, carry=(zeroi,) * _RPW)
    def cgts(vi, c):
        pos = (vi << 4) + iota
        out = []
        for rr in R:
            kk = ck_v.at[rr][pl.ds(vi * _L, _L)]
            valid = pos < n2s[rr]
            out.append(c[rr] + plsc.all_reduce_population_count(
                valid & (kk > tkeys[rr])))
        return tuple(out)
    rs = [_K - (cgt1s[rr] + jnp.max(cgts[rr])) for rr in R]

    vmax0 = jnp.full((_L,), _INT_MIN, jnp.int32)
    sacc0 = jnp.zeros((_L,), jnp.float32)
    @plsc.parallel_loop(0, _NV, unroll=4,
                        carry=((sacc0, vmax0, zeroi),) * _RPW)
    def p3out(j, carry):
        col = (j << 4) + iota
        out = []
        for rr in R:
            sacc, vmax, vidx = carry[rr]
            v = rows_v.at[rr][pl.ds(j * _L, _L)]
            key = keys_v.at[rr][pl.ds(j * _L, _L)]
            g = key > tkeys[rr]
            ws_v.at[rr][pl.ds(j * _L, _L)] = jnp.where(g, inv_k,
                                                       jnp.float32(0.0))
            m = key > vmax
            out.append((sacc + jnp.where(g, v, jnp.float32(0.0)),
                        jnp.where(m, key, vmax), jnp.where(m, col, vidx)))
        return tuple(out)

    wts = jnp.full((_L,), 1.0 / _K, jnp.float32)
    @plsc.parallel_loop(0, nv2m, unroll=4, carry=(zeroi,) * _RPW)
    def _(vi, c):
        pos = (vi << 4) + iota
        out = []
        for rr in R:
            kk = ck_v.at[rr][pl.ds(vi * _L, _L)]
            ii = ci_v.at[rr][pl.ds(vi * _L, _L)]
            e = (pos < n2s[rr]) & (kk == tkeys[rr])
            ev = jnp.where(e, onesi, zeroi)
            rank = c[rr] + plsc.cumsum(ev) - ev
            plsc.store_scatter(ws_v.at[rr], [ii], wts,
                               mask=e & (rank < rs[rr]))
            out.append(c[rr] + plsc.all_reduce_population_count(e))
        return tuple(out)

    houts = [pltpu.async_copy(ws_v.at[rr], w_hbm.at[row0 + rr], sem)
             for rr, sem in enumerate((sout0, sout1))]

    st_acc = jnp.zeros((_L,), jnp.float32)
    for rr in R:
        saccv, vmax, vidx = p3out[rr]
        sum_gt = jnp.sum(saccv)
        mx = jnp.max(vmax)
        bi_row = jnp.min(jnp.where(vmax == mx, vidx, jnp.int32(_N)))
        tkey = tkeys[rr]
        tbits = jnp.where(tkey >= 0, tkey, tkey ^ jnp.int32(_MASK31))
        tval = lax.bitcast_convert_type(jnp.broadcast_to(tbits, (_L,)),
                                        jnp.float32)
        rv = jnp.broadcast_to(rs[rr], (_L,)).astype(jnp.float32)
        fsv = (jnp.broadcast_to(sum_gt, (_L,)) + rv * tval) * inv_k
        biv = lax.bitcast_convert_type(jnp.broadcast_to(bi_row, (_L,)),
                                       jnp.float32)
        st_acc = jnp.where(iota == rr, fsv, st_acc)
        st_acc = jnp.where(iota == _RPW + rr, biv, st_acc)

    st_v[pl.ds(0, _L)] = st_acc
    pltpu.sync_copy(st_v, st_hbm.at[wid])
    for h in houts:
        h.wait()


@jax.jit
def kernel(chunk_scores):
    B, N = chunk_scores.shape
    mesh = plsc.VectorSubcoreMesh(core_axis_name="c", subcore_axis_name="s")
    w, st = pl.kernel(
        _sc_body,
        out_type=(
            jax.ShapeDtypeStruct((B, N), jnp.float32),
            jax.ShapeDtypeStruct((_NW, _L), jnp.float32),
        ),
        mesh=mesh,
        compiler_params=pltpu.CompilerParams(needs_layout_passes=False,
                                             use_tc_tiling_on_sc=False,
                                             disable_bounds_checks=True),
        scratch_types=[
            pltpu.VMEM((_RPW, _N), jnp.float32),
            pltpu.VMEM((_RPW, _N), jnp.float32),
            pltpu.VMEM((_RPW, _N), jnp.int32),
            pltpu.VMEM((_RPW * _NBKT * _L,), jnp.int32),
            pltpu.VMEM((_RPW, _NBKT), jnp.int32),
            pltpu.VMEM((_RPW, _N + _L), jnp.int32),
            pltpu.VMEM((_RPW, _N + _L), jnp.int32),
            pltpu.VMEM((_L,), jnp.float32),
            pltpu.SemaphoreType.DMA,
            pltpu.SemaphoreType.DMA,
            pltpu.SemaphoreType.DMA,
            pltpu.SemaphoreType.DMA,
        ],
    )(chunk_scores)
    final_score = st[:, :_RPW].reshape(B)
    best_idx = jax.lax.bitcast_convert_type(
        st[:, _RPW:2 * _RPW].reshape(B), jnp.int32)
    return final_score, best_idx, w

# --- scband reference (transcript-rebuilt; emitter-appended) ---
"""Pipeline reference for scband-milaggregator-67216238182665 (READ-ONLY COPY).

The authoritative reference and input builder live on the scoring server;
editing this copy changes nothing except your own understanding.
"""

import jax, jax.numpy as jnp
import numpy as np

TOP_K = 64

def setup_inputs(seed: int = 0) -> dict:
    key = jax.random.key(seed)
    chunk_scores = jax.random.normal(key, (64, 8192), dtype=jnp.float32)
    return {"chunk_scores": chunk_scores}

def reference(chunk_scores):
    # MILAggregator with aggregation='top_k', top_k=64, no mask, no chunk_neurons.
    B, num_chunks = chunk_scores.shape
    k = min(TOP_K, num_chunks)
    top_scores, top_indices = jax.lax.top_k(chunk_scores, k)
    final_score = jnp.mean(top_scores, axis=-1)
    best_idx = top_indices[:, 0]
    weights = jnp.zeros_like(chunk_scores).at[jnp.arange(B)[:, None], top_indices].set(1.0 / k)
    # result dict fields: final_score, best_chunk_idx, weights
    return (final_score, best_idx, weights)

if __name__ == "__main__":
    import jax
    _d = setup_inputs()
    print(jax.jit(kernel)(*tuple(_d.values())))

</pallas_src>

<mosaic_0001>
#map = affine_map<(d0, d1) -> (0, 0)>
module attributes {stable_mosaic.version = 14 : i64} {
  func.func @_sc_body(%arg0: i32, %arg1: i32, %arg2: memref<64x8192xf32, #tpu.memory_space<hbm>>, %arg3: memref<64x8192xf32, #tpu.memory_space<hbm>>, %arg4: memref<32x16xf32, #tpu.memory_space<hbm>>, %arg5: memref<2x8192xf32, #tpu.memory_space<vmem>>, %arg6: memref<2x8192xf32, #tpu.memory_space<vmem>>, %arg7: memref<2x8192xi32, #tpu.memory_space<vmem>>, %arg8: memref<8192xi32, #tpu.memory_space<vmem>>, %arg9: memref<2x256xi32, #tpu.memory_space<vmem>>, %arg10: memref<2x8208xi32, #tpu.memory_space<vmem>>, %arg11: memref<2x8208xi32, #tpu.memory_space<vmem>>, %arg12: memref<16xf32, #tpu.memory_space<vmem>>, %arg13: memref<!tpu.dma_semaphore, #tpu.memory_space<semaphore_mem>>, %arg14: memref<!tpu.dma_semaphore, #tpu.memory_space<semaphore_mem>>, %arg15: memref<!tpu.dma_semaphore, #tpu.memory_space<semaphore_mem>>, %arg16: memref<!tpu.dma_semaphore, #tpu.memory_space<semaphore_mem>>) attributes {dimension_semantics = [#tpu.dimension_semantics<core_parallel>, #tpu.dimension_semantics<subcore_parallel>], iteration_bounds = array<i64: 2, 16>, scalar_prefetch = 0 : i64, scratch_operands = 12 : i64, tpu.core_type = #tpu.core_type<sc_vector_subcore>, window_params = [{transform_indices = #map}, {transform_indices = #map}, {transform_indices = #map}]} {
    %mul3A = arith.constant 16 : i32
    %mul3A_0 = arith.muli %arg0, %mul3A : i32
    %add3A = arith.addi %mul3A_0, %arg1 : i32
    %iota3A = tpu.iota {dimensions = array<i32: 0>} : vector<16xi32>
    %broadcast_in_dim3A = arith.constant 1 : i32
    %broadcast_in_dim3A_1 = vector.broadcast %broadcast_in_dim3A : i32 to vector<16xi32>
    %broadcast_in_dim3A_2 = arith.constant 0 : i32
    %broadcast_in_dim3A_3 = vector.broadcast %broadcast_in_dim3A_2 : i32 to vector<16xi32>
    %mul3A_4 = arith.constant 2 : i32
    %mul3A_5 = arith.muli %add3A, %mul3A_4 : i32
    %add3A_6 = arith.constant 0 : i32
    %add3A_7 = arith.addi %mul3A_5, %add3A_6 : i32
    %dma_start3A = arith.constant 0 : i32
    %dma_start3A_8 = arith.constant 0 : i32
    %dma_start3A_9 = tpu.memref_slice %arg5[%dma_start3A, %dma_start3A_8] : memref<2x8192xf32, #tpu.memory_space<vmem>> -> memref<1x8192xf32, #tpu.memory_space<vmem>>
    %dma_start3A_10 = tpu.memref_squeeze %dma_start3A_9 : memref<1x8192xf32, #tpu.memory_space<vmem>> -> memref<8192xf32, #tpu.memory_space<vmem>>
    %dma_start3A_11 = arith.constant 0 : i32
    %dma_start3A_12 = tpu.memref_slice %arg2[%add3A_7, %dma_start3A_11] : memref<64x8192xf32, #tpu.memory_space<hbm>> -> memref<1x8192xf32, #tpu.memory_space<hbm>>
    %dma_start3A_13 = tpu.memref_squeeze %dma_start3A_12 : memref<1x8192xf32, #tpu.memory_space<hbm>> -> memref<8192xf32, #tpu.memory_space<hbm>>
    %dma_start3A_14 = arith.constant 0 : i32
    %dma_start3A_15 = tpu.memref_slice %arg5[%dma_start3A, %dma_start3A_14] : memref<2x8192xf32, #tpu.memory_space<vmem>> -> memref<1x8192xf32, #tpu.memory_space<vmem>>
    %dma_start3A_16 = tpu.memref_squeeze %dma_start3A_15 : memref<1x8192xf32, #tpu.memory_space<vmem>> -> memref<8192xf32, #tpu.memory_space<vmem>>
    %dma_start3A_17 = arith.constant 0 : i32
    %dma_start3A_18 = tpu.memref_slice %arg2[%add3A_7, %dma_start3A_17] : memref<64x8192xf32, #tpu.memory_space<hbm>> -> memref<1x8192xf32, #tpu.memory_space<hbm>>
    %dma_start3A_19 = tpu.memref_squeeze %dma_start3A_18 : memref<1x8192xf32, #tpu.memory_space<hbm>> -> memref<8192xf32, #tpu.memory_space<hbm>>
    tpu.enqueue_dma source(%dma_start3A_19 : memref<8192xf32, #tpu.memory_space<hbm>>) target(%dma_start3A_16 : memref<8192xf32, #tpu.memory_space<vmem>>) target_semaphore(%arg13 : memref<!tpu.dma_semaphore, #tpu.memory_space<semaphore_mem>>)
    %add3A_20 = arith.constant 1 : i32
    %add3A_21 = arith.addi %mul3A_5, %add3A_20 : i32
    %dma_start3A_22 = arith.constant 1 : i32
    %dma_start3A_23 = arith.constant 0 : i32
    %dma_start3A_24 = tpu.memref_slice %arg5[%dma_start3A_22, %dma_start3A_23] : memref<2x8192xf32, #tpu.memory_space<vmem>> -> memref<1x8192xf32, #tpu.memory_space<vmem>>
    %dma_start3A_25 = tpu.memref_squeeze %dma_start3A_24 : memref<1x8192xf32, #tpu.memory_space<vmem>> -> memref<8192xf32, #tpu.memory_space<vmem>>
    %dma_start3A_26 = arith.constant 0 : i32
    %dma_start3A_27 = tpu.memref_slice %arg2[%add3A_21, %dma_start3A_26] : memref<64x8192xf32, #tpu.memory_space<hbm>> -> memref<1x8192xf32, #tpu.memory_space<hbm>>
    %dma_start3A_28 = tpu.memref_squeeze %dma_start3A_27 : memref<1x8192xf32, #tpu.memory_space<hbm>> -> memref<8192xf32, #tpu.memory_space<hbm>>
    %dma_start3A_29 = arith.constant 0 : i32
    %dma_start3A_30 = tpu.memref_slice %arg5[%dma_start3A_22, %dma_start3A_29] : memref<2x8192xf32, #tpu.memory_space<vmem>> -> memref<1x8192xf32, #tpu.memory_space<vmem>>
    %dma_start3A_31 = tpu.memref_squeeze %dma_start3A_30 : memref<1x8192xf32, #tpu.memory_space<vmem>> -> memref<8192xf32, #tpu.memory_space<vmem>>
    %dma_start3A_32 = arith.constant 0 : i32
    %dma_start3A_33 = tpu.memref_slice %arg2[%add3A_21, %dma_start3A_32] : memref<64x8192xf32, #tpu.memory_space<hbm>> -> memref<1x8192xf32, #tpu.memory_space<hbm>>
    %dma_start3A_34 = tpu.memref_squeeze %dma_start3A_33 : memref<1x8192xf32, #tpu.memory_space<hbm>> -> memref<8192xf32, #tpu.memory_space<hbm>>
    tpu.enqueue_dma source(%dma_start3A_34 : memref<8192xf32, #tpu.memory_space<hbm>>) target(%dma_start3A_31 : memref<8192xf32, #tpu.memory_space<vmem>>) target_semaphore(%arg14 : memref<!tpu.dma_semaphore, #tpu.memory_space<semaphore_mem>>)
    %parallel_loop3A = arith.constant 0 : i32
    %parallel_loop3A_35 = arith.constant 512 : i32
    %parallel_loop3A_36 = arith.constant 1 : i32
    scf.for %parallel_loop3A_509 = %parallel_loop3A to %parallel_loop3A_35 step %parallel_loop3A_36  : i32 {
      %parallel_loop3A_510 = arith.constant 16 : i32
      %parallel_loop3A_511 = arith.muli %parallel_loop3A_509, %parallel_loop3A_510 : i32
      %parallel_loop3A_512 = arith.index_cast %parallel_loop3A_511 : i32 to index
      %parallel_loop3A_513 = tpu.vector_load %arg8[%parallel_loop3A_512] {strides = array<i32>} : memref<8192xi32, #tpu.memory_space<vmem>>, vector<16xi32>,
      tpu.vector_store %arg8[%parallel_loop3A_512], %broadcast_in_dim3A_3 {strides = array<i32>} : memref<8192xi32, #tpu.memory_space<vmem>>, vector<16xi32>,
    } {sc.loop_unroll_factor = 8 : i64, sc.parallel_access}
    %dma_wait3A = arith.constant 0 : i32
    %dma_wait3A_37 = arith.constant 0 : i32
    %dma_wait3A_38 = tpu.memref_slice %arg5[%dma_wait3A, %dma_wait3A_37] : memref<2x8192xf32, #tpu.memory_space<vmem>> -> memref<1x8192xf32, #tpu.memory_space<vmem>>
    %dma_wait3A_39 = tpu.memref_squeeze %dma_wait3A_38 : memref<1x8192xf32, #tpu.memory_space<vmem>> -> memref<8192xf32, #tpu.memory_space<vmem>>
    %dma_wait3A_40 = arith.constant 0 : i32
    %dma_wait3A_41 = tpu.memref_slice %arg2[%add3A_7, %dma_wait3A_40] : memref<64x8192xf32, #tpu.memory_space<hbm>> -> memref<1x8192xf32, #tpu.memory_space<hbm>>
    %dma_wait3A_42 = tpu.memref_squeeze %dma_wait3A_41 : memref<1x8192xf32, #tpu.memory_space<hbm>> -> memref<8192xf32, #tpu.memory_space<hbm>>
    %dma_wait3A_43 = arith.constant 0 : i32
    %dma_wait3A_44 = tpu.memref_slice %arg5[%dma_wait3A, %dma_wait3A_43] : memref<2x8192xf32, #tpu.memory_space<vmem>> -> memref<1x8192xf32, #tpu.memory_space<vmem>>
    %dma_wait3A_45 = tpu.memref_squeeze %dma_wait3A_44 : memref<1x8192xf32, #tpu.memory_space<vmem>> -> memref<8192xf32, #tpu.memory_space<vmem>>
    %dma_wait3A_46 = arith.constant 0 : i32
    %dma_wait3A_47 = tpu.memref_slice %arg2[%add3A_7, %dma_wait3A_46] : memref<64x8192xf32, #tpu.memory_space<hbm>> -> memref<1x8192xf32, #tpu.memory_space<hbm>>
    %dma_wait3A_48 = tpu.memref_squeeze %dma_wait3A_47 : memref<1x8192xf32, #tpu.memory_space<hbm>> -> memref<8192xf32, #tpu.memory_space<hbm>>
    tpu.wait_dma2 semaphore(%arg13 : memref<!tpu.dma_semaphore, #tpu.memory_space<semaphore_mem>>) src(%dma_wait3A_48 : memref<8192xf32, #tpu.memory_space<hbm>>) dst(%dma_wait3A_45 : memref<8192xf32, #tpu.memory_space<vmem>>)
    %dma_wait3A_49 = arith.constant 1 : i32
    %dma_wait3A_50 = arith.constant 0 : i32
    %dma_wait3A_51 = tpu.memref_slice %arg5[%dma_wait3A_49, %dma_wait3A_50] : memref<2x8192xf32, #tpu.memory_space<vmem>> -> memref<1x8192xf32, #tpu.memory_space<vmem>>
    %dma_wait3A_52 = tpu.memref_squeeze %dma_wait3A_51 : memref<1x8192xf32, #tpu.memory_space<vmem>> -> memref<8192xf32, #tpu.memory_space<vmem>>
    %dma_wait3A_53 = arith.constant 0 : i32
    %dma_wait3A_54 = tpu.memref_slice %arg2[%add3A_21, %dma_wait3A_53] : memref<64x8192xf32, #tpu.memory_space<hbm>> -> memref<1x8192xf32, #tpu.memory_space<hbm>>
    %dma_wait3A_55 = tpu.memref_squeeze %dma_wait3A_54 : memref<1x8192xf32, #tpu.memory_space<hbm>> -> memref<8192xf32, #tpu.memory_space<hbm>>
    %dma_wait3A_56 = arith.constant 0 : i32
    %dma_wait3A_57 = tpu.memref_slice %arg5[%dma_wait3A_49, %dma_wait3A_56] : memref<2x8192xf32, #tpu.memory_space<vmem>> -> memref<1x8192xf32, #tpu.memory_space<vmem>>
    %dma_wait3A_58 = tpu.memref_squeeze %dma_wait3A_57 : memref<1x8192xf32, #tpu.memory_space<vmem>> -> memref<8192xf32, #tpu.memory_space<vmem>>
    %dma_wait3A_59 = arith.constant 0 : i32
    %dma_wait3A_60 = tpu.memref_slice %arg2[%add3A_21, %dma_wait3A_59] : memref<64x8192xf32, #tpu.memory_space<hbm>> -> memref<1x8192xf32, #tpu.memory_space<hbm>>
    %dma_wait3A_61 = tpu.memref_squeeze %dma_wait3A_60 : memref<1x8192xf32, #tpu.memory_space<hbm>> -> memref<8192xf32, #tpu.memory_space<hbm>>
    tpu.wait_dma2 semaphore(%arg14 : memref<!tpu.dma_semaphore, #tpu.memory_space<semaphore_mem>>) src(%dma_wait3A_61 : memref<8192xf32, #tpu.memory_space<hbm>>) dst(%dma_wait3A_58 : memref<8192xf32, #tpu.memory_space<vmem>>)
    %parallel_loop3A_62 = arith.constant 0 : i32
    %parallel_loop3A_63 = arith.constant 512 : i32
    %parallel_loop3A_64 = arith.constant 1 : i32
    scf.for %parallel_loop3A_509 = %parallel_loop3A_62 to %parallel_loop3A_63 step %parallel_loop3A_64  : i32 {
      %parallel_loop3A_510 = arith.constant 16 : i32
      %parallel_loop3A_511 = arith.muli %parallel_loop3A_509, %parallel_loop3A_510 : i32
      %parallel_loop3A_512 = arith.constant 0 : i32
      %parallel_loop3A_513 = arith.constant 0 : i32
      %parallel_loop3A_514 = tpu.memref_slice %arg5[%parallel_loop3A_512, %parallel_loop3A_513] : memref<2x8192xf32, #tpu.memory_space<vmem>> -> memref<1x8192xf32, #tpu.memory_space<vmem>>
      %parallel_loop3A_515 = tpu.memref_squeeze %parallel_loop3A_514 : memref<1x8192xf32, #tpu.memory_space<vmem>> -> memref<8192xf32, #tpu.memory_space<vmem>>
      %parallel_loop3A_516 = arith.index_cast %parallel_loop3A_511 : i32 to index
      %parallel_loop3A_517 = tpu.vector_load %parallel_loop3A_515[%parallel_loop3A_516] {strides = array<i32>} : memref<8192xf32, #tpu.memory_space<vmem>>, vector<16xf32>,
      %parallel_loop3A_518 = tpu.bitcast %parallel_loop3A_517 : vector<16xf32> -> vector<16xi32>
      %parallel_loop3A_519 = arith.constant 0 : i32
      %parallel_loop3A_520 = vector.broadcast %parallel_loop3A_519 : i32 to vector<16xi32>
      %parallel_loop3A_521 = arith.cmpi sge, %parallel_loop3A_518, %parallel_loop3A_520 : vector<16xi32>
      %parallel_loop3A_522 = arith.constant 2147483647 : i32
      %parallel_loop3A_523 = vector.broadcast %parallel_loop3A_522 : i32 to vector<16xi32>
      %parallel_loop3A_524 = arith.xori %parallel_loop3A_518, %parallel_loop3A_523 : vector<16xi32>
      %parallel_loop3A_525 = arith.select %parallel_loop3A_521, %parallel_loop3A_518, %parallel_loop3A_524 : vector<16xi1>, vector<16xi32>
      %parallel_loop3A_526 = arith.constant -2147483648 : i32
      %parallel_loop3A_527 = vector.broadcast %parallel_loop3A_526 : i32 to vector<16xi32>
      %parallel_loop3A_528 = arith.cmpi eq, %parallel_loop3A_518, %parallel_loop3A_527 : vector<16xi32>
      %parallel_loop3A_529 = arith.constant 0 : i32
      %parallel_loop3A_530 = vector.broadcast %parallel_loop3A_529 : i32 to vector<16xi32>
      %parallel_loop3A_531 = arith.select %parallel_loop3A_528, %parallel_loop3A_530, %parallel_loop3A_525 : vector<16xi1>, vector<16xi32>
      %parallel_loop3A_532 = arith.constant 16 : i32
      %parallel_loop3A_533 = arith.muli %parallel_loop3A_509, %parallel_loop3A_532 : i32
      %parallel_loop3A_534 = arith.constant 0 : i32
      %parallel_loop3A_535 = arith.constant 0 : i32
      %parallel_loop3A_536 = tpu.memref_slice %arg7[%parallel_loop3A_534, %parallel_loop3A_535] : memref<2x8192xi32, #tpu.memory_space<vmem>> -> memref<1x8192xi32, #tpu.memory_space<vmem>>
      %parallel_loop3A_537 = tpu.memref_squeeze %parallel_loop3A_536 : memref<1x8192xi32, #tpu.memory_space<vmem>> -> memref<8192xi32, #tpu.memory_space<vmem>>
      %parallel_loop3A_538 = arith.index_cast %parallel_loop3A_533 : i32 to index
      %parallel_loop3A_539 = tpu.vector_load %parallel_loop3A_537[%parallel_loop3A_538] {strides = array<i32>} : memref<8192xi32, #tpu.memory_space<vmem>>, vector<16xi32>,
      tpu.vector_store %parallel_loop3A_537[%parallel_loop3A_538], %parallel_loop3A_531 {strides = array<i32>} : memref<8192xi32, #tpu.memory_space<vmem>>, vector<16xi32>,
      %parallel_loop3A_540 = arith.constant 24 : i32
      %parallel_loop3A_541 = vector.broadcast %parallel_loop3A_540 : i32 to vector<16xi32>
      %parallel_loop3A_542 = arith.shrsi %parallel_loop3A_531, %parallel_loop3A_541 : vector<16xi32>
      %parallel_loop3A_543 = arith.constant 128 : i32
      %parallel_loop3A_544 = vector.broadcast %parallel_loop3A_543 : i32 to vector<16xi32>
      %parallel_loop3A_545 = arith.addi %parallel_loop3A_542, %parallel_loop3A_544 : vector<16xi32>
      %parallel_loop3A_546 = arith.constant 8 : i32
      %parallel_loop3A_547 = vector.broadcast %parallel_loop3A_546 : i32 to vector<16xi32>
      %parallel_loop3A_548 = arith.shli %iota3A, %parallel_loop3A_547 : vector<16xi32>
      %parallel_loop3A_549 = arith.constant 0 : i32
      %parallel_loop3A_550 = vector.broadcast %parallel_loop3A_549 : i32 to vector<16xi32>
      %parallel_loop3A_551 = arith.addi %parallel_loop3A_550, %parallel_loop3A_548 : vector<16xi32>
      %parallel_loop3A_552 = arith.addi %parallel_loop3A_551, %parallel_loop3A_545 : vector<16xi32>
      tpu.vector_store_idx %arg8[%parallel_loop3A_552], %broadcast_in_dim3A_1 {add = true} : memref<8192xi32, #tpu.memory_space<vmem>>[vector<16xi32>], vector<16xi32>,
      %parallel_loop3A_553 = arith.constant 16 : i32
      %parallel_loop3A_554 = arith.muli %parallel_loop3A_509, %parallel_loop3A_553 : i32
      %parallel_loop3A_555 = arith.constant 1 : i32
      %parallel_loop3A_556 = arith.constant 0 : i32
      %parallel_loop3A_557 = tpu.memref_slice %arg5[%parallel_loop3A_555, %parallel_loop3A_556] : memref<2x8192xf32, #tpu.memory_space<vmem>> -> memref<1x8192xf32, #tpu.memory_space<vmem>>
      %parallel_loop3A_558 = tpu.memref_squeeze %parallel_loop3A_557 : memref<1x8192xf32, #tpu.memory_space<vmem>> -> memref<8192xf32, #tpu.memory_space<vmem>>
      %parallel_loop3A_559 = arith.index_cast %parallel_loop3A_554 : i32 to index
      %parallel_loop3A_560 = tpu.vector_load %parallel_loop3A_558[%parallel_loop3A_559] {strides = array<i32>} : memref<8192xf32, #tpu.memory_space<vmem>>, vector<16xf32>,
      %parallel_loop3A_561 = tpu.bitcast %parallel_loop3A_560 : vector<16xf32> -> vector<16xi32>
      %parallel_loop3A_562 = arith.constant 0 : i32
      %parallel_loop3A_563 = vector.broadcast %parallel_loop3A_562 : i32 to vector<16xi32>
      %parallel_loop3A_564 = arith.cmpi sge, %parallel_loop3A_561, %parallel_loop3A_563 : vector<16xi32>
      %parallel_loop3A_565 = arith.constant 2147483647 : i32
      %parallel_loop3A_566 = vector.broadcast %parallel_loop3A_565 : i32 to vector<16xi32>
      %parallel_loop3A_567 = arith.xori %parallel_loop3A_561, %parallel_loop3A_566 : vector<16xi32>
      %parallel_loop3A_568 = arith.select %parallel_loop3A_564, %parallel_loop3A_561, %parallel_loop3A_567 : vector<16xi1>, vector<16xi32>
      %parallel_loop3A_569 = arith.constant -2147483648 : i32
      %parallel_loop3A_570 = vector.broadcast %parallel_loop3A_569 : i32 to vector<16xi32>
      %parallel_loop3A_571 = arith.cmpi eq, %parallel_loop3A_561, %parallel_loop3A_570 : vector<16xi32>
      %parallel_loop3A_572 = arith.constant 0 : i32
      %parallel_loop3A_573 = vector.broadcast %parallel_loop3A_572 : i32 to vector<16xi32>
      %parallel_loop3A_574 = arith.select %parallel_loop3A_571, %parallel_loop3A_573, %parallel_loop3A_568 : vector<16xi1>, vector<16xi32>
      %parallel_loop3A_575 = arith.constant 16 : i32
      %parallel_loop3A_576 = arith.muli %parallel_loop3A_509, %parallel_loop3A_575 : i32
      %parallel_loop3A_577 = arith.constant 1 : i32
      %parallel_loop3A_578 = arith.constant 0 : i32
      %parallel_loop3A_579 = tpu.memref_slice %arg7[%parallel_loop3A_577, %parallel_loop3A_578] : memref<2x8192xi32, #tpu.memory_space<vmem>> -> memref<1x8192xi32, #tpu.memory_space<vmem>>
      %parallel_loop3A_580 = tpu.memref_squeeze %parallel_loop3A_579 : memref<1x8192xi32, #tpu.memory_space<vmem>> -> memref<8192xi32, #tpu.memory_space<vmem>>
      %parallel_loop3A_581 = arith.index_cast %parallel_loop3A_576 : i32 to index
      %parallel_loop3A_582 = tpu.vector_load %parallel_loop3A_580[%parallel_loop3A_581] {strides = array<i32>} : memref<8192xi32, #tpu.memory_space<vmem>>, vector<16xi32>,
      tpu.vector_store %parallel_loop3A_580[%parallel_loop3A_581], %parallel_loop3A_574 {strides = array<i32>} : memref<8192xi32, #tpu.memory_space<vmem>>, vector<16xi32>,
      %parallel_loop3A_583 = arith.constant 24 : i32
      %parallel_loop3A_584 = vector.broadcast %parallel_loop3A_583 : i32 to vector<16xi32>
      %parallel_loop3A_585 = arith.shrsi %parallel_loop3A_574, %parallel_loop3A_584 : vector<16xi32>
      %parallel_loop3A_586 = arith.constant 128 : i32
      %parallel_loop3A_587 = vector.broadcast %parallel_loop3A_586 : i32 to vector<16xi32>
      %parallel_loop3A_588 = arith.addi %parallel_loop3A_585, %parallel_loop3A_587 : vector<16xi32>
      %parallel_loop3A_589 = arith.constant 8 : i32
      %parallel_loop3A_590 = vector.broadcast %parallel_loop3A_589 : i32 to vector<16xi32>
      %parallel_loop3A_591 = arith.shli %iota3A, %parallel_loop3A_590 : vector<16xi32>
      %parallel_loop3A_592 = arith.constant 4096 : i32
      %parallel_loop3A_593 = vector.broadcast %parallel_loop3A_592 : i32 to vector<16xi32>
      %parallel_loop3A_594 = arith.addi %parallel_loop3A_593, %parallel_loop3A_591 : vector<16xi32>
      %parallel_loop3A_595 = arith.addi %parallel_loop3A_594, %parallel_loop3A_588 : vector<16xi32>
      tpu.vector_store_idx %arg8[%parallel_loop3A_595], %broadcast_in_dim3A_1 {add = true} : memref<8192xi32, #tpu.memory_space<vmem>>[vector<16xi32>], vector<16xi32>,
    } {sc.loop_unroll_factor = 4 : i64, sc.parallel_access}
    %scan3A = arith.constant 0 : i32
    %scan3A_65 = arith.constant 16 : i32
    %scan3A_66 = arith.addi %scan3A, %scan3A_65 : i32
    %scan3A_67 = arith.constant 1 : i32
    %scan3A_68:2 = scf.for %scan3A_509 = %scan3A to %scan3A_66 step %scan3A_67 iter_args(%scan3A_510 = %broadcast_in_dim3A_3, %scan3A_511 = %broadcast_in_dim3A_3) -> (vector<16xi32>, vector<16xi32>)  : i32 {
      %mul3A_512 = arith.constant 16 : i32
      %mul3A_513 = arith.muli %scan3A_509, %mul3A_512 : i32
      %add3A_514 = arith.constant 0 : i32
      %add3A_515 = arith.addi %add3A_514, %mul3A_513 : i32
      %get3A_516 = arith.index_cast %add3A_515 : i32 to index
      %get3A_517 = tpu.vector_load %arg8[%get3A_516] {strides = array<i32>} : memref<8192xi32, #tpu.memory_space<vmem>>, vector<16xi32>,
      %add3A_518 = arith.addi %broadcast_in_dim3A_3, %get3A_517 : vector<16xi32>
      %mul3A_519 = arith.constant 16 : i32
      %mul3A_520 = arith.muli %scan3A_509, %mul3A_519 : i32
      %add3A_521 = arith.constant 256 : i32
      %add3A_522 = arith.addi %add3A_521, %mul3A_520 : i32
      %get3A_523 = arith.index_cast %add3A_522 : i32 to index
      %get3A_524 = tpu.vector_load %arg8[%get3A_523] {strides = array<i32>} : memref<8192xi32, #tpu.memory_space<vmem>>, vector<16xi32>,
      %add3A_525 = arith.addi %add3A_518, %get3A_524 : vector<16xi32>
      %mul3A_526 = arith.constant 16 : i32
      %mul3A_527 = arith.muli %scan3A_509, %mul3A_526 : i32
      %add3A_528 = arith.constant 512 : i32
      %add3A_529 = arith.addi %add3A_528, %mul3A_527 : i32
      %get3A_530 = arith.index_cast %add3A_529 : i32 to index
      %get3A_531 = tpu.vector_load %arg8[%get3A_530] {strides = array<i32>} : memref<8192xi32, #tpu.memory_space<vmem>>, vector<16xi32>,
      %add3A_532 = arith.addi %add3A_525, %get3A_531 : vector<16xi32>
      %mul3A_533 = arith.constant 16 : i32
      %mul3A_534 = arith.muli %scan3A_509, %mul3A_533 : i32
      %add3A_535 = arith.constant 768 : i32
      %add3A_536 = arith.addi %add3A_535, %mul3A_534 : i32
      %get3A_537 = arith.index_cast %add3A_536 : i32 to index
      %get3A_538 = tpu.vector_load %arg8[%get3A_537] {strides = array<i32>} : memref<8192xi32, #tpu.memory_space<vmem>>, vector<16xi32>,
      %add3A_539 = arith.addi %add3A_532, %get3A_538 : vector<16xi32>
      %mul3A_540 = arith.constant 16 : i32
      %mul3A_541 = arith.muli %scan3A_509, %mul3A_540 : i32
      %add3A_542 = arith.constant 1024 : i32
      %add3A_543 = arith.addi %add3A_542, %mul3A_541 : i32
      %get3A_544 = arith.index_cast %add3A_543 : i32 to index
      %get3A_545 = tpu.vector_load %arg8[%get3A_544] {strides = array<i32>} : memref<8192xi32, #tpu.memory_space<vmem>>, vector<16xi32>,
      %add3A_546 = arith.addi %add3A_539, %get3A_545 : vector<16xi32>
      %mul3A_547 = arith.constant 16 : i32
      %mul3A_548 = arith.muli %scan3A_509, %mul3A_547 : i32
      %add3A_549 = arith.constant 1280 : i32
      %add3A_550 = arith.addi %add3A_549, %mul3A_548 : i32
      %get3A_551 = arith.index_cast %add3A_550 : i32 to index
      %get3A_552 = tpu.vector_load %arg8[%get3A_551] {strides = array<i32>} : memref<8192xi32, #tpu.memory_space<vmem>>, vector<16xi32>,
      %add3A_553 = arith.addi %add3A_546, %get3A_552 : vector<16xi32>
      %mul3A_554 = arith.constant 16 : i32
      %mul3A_555 = arith.muli %scan3A_509, %mul3A_554 : i32
      %add3A_556 = arith.constant 1536 : i32
      %add3A_557 = arith.addi %add3A_556, %mul3A_555 : i32
      %get3A_558 = arith.index_cast %add3A_557 : i32 to index
      %get3A_559 = tpu.vector_load %arg8[%get3A_558] {strides = array<i32>} : memref<8192xi32, #tpu.memory_space<vmem>>, vector<16xi32>,
      %add3A_560 = arith.addi %add3A_553, %get3A_559 : vector<16xi32>
      %mul3A_561 = arith.constant 16 : i32
      %mul3A_562 = arith.muli %scan3A_509, %mul3A_561 : i32
      %add3A_563 = arith.constant 1792 : i32
      %add3A_564 = arith.addi %add3A_563, %mul3A_562 : i32
      %get3A_565 = arith.index_cast %add3A_564 : i32 to index
      %get3A_566 = tpu.vector_load %arg8[%get3A_565] {strides = array<i32>} : memref<8192xi32, #tpu.memory_space<vmem>>, vector<16xi32>,
      %add3A_567 = arith.addi %add3A_560, %get3A_566 : vector<16xi32>
      %mul3A_568 = arith.constant 16 : i32
      %mul3A_569 = arith.muli %scan3A_509, %mul3A_568 : i32
      %add3A_570 = arith.constant 2048 : i32
      %add3A_571 = arith.addi %add3A_570, %mul3A_569 : i32
      %get3A_572 = arith.index_cast %add3A_571 : i32 to index
      %get3A_573 = tpu.vector_load %arg8[%get3A_572] {strides = array<i32>} : memref<8192xi32, #tpu.memory_space<vmem>>, vector<16xi32>,
      %add3A_574 = arith.addi %add3A_567, %get3A_573 : vector<16xi32>
      %mul3A_575 = arith.constant 16 : i32
      %mul3A_576 = arith.muli %scan3A_509, %mul3A_575 : i32
      %add3A_577 = arith.constant 2304 : i32
      %add3A_578 = arith.addi %add3A_577, %mul3A_576 : i32
      %get3A_579 = arith.index_cast %add3A_578 : i32 to index
      %get3A_580 = tpu.vector_load %arg8[%get3A_579] {strides = array<i32>} : memref<8192xi32, #tpu.memory_space<vmem>>, vector<16xi32>,
      %add3A_581 = arith.addi %add3A_574, %get3A_580 : vector<16xi32>
      %mul3A_582 = arith.constant 16 : i32
      %mul3A_583 = arith.muli %scan3A_509, %mul3A_582 : i32
      %add3A_584 = arith.constant 2560 : i32
      %add3A_585 = arith.addi %add3A_584, %mul3A_583 : i32
      %get3A_586 = arith.index_cast %add3A_585 : i32 to index
      %get3A_587 = tpu.vector_load %arg8[%get3A_586] {strides = array<i32>} : memref<8192xi32, #tpu.memory_space<vmem>>, vector<16xi32>,
      %add3A_588 = arith.addi %add3A_581, %get3A_587 : vector<16xi32>
      %mul3A_589 = arith.constant 16 : i32
      %mul3A_590 = arith.muli %scan3A_509, %mul3A_589 : i32
      %add3A_591 = arith.constant 2816 : i32
      %add3A_592 = arith.addi %add3A_591, %mul3A_590 : i32
      %get3A_593 = arith.index_cast %add3A_592 : i32 to index
      %get3A_594 = tpu.vector_load %arg8[%get3A_593] {strides = array<i32>} : memref<8192xi32, #tpu.memory_space<vmem>>, vector<16xi32>,
      %add3A_595 = arith.addi %add3A_588, %get3A_594 : vector<16xi32>
      %mul3A_596 = arith.constant 16 : i32
      %mul3A_597 = arith.muli %scan3A_509, %mul3A_596 : i32
      %add3A_598 = arith.constant 3072 : i32
      %add3A_599 = arith.addi %add3A_598, %mul3A_597 : i32
      %get3A_600 = arith.index_cast %add3A_599 : i32 to index
      %get3A_601 = tpu.vector_load %arg8[%get3A_600] {strides = array<i32>} : memref<8192xi32, #tpu.memory_space<vmem>>, vector<16xi32>,
      %add3A_602 = arith.addi %add3A_595, %get3A_601 : vector<16xi32>
      %mul3A_603 = arith.constant 16 : i32
      %mul3A_604 = arith.muli %scan3A_509, %mul3A_603 : i32
      %add3A_605 = arith.constant 3328 : i32
      %add3A_606 = arith.addi %add3A_605, %mul3A_604 : i32
      %get3A_607 = arith.index_cast %add3A_606 : i32 to index
      %get3A_608 = tpu.vector_load %arg8[%get3A_607] {strides = array<i32>} : memref<8192xi32, #tpu.memory_space<vmem>>, vector<16xi32>,
      %add3A_609 = arith.addi %add3A_602, %get3A_608 : vector<16xi32>
      %mul3A_610 = arith.constant 16 : i32
      %mul3A_611 = arith.muli %scan3A_509, %mul3A_610 : i32
      %add3A_612 = arith.constant 3584 : i32
      %add3A_613 = arith.addi %add3A_612, %mul3A_611 : i32
      %get3A_614 = arith.index_cast %add3A_613 : i32 to index
      %get3A_615 = tpu.vector_load %arg8[%get3A_614] {strides = array<i32>} : memref<8192xi32, #tpu.memory_space<vmem>>, vector<16xi32>,
      %add3A_616 = arith.addi %add3A_609, %get3A_615 : vector<16xi32>
      %mul3A_617 = arith.constant 16 : i32
      %mul3A_618 = arith.muli %scan3A_509, %mul3A_617 : i32
      %add3A_619 = arith.constant 3840 : i32
      %add3A_620 = arith.addi %add3A_619, %mul3A_618 : i32
      %get3A_621 = arith.index_cast %add3A_620 : i32 to index
      %get3A_622 = tpu.vector_load %arg8[%get3A_621] {strides = array<i32>} : memref<8192xi32, #tpu.memory_space<vmem>>, vector<16xi32>,
      %add3A_623 = arith.addi %add3A_616, %get3A_622 : vector<16xi32>
      %mul3A_624 = arith.constant 16 : i32
      %mul3A_625 = arith.muli %scan3A_509, %mul3A_624 : i32
      %swap3A_626 = arith.constant 0 : i32
      %swap3A_627 = arith.constant 0 : i32
      %swap3A_628 = tpu.memref_slice %arg9[%swap3A_626, %swap3A_627] : memref<2x256xi32, #tpu.memory_space<vmem>> -> memref<1x256xi32, #tpu.memory_space<vmem>>
      %swap3A_629 = tpu.memref_squeeze %swap3A_628 : memref<1x256xi32, #tpu.memory_space<vmem>> -> memref<256xi32, #tpu.memory_space<vmem>>
      %swap3A_630 = arith.index_cast %mul3A_625 : i32 to index
      %swap3A_631 = tpu.vector_load %swap3A_629[%swap3A_630] {strides = array<i32>} : memref<256xi32, #tpu.memory_space<vmem>>, vector<16xi32>,
      tpu.vector_store %swap3A_629[%swap3A_630], %add3A_623 {strides = array<i32>} : memref<256xi32, #tpu.memory_space<vmem>>, vector<16xi32>,
      %eq3A_632 = vector.broadcast %scan3A_509 : i32 to vector<16xi32>
      %eq3A_633 = arith.cmpi eq, %iota3A, %eq3A_632 : vector<16xi32>
      %reduce_sum3A_634 = arith.constant true
      %reduce_sum3A_635 = vector.broadcast %reduce_sum3A_634 : i1 to vector<16xi1>
      %reduce_sum3A_636 = tpu.scan <sum>, %add3A_623 masked %reduce_sum3A_635 : vector<16xi32>, vector<16xi1> -> vector<16xi32>
      %reduce_sum3A_637 = vector.extract %reduce_sum3A_636[15] : i32 from vector<16xi32>
      %broadcast_in_dim3A_638 = vector.broadcast %reduce_sum3A_637 : i32 to vector<16xi32>
      %select_n3A_639 = arith.select %eq3A_633, %broadcast_in_dim3A_638, %scan3A_510 : vector<16xi1>, vector<16xi32>
      %mul3A_640 = arith.constant 16 : i32
      %mul3A_641 = arith.muli %scan3A_509, %mul3A_640 : i32
      %add3A_642 = arith.constant 4096 : i32
      %add3A_643 = arith.addi %add3A_642, %mul3A_641 : i32
      %get3A_644 = arith.index_cast %add3A_643 : i32 to index
      %get3A_645 = tpu.vector_load %arg8[%get3A_644] {strides = array<i32>} : memref<8192xi32, #tpu.memory_space<vmem>>, vector<16xi32>,
      %add3A_646 = arith.addi %broadcast_in_dim3A_3, %get3A_645 : vector<16xi32>
      %mul3A_647 = arith.constant 16 : i32
      %mul3A_648 = arith.muli %scan3A_509, %mul3A_647 : i32
      %add3A_649 = arith.constant 4352 : i32
      %add3A_650 = arith.addi %add3A_649, %mul3A_648 : i32
      %get3A_651 = arith.index_cast %add3A_650 : i32 to index
      %get3A_652 = tpu.vector_load %arg8[%get3A_651] {strides = array<i32>} : memref<8192xi32, #tpu.memory_space<vmem>>, vector<16xi32>,
      %add3A_653 = arith.addi %add3A_646, %get3A_652 : vector<16xi32>
      %mul3A_654 = arith.constant 16 : i32
      %mul3A_655 = arith.muli %scan3A_509, %mul3A_654 : i32
      %add3A_656 = arith.constant 4608 : i32
      %add3A_657 = arith.addi %add3A_656, %mul3A_655 : i32
      %get3A_658 = arith.index_cast %add3A_657 : i32 to index
      %get3A_659 = tpu.vector_load %arg8[%get3A_658] {strides = array<i32>} : memref<8192xi32, #tpu.memory_space<vmem>>, vector<16xi32>,
      %add3A_660 = arith.addi %add3A_653, %get3A_659 : vector<16xi32>
      %mul3A_661 = arith.constant 16 : i32
      %mul3A_662 = arith.muli %scan3A_509, %mul3A_661 : i32
      %add3A_663 = arith.constant 4864 : i32
      %add3A_664 = arith.addi %add3A_663, %mul3A_662 : i32
      %get3A_665 = arith.index_cast %add3A_664 : i32 to index
      %get3A_666 = tpu.vector_load %arg8[%get3A_665] {strides = array<i32>} : memref<8192xi32, #tpu.memory_space<vmem>>, vector<16xi32>,
      %add3A_667 = arith.addi %add3A_660, %get3A_666 : vector<16xi32>
      %mul3A_668 = arith.constant 16 : i32
      %mul3A_669 = arith.muli %scan3A_509, %mul3A_668 : i32
      %add3A_670 = arith.constant 5120 : i32
      %add3A_671 = arith.addi %add3A_670, %mul3A_669 : i32
      %get3A_672 = arith.index_cast %add3A_671 : i32 to index
      %get3A_673 = tpu.vector_load %arg8[%get3A_672] {strides = array<i32>} : memref<8192xi32, #tpu.memory_space<vmem>>, vector<16xi32>,
      %add3A_674 = arith.addi %add3A_667, %get3A_673 : vector<16xi32>
      %mul3A_675 = arith.constant 16 : i32
      %mul3A_676 = arith.muli %scan3A_509, %mul3A_675 : i32
      %add3A_677 = arith.constant 5376 : i32
      %add3A_678 = arith.addi %add3A_677, %mul3A_676 : i32
      %get3A_679 = arith.index_cast %add3A_678 : i32 to index
      %get3A_680 = tpu.vector_load %arg8[%get3A_679] {strides = array<i32>} : memref<8192xi32, #tpu.memory_space<vmem>>, vector<16xi32>,
      %add3A_681 = arith.addi %add3A_674, %get3A_680 : vector<16xi32>
      %mul3A_682 = arith.constant 16 : i32
      %mul3A_683 = arith.muli %scan3A_509, %mul3A_682 : i32
      %add3A_684 = arith.constant 5632 : i32
      %add3A_685 = arith.addi %add3A_684, %mul3A_683 : i32
      %get3A_686 = arith.index_cast %add3A_685 : i32 to index
      %get3A_687 = tpu.vector_load %arg8[%get3A_686] {strides = array<i32>} : memref<8192xi32, #tpu.memory_space<vmem>>, vector<16xi32>,
      %add3A_688 = arith.addi %add3A_681, %get3A_687 : vector<16xi32>
      %mul3A_689 = arith.constant 16 : i32
      %mul3A_690 = arith.muli %scan3A_509, %mul3A_689 : i32
      %add3A_691 = arith.constant 5888 : i32
      %add3A_692 = arith.addi %add3A_691, %mul3A_690 : i32
      %get3A_693 = arith.index_cast %add3A_692 : i32 to index
      %get3A_694 = tpu.vector_load %arg8[%get3A_693] {strides = array<i32>} : memref<8192xi32, #tpu.memory_space<vmem>>, vector<16xi32>,
      %add3A_695 = arith.addi %add3A_688, %get3A_694 : vector<16xi32>
      %mul3A_696 = arith.constant 16 : i32
      %mul3A_697 = arith.muli %scan3A_509, %mul3A_696 : i32
      %add3A_698 = arith.constant 6144 : i32
      %add3A_699 = arith.addi %add3A_698, %mul3A_697 : i32
      %get3A_700 = arith.index_cast %add3A_699 : i32 to index
      %get3A_701 = tpu.vector_load %arg8[%get3A_700] {strides = array<i32>} : memref<8192xi32, #tpu.memory_space<vmem>>, vector<16xi32>,
      %add3A_702 = arith.addi %add3A_695, %get3A_701 : vector<16xi32>
      %mul3A_703 = arith.constant 16 : i32
      %mul3A_704 = arith.muli %scan3A_509, %mul3A_703 : i32
      %add3A_705 = arith.constant 6400 : i32
      %add3A_706 = arith.addi %add3A_705, %mul3A_704 : i32
      %get3A_707 = arith.index_cast %add3A_706 : i32 to index
      %get3A_708 = tpu.vector_load %arg8[%get3A_707] {strides = array<i32>} : memref<8192xi32, #tpu.memory_space<vmem>>, vector<16xi32>,
      %add3A_709 = arith.addi %add3A_702, %get3A_708 : vector<16xi32>
      %mul3A_710 = arith.constant 16 : i32
      %mul3A_711 = arith.muli %scan3A_509, %mul3A_710 : i32
      %add3A_712 = arith.constant 6656 : i32
      %add3A_713 = arith.addi %add3A_712, %mul3A_711 : i32
      %get3A_714 = arith.index_cast %add3A_713 : i32 to index
      %get3A_715 = tpu.vector_load %arg8[%get3A_714] {strides = array<i32>} : memref<8192xi32, #tpu.memory_space<vmem>>, vector<16xi32>,
      %add3A_716 = arith.addi %add3A_709, %get3A_715 : vector<16xi32>
      %mul3A_717 = arith.constant 16 : i32
      %mul3A_718 = arith.muli %scan3A_509, %mul3A_717 : i32
      %add3A_719 = arith.constant 6912 : i32
      %add3A_720 = arith.addi %add3A_719, %mul3A_718 : i32
      %get3A_721 = arith.index_cast %add3A_720 : i32 to index
      %get3A_722 = tpu.vector_load %arg8[%get3A_721] {strides = array<i32>} : memref<8192xi32, #tpu.memory_space<vmem>>, vector<16xi32>,
      %add3A_723 = arith.addi %add3A_716, %get3A_722 : vector<16xi32>
      %mul3A_724 = arith.constant 16 : i32
      %mul3A_725 = arith.muli %scan3A_509, %mul3A_724 : i32
      %add3A_726 = arith.constant 7168 : i32
      %add3A_727 = arith.addi %add3A_726, %mul3A_725 : i32
      %get3A_728 = arith.index_cast %add3A_727 : i32 to index
      %get3A_729 = tpu.vector_load %arg8[%get3A_728] {strides = array<i32>} : memref<8192xi32, #tpu.memory_space<vmem>>, vector<16xi32>,
      %add3A_730 = arith.addi %add3A_723, %get3A_729 : vector<16xi32>
      %mul3A_731 = arith.constant 16 : i32
      %mul3A_732 = arith.muli %scan3A_509, %mul3A_731 : i32
      %add3A_733 = arith.constant 7424 : i32
      %add3A_734 = arith.addi %add3A_733, %mul3A_732 : i32
      %get3A_735 = arith.index_cast %add3A_734 : i32 to index
      %get3A_736 = tpu.vector_load %arg8[%get3A_735] {strides = array<i32>} : memref<8192xi32, #tpu.memory_space<vmem>>, vector<16xi32>,
      %add3A_737 = arith.addi %add3A_730, %get3A_736 : vector<16xi32>
      %mul3A_738 = arith.constant 16 : i32
      %mul3A_739 = arith.muli %scan3A_509, %mul3A_738 : i32
      %add3A_740 = arith.constant 7680 : i32
      %add3A_741 = arith.addi %add3A_740, %mul3A_739 : i32
      %get3A_742 = arith.index_cast %add3A_741 : i32 to index
      %get3A_743 = tpu.vector_load %arg8[%get3A_742] {strides = array<i32>} : memref<8192xi32, #tpu.memory_space<vmem>>, vector<16xi32>,
      %add3A_744 = arith.addi %add3A_737, %get3A_743 : vector<16xi32>
      %mul3A_745 = arith.constant 16 : i32
      %mul3A_746 = arith.muli %scan3A_509, %mul3A_745 : i32
      %add3A_747 = arith.constant 7936 : i32
      %add3A_748 = arith.addi %add3A_747, %mul3A_746 : i32
      %get3A_749 = arith.index_cast %add3A_748 : i32 to index
      %get3A_750 = tpu.vector_load %arg8[%get3A_749] {strides = array<i32>} : memref<8192xi32, #tpu.memory_space<vmem>>, vector<16xi32>,
      %add3A_751 = arith.addi %add3A_744, %get3A_750 : vector<16xi32>
      %mul3A_752 = arith.constant 16 : i32
      %mul3A_753 = arith.muli %scan3A_509, %mul3A_752 : i32
      %swap3A_754 = arith.constant 1 : i32
      %swap3A_755 = arith.constant 0 : i32
      %swap3A_756 = tpu.memref_slice %arg9[%swap3A_754, %swap3A_755] : memref<2x256xi32, #tpu.memory_space<vmem>> -> memref<1x256xi32, #tpu.memory_space<vmem>>
      %swap3A_757 = tpu.memref_squeeze %swap3A_756 : memref<1x256xi32, #tpu.memory_space<vmem>> -> memref<256xi32, #tpu.memory_space<vmem>>
      %swap3A_758 = arith.index_cast %mul3A_753 : i32 to index
      %swap3A_759 = tpu.vector_load %swap3A_757[%swap3A_758] {strides = array<i32>} : memref<256xi32, #tpu.memory_space<vmem>>, vector<16xi32>,
      tpu.vector_store %swap3A_757[%swap3A_758], %add3A_751 {strides = array<i32>} : memref<256xi32, #tpu.memory_space<vmem>>, vector<16xi32>,
      %eq3A_760 = vector.broadcast %scan3A_509 : i32 to vector<16xi32>
      %eq3A_761 = arith.cmpi eq, %iota3A, %eq3A_760 : vector<16xi32>
      %reduce_sum3A_762 = arith.constant true
      %reduce_sum3A_763 = vector.broadcast %reduce_sum3A_762 : i1 to vector<16xi1>
      %reduce_sum3A_764 = tpu.scan <sum>, %add3A_751 masked %reduce_sum3A_763 : vector<16xi32>, vector<16xi1> -> vector<16xi32>
      %reduce_sum3A_765 = vector.extract %reduce_sum3A_764[15] : i32 from vector<16xi32>
      %broadcast_in_dim3A_766 = vector.broadcast %reduce_sum3A_765 : i32 to vector<16xi32>
      %select_n3A_767 = arith.select %eq3A_761, %broadcast_in_dim3A_766, %scan3A_511 : vector<16xi1>, vector<16xi32>
      scf.yield %select_n3A_639, %select_n3A_767 : vector<16xi32>, vector<16xi32>
    }
    %scan3A_69 = arith.constant 16 : i32
    %rev3A = arith.constant 15 : i32
    %rev3A_70 = vector.broadcast %rev3A : i32 to vector<16xi32>
    %rev3A_71 = tpu.iota {dimensions = array<i32: 0>} : vector<16xi32>
    %rev3A_72 = arith.subi %rev3A_70, %rev3A_71 : vector<16xi32>
    %rev3A_73 = tpu.dynamic_gather %scan3A_68#0[%rev3A_72] in [0] : vector<16xi32>, vector<16xi32> -> vector<16xi32>
    %broadcast_in_dim3A_74 = arith.constant true
    %broadcast_in_dim3A_75 = vector.broadcast %broadcast_in_dim3A_74 : i1 to vector<16xi1>
    %masked_cumsum3A = tpu.scan <sum>, %rev3A_73 masked %broadcast_in_dim3A_75 : vector<16xi32>, vector<16xi1> -> vector<16xi32>
    %ge3A = arith.constant 64 : i32
    %ge3A_76 = vector.broadcast %ge3A : i32 to vector<16xi32>
    %ge3A_77 = arith.cmpi sge, %masked_cumsum3A, %ge3A_76 : vector<16xi32>
    %all_reduce_ffs3A = tpu.all_reduce %ge3A_77 {dim = 0 : i64, kind = #tpu.reduction_kind<find_first_set>} : vector<16xi1> -> vector<16xi32>
    %reduce_max3A = arith.constant true
    %reduce_max3A_78 = vector.broadcast %reduce_max3A : i1 to vector<16xi1>
    %reduce_max3A_79 = arith.constant -2147483648 : i32
    %reduce_max3A_80 = vector.broadcast %reduce_max3A_79 : i32 to vector<16xi32>
    %reduce_max3A_81 = arith.xori %all_reduce_ffs3A, %reduce_max3A_80 : vector<16xi32>
    %reduce_max3A_82 = tpu.scan <max>, %reduce_max3A_81 masked %reduce_max3A_78 : vector<16xi32>, vector<16xi1> -> vector<16xi32>
    %reduce_max3A_83 = arith.xori %reduce_max3A_82, %reduce_max3A_80 : vector<16xi32>
    %reduce_max3A_84 = vector.extract %reduce_max3A_83[15] : i32 from vector<16xi32>
    %eq3A = vector.broadcast %reduce_max3A_84 : i32 to vector<16xi32>
    %eq3A_85 = arith.cmpi eq, %iota3A, %eq3A : vector<16xi32>
    %select_n3A = arith.select %eq3A_85, %masked_cumsum3A, %broadcast_in_dim3A_3 : vector<16xi1>, vector<16xi32>
    %reduce_max3A_86 = arith.constant true
    %reduce_max3A_87 = vector.broadcast %reduce_max3A_86 : i1 to vector<16xi1>
    %reduce_max3A_88 = arith.constant -2147483648 : i32
    %reduce_max3A_89 = vector.broadcast %reduce_max3A_88 : i32 to vector<16xi32>
    %reduce_max3A_90 = arith.xori %select_n3A, %reduce_max3A_89 : vector<16xi32>
    %reduce_max3A_91 = tpu.scan <max>, %reduce_max3A_90 masked %reduce_max3A_87 : vector<16xi32>, vector<16xi1> -> vector<16xi32>
    %reduce_max3A_92 = arith.xori %reduce_max3A_91, %reduce_max3A_89 : vector<16xi32>
    %reduce_max3A_93 = vector.extract %reduce_max3A_92[15] : i32 from vector<16xi32>
    %rev3A_94 = arith.constant 15 : i32
    %rev3A_95 = vector.broadcast %rev3A_94 : i32 to vector<16xi32>
    %rev3A_96 = tpu.iota {dimensions = array<i32: 0>} : vector<16xi32>
    %rev3A_97 = arith.subi %rev3A_95, %rev3A_96 : vector<16xi32>
    %rev3A_98 = tpu.dynamic_gather %scan3A_68#0[%rev3A_97] in [0] : vector<16xi32>, vector<16xi32> -> vector<16xi32>
    %select_n3A_99 = arith.select %eq3A_85, %rev3A_98, %broadcast_in_dim3A_3 : vector<16xi1>, vector<16xi32>
    %reduce_max3A_100 = arith.constant true
    %reduce_max3A_101 = vector.broadcast %reduce_max3A_100 : i1 to vector<16xi1>
    %reduce_max3A_102 = arith.constant -2147483648 : i32
    %reduce_max3A_103 = vector.broadcast %reduce_max3A_102 : i32 to vector<16xi32>
    %reduce_max3A_104 = arith.xori %select_n3A_99, %reduce_max3A_103 : vector<16xi32>
    %reduce_max3A_105 = tpu.scan <max>, %reduce_max3A_104 masked %reduce_max3A_101 : vector<16xi32>, vector<16xi1> -> vector<16xi32>
    %reduce_max3A_106 = arith.xori %reduce_max3A_105, %reduce_max3A_103 : vector<16xi32>
    %reduce_max3A_107 = vector.extract %reduce_max3A_106[15] : i32 from vector<16xi32>
    %sub3A = arith.subi %reduce_max3A_93, %reduce_max3A_107 : i32
    %sub3A_108 = arith.constant 15 : i32
    %sub3A_109 = arith.subi %sub3A_108, %reduce_max3A_84 : i32
    %mul3A_110 = arith.constant 16 : i32
    %mul3A_111 = arith.muli %sub3A_109, %mul3A_110 : i32
    %get3A = arith.constant 0 : i32
    %get3A_112 = arith.constant 0 : i32
    %get3A_113 = tpu.memref_slice %arg9[%get3A, %get3A_112] : memref<2x256xi32, #tpu.memory_space<vmem>> -> memref<1x256xi32, #tpu.memory_space<vmem>>
    %get3A_114 = tpu.memref_squeeze %get3A_113 : memref<1x256xi32, #tpu.memory_space<vmem>> -> memref<256xi32, #tpu.memory_space<vmem>>
    %get3A_115 = arith.index_cast %mul3A_111 : i32 to index
    %get3A_116 = tpu.vector_load %get3A_114[%get3A_115] {strides = array<i32>} : memref<256xi32, #tpu.memory_space<vmem>>, vector<16xi32>,
    %rev3A_117 = arith.constant 15 : i32
    %rev3A_118 = vector.broadcast %rev3A_117 : i32 to vector<16xi32>
    %rev3A_119 = tpu.iota {dimensions = array<i32: 0>} : vector<16xi32>
    %rev3A_120 = arith.subi %rev3A_118, %rev3A_119 : vector<16xi32>
    %rev3A_121 = tpu.dynamic_gather %get3A_116[%rev3A_120] in [0] : vector<16xi32>, vector<16xi32> -> vector<16xi32>
    %broadcast_in_dim3A_122 = arith.constant true
    %broadcast_in_dim3A_123 = vector.broadcast %broadcast_in_dim3A_122 : i1 to vector<16xi1>
    %masked_cumsum3A_124 = tpu.scan <sum>, %rev3A_121 masked %broadcast_in_dim3A_123 : vector<16xi32>, vector<16xi1> -> vector<16xi32>
    %add3A_125 = vector.broadcast %sub3A : i32 to vector<16xi32>
    %add3A_126 = arith.addi %masked_cumsum3A_124, %add3A_125 : vector<16xi32>
    %ge3A_127 = arith.constant 64 : i32
    %ge3A_128 = vector.broadcast %ge3A_127 : i32 to vector<16xi32>
    %ge3A_129 = arith.cmpi sge, %add3A_126, %ge3A_128 : vector<16xi32>
    %all_reduce_ffs3A_130 = tpu.all_reduce %ge3A_129 {dim = 0 : i64, kind = #tpu.reduction_kind<find_first_set>} : vector<16xi1> -> vector<16xi32>
    %reduce_max3A_131 = arith.constant true
    %reduce_max3A_132 = vector.broadcast %reduce_max3A_131 : i1 to vector<16xi1>
    %reduce_max3A_133 = arith.constant -2147483648 : i32
    %reduce_max3A_134 = vector.broadcast %reduce_max3A_133 : i32 to vector<16xi32>
    %reduce_max3A_135 = arith.xori %all_reduce_ffs3A_130, %reduce_max3A_134 : vector<16xi32>
    %reduce_max3A_136 = tpu.scan <max>, %reduce_max3A_135 masked %reduce_max3A_132 : vector<16xi32>, vector<16xi1> -> vector<16xi32>
    %reduce_max3A_137 = arith.xori %reduce_max3A_136, %reduce_max3A_134 : vector<16xi32>
    %reduce_max3A_138 = vector.extract %reduce_max3A_137[15] : i32 from vector<16xi32>
    %eq3A_139 = vector.broadcast %reduce_max3A_138 : i32 to vector<16xi32>
    %eq3A_140 = arith.cmpi eq, %iota3A, %eq3A_139 : vector<16xi32>
    %shift_left3A = arith.constant 4 : i32
    %shift_left3A_141 = arith.shli %sub3A_109, %shift_left3A : i32
    %add3A_142 = arith.constant 15 : i32
    %add3A_143 = arith.addi %shift_left3A_141, %add3A_142 : i32
    %sub3A_144 = arith.subi %add3A_143, %reduce_max3A_138 : i32
    %select_n3A_145 = arith.select %eq3A_140, %add3A_126, %broadcast_in_dim3A_3 : vector<16xi1>, vector<16xi32>
    %reduce_max3A_146 = arith.constant true
    %reduce_max3A_147 = vector.broadcast %reduce_max3A_146 : i1 to vector<16xi1>
    %reduce_max3A_148 = arith.constant -2147483648 : i32
    %reduce_max3A_149 = vector.broadcast %reduce_max3A_148 : i32 to vector<16xi32>
    %reduce_max3A_150 = arith.xori %select_n3A_145, %reduce_max3A_149 : vector<16xi32>
    %reduce_max3A_151 = tpu.scan <max>, %reduce_max3A_150 masked %reduce_max3A_147 : vector<16xi32>, vector<16xi1> -> vector<16xi32>
    %reduce_max3A_152 = arith.xori %reduce_max3A_151, %reduce_max3A_149 : vector<16xi32>
    %reduce_max3A_153 = vector.extract %reduce_max3A_152[15] : i32 from vector<16xi32>
    %select_n3A_154 = arith.select %eq3A_140, %rev3A_121, %broadcast_in_dim3A_3 : vector<16xi1>, vector<16xi32>
    %reduce_max3A_155 = arith.constant true
    %reduce_max3A_156 = vector.broadcast %reduce_max3A_155 : i1 to vector<16xi1>
    %reduce_max3A_157 = arith.constant -2147483648 : i32
    %reduce_max3A_158 = vector.broadcast %reduce_max3A_157 : i32 to vector<16xi32>
    %reduce_max3A_159 = arith.xori %select_n3A_154, %reduce_max3A_158 : vector<16xi32>
    %reduce_max3A_160 = tpu.scan <max>, %reduce_max3A_159 masked %reduce_max3A_156 : vector<16xi32>, vector<16xi1> -> vector<16xi32>
    %reduce_max3A_161 = arith.xori %reduce_max3A_160, %reduce_max3A_158 : vector<16xi32>
    %reduce_max3A_162 = vector.extract %reduce_max3A_161[15] : i32 from vector<16xi32>
    %sub3A_163 = arith.subi %reduce_max3A_153, %reduce_max3A_162 : i32
    %rev3A_164 = arith.constant 15 : i32
    %rev3A_165 = vector.broadcast %rev3A_164 : i32 to vector<16xi32>
    %rev3A_166 = tpu.iota {dimensions = array<i32: 0>} : vector<16xi32>
    %rev3A_167 = arith.subi %rev3A_165, %rev3A_166 : vector<16xi32>
    %rev3A_168 = tpu.dynamic_gather %scan3A_68#1[%rev3A_167] in [0] : vector<16xi32>, vector<16xi32> -> vector<16xi32>
    %broadcast_in_dim3A_169 = arith.constant true
    %broadcast_in_dim3A_170 = vector.broadcast %broadcast_in_dim3A_169 : i1 to vector<16xi1>
    %masked_cumsum3A_171 = tpu.scan <sum>, %rev3A_168 masked %broadcast_in_dim3A_170 : vector<16xi32>, vector<16xi1> -> vector<16xi32>
    %ge3A_172 = arith.constant 64 : i32
    %ge3A_173 = vector.broadcast %ge3A_172 : i32 to vector<16xi32>
    %ge3A_174 = arith.cmpi sge, %masked_cumsum3A_171, %ge3A_173 : vector<16xi32>
    %all_reduce_ffs3A_175 = tpu.all_reduce %ge3A_174 {dim = 0 : i64, kind = #tpu.reduction_kind<find_first_set>} : vector<16xi1> -> vector<16xi32>
    %reduce_max3A_176 = arith.constant true
    %reduce_max3A_177 = vector.broadcast %reduce_max3A_176 : i1 to vector<16xi1>
    %reduce_max3A_178 = arith.constant -2147483648 : i32
    %reduce_max3A_179 = vector.broadcast %reduce_max3A_178 : i32 to vector<16xi32>
    %reduce_max3A_180 = arith.xori %all_reduce_ffs3A_175, %reduce_max3A_179 : vector<16xi32>
    %reduce_max3A_181 = tpu.scan <max>, %reduce_max3A_180 masked %reduce_max3A_177 : vector<16xi32>, vector<16xi1> -> vector<16xi32>
    %reduce_max3A_182 = arith.xori %reduce_max3A_181, %reduce_max3A_179 : vector<16xi32>
    %reduce_max3A_183 = vector.extract %reduce_max3A_182[15] : i32 from vector<16xi32>
    %eq3A_184 = vector.broadcast %reduce_max3A_183 : i32 to vector<16xi32>
    %eq3A_185 = arith.cmpi eq, %iota3A, %eq3A_184 : vector<16xi32>
    %select_n3A_186 = arith.select %eq3A_185, %masked_cumsum3A_171, %broadcast_in_dim3A_3 : vector<16xi1>, vector<16xi32>
    %reduce_max3A_187 = arith.constant true
    %reduce_max3A_188 = vector.broadcast %reduce_max3A_187 : i1 to vector<16xi1>
    %reduce_max3A_189 = arith.constant -2147483648 : i32
    %reduce_max3A_190 = vector.broadcast %reduce_max3A_189 : i32 to vector<16xi32>
    %reduce_max3A_191 = arith.xori %select_n3A_186, %reduce_max3A_190 : vector<16xi32>
    %reduce_max3A_192 = tpu.scan <max>, %reduce_max3A_191 masked %reduce_max3A_188 : vector<16xi32>, vector<16xi1> -> vector<16xi32>
    %reduce_max3A_193 = arith.xori %reduce_max3A_192, %reduce_max3A_190 : vector<16xi32>
    %reduce_max3A_194 = vector.extract %reduce_max3A_193[15] : i32 from vector<16xi32>
    %rev3A_195 = arith.constant 15 : i32
    %rev3A_196 = vector.broadcast %rev3A_195 : i32 to vector<16xi32>
    %rev3A_197 = tpu.iota {dimensions = array<i32: 0>} : vector<16xi32>
    %rev3A_198 = arith.subi %rev3A_196, %rev3A_197 : vector<16xi32>
    %rev3A_199 = tpu.dynamic_gather %scan3A_68#1[%rev3A_198] in [0] : vector<16xi32>, vector<16xi32> -> vector<16xi32>
    %select_n3A_200 = arith.select %eq3A_185, %rev3A_199, %broadcast_in_dim3A_3 : vector<16xi1>, vector<16xi32>
    %reduce_max3A_201 = arith.constant true
    %reduce_max3A_202 = vector.broadcast %reduce_max3A_201 : i1 to vector<16xi1>
    %reduce_max3A_203 = arith.constant -2147483648 : i32
    %reduce_max3A_204 = vector.broadcast %reduce_max3A_203 : i32 to vector<16xi32>
    %reduce_max3A_205 = arith.xori %select_n3A_200, %reduce_max3A_204 : vector<16xi32>
    %reduce_max3A_206 = tpu.scan <max>, %reduce_max3A_205 masked %reduce_max3A_202 : vector<16xi32>, vector<16xi1> -> vector<16xi32>
    %reduce_max3A_207 = arith.xori %reduce_max3A_206, %reduce_max3A_204 : vector<16xi32>
    %reduce_max3A_208 = vector.extract %reduce_max3A_207[15] : i32 from vector<16xi32>
    %sub3A_209 = arith.subi %reduce_max3A_194, %reduce_max3A_208 : i32
    %sub3A_210 = arith.constant 15 : i32
    %sub3A_211 = arith.subi %sub3A_210, %reduce_max3A_183 : i32
    %mul3A_212 = arith.constant 16 : i32
    %mul3A_213 = arith.muli %sub3A_211, %mul3A_212 : i32
    %get3A_214 = arith.constant 1 : i32
    %get3A_215 = arith.constant 0 : i32
    %get3A_216 = tpu.memref_slice %arg9[%get3A_214, %get3A_215] : memref<2x256xi32, #tpu.memory_space<vmem>> -> memref<1x256xi32, #tpu.memory_space<vmem>>
    %get3A_217 = tpu.memref_squeeze %get3A_216 : memref<1x256xi32, #tpu.memory_space<vmem>> -> memref<256xi32, #tpu.memory_space<vmem>>
    %get3A_218 = arith.index_cast %mul3A_213 : i32 to index
    %get3A_219 = tpu.vector_load %get3A_217[%get3A_218] {strides = array<i32>} : memref<256xi32, #tpu.memory_space<vmem>>, vector<16xi32>,
    %rev3A_220 = arith.constant 15 : i32
    %rev3A_221 = vector.broadcast %rev3A_220 : i32 to vector<16xi32>
    %rev3A_222 = tpu.iota {dimensions = array<i32: 0>} : vector<16xi32>
    %rev3A_223 = arith.subi %rev3A_221, %rev3A_222 : vector<16xi32>
    %rev3A_224 = tpu.dynamic_gather %get3A_219[%rev3A_223] in [0] : vector<16xi32>, vector<16xi32> -> vector<16xi32>
    %broadcast_in_dim3A_225 = arith.constant true
    %broadcast_in_dim3A_226 = vector.broadcast %broadcast_in_dim3A_225 : i1 to vector<16xi1>
    %masked_cumsum3A_227 = tpu.scan <sum>, %rev3A_224 masked %broadcast_in_dim3A_226 : vector<16xi32>, vector<16xi1> -> vector<16xi32>
    %add3A_228 = vector.broadcast %sub3A_209 : i32 to vector<16xi32>
    %add3A_229 = arith.addi %masked_cumsum3A_227, %add3A_228 : vector<16xi32>
    %ge3A_230 = arith.constant 64 : i32
    %ge3A_231 = vector.broadcast %ge3A_230 : i32 to vector<16xi32>
    %ge3A_232 = arith.cmpi sge, %add3A_229, %ge3A_231 : vector<16xi32>
    %all_reduce_ffs3A_233 = tpu.all_reduce %ge3A_232 {dim = 0 : i64, kind = #tpu.reduction_kind<find_first_set>} : vector<16xi1> -> vector<16xi32>
    %reduce_max3A_234 = arith.constant true
    %reduce_max3A_235 = vector.broadcast %reduce_max3A_234 : i1 to vector<16xi1>
    %reduce_max3A_236 = arith.constant -2147483648 : i32
    %reduce_max3A_237 = vector.broadcast %reduce_max3A_236 : i32 to vector<16xi32>
    %reduce_max3A_238 = arith.xori %all_reduce_ffs3A_233, %reduce_max3A_237 : vector<16xi32>
    %reduce_max3A_239 = tpu.scan <max>, %reduce_max3A_238 masked %reduce_max3A_235 : vector<16xi32>, vector<16xi1> -> vector<16xi32>
    %reduce_max3A_240 = arith.xori %reduce_max3A_239, %reduce_max3A_237 : vector<16xi32>
    %reduce_max3A_241 = vector.extract %reduce_max3A_240[15] : i32 from vector<16xi32>
    %eq3A_242 = vector.broadcast %reduce_max3A_241 : i32 to vector<16xi32>
    %eq3A_243 = arith.cmpi eq, %iota3A, %eq3A_242 : vector<16xi32>
    %shift_left3A_244 = arith.constant 4 : i32
    %shift_left3A_245 = arith.shli %sub3A_211, %shift_left3A_244 : i32
    %add3A_246 = arith.constant 15 : i32
    %add3A_247 = arith.addi %shift_left3A_245, %add3A_246 : i32
    %sub3A_248 = arith.subi %add3A_247, %reduce_max3A_241 : i32
    %select_n3A_249 = arith.select %eq3A_243, %add3A_229, %broadcast_in_dim3A_3 : vector<16xi1>, vector<16xi32>
    %reduce_max3A_250 = arith.constant true
    %reduce_max3A_251 = vector.broadcast %reduce_max3A_250 : i1 to vector<16xi1>
    %reduce_max3A_252 = arith.constant -2147483648 : i32
    %reduce_max3A_253 = vector.broadcast %reduce_max3A_252 : i32 to vector<16xi32>
    %reduce_max3A_254 = arith.xori %select_n3A_249, %reduce_max3A_253 : vector<16xi32>
    %reduce_max3A_255 = tpu.scan <max>, %reduce_max3A_254 masked %reduce_max3A_251 : vector<16xi32>, vector<16xi1> -> vector<16xi32>
    %reduce_max3A_256 = arith.xori %reduce_max3A_255, %reduce_max3A_253 : vector<16xi32>
    %reduce_max3A_257 = vector.extract %reduce_max3A_256[15] : i32 from vector<16xi32>
    %select_n3A_258 = arith.select %eq3A_243, %rev3A_224, %broadcast_in_dim3A_3 : vector<16xi1>, vector<16xi32>
    %reduce_max3A_259 = arith.constant true
    %reduce_max3A_260 = vector.broadcast %reduce_max3A_259 : i1 to vector<16xi1>
    %reduce_max3A_261 = arith.constant -2147483648 : i32
    %reduce_max3A_262 = vector.broadcast %reduce_max3A_261 : i32 to vector<16xi32>
    %reduce_max3A_263 = arith.xori %select_n3A_258, %reduce_max3A_262 : vector<16xi32>
    %reduce_max3A_264 = tpu.scan <max>, %reduce_max3A_263 masked %reduce_max3A_260 : vector<16xi32>, vector<16xi1> -> vector<16xi32>
    %reduce_max3A_265 = arith.xori %reduce_max3A_264, %reduce_max3A_262 : vector<16xi32>
    %reduce_max3A_266 = vector.extract %reduce_max3A_265[15] : i32 from vector<16xi32>
    %sub3A_267 = arith.subi %reduce_max3A_257, %reduce_max3A_266 : i32
    %sub3A_268 = arith.constant 128 : i32
    %sub3A_269 = arith.subi %sub3A_144, %sub3A_268 : i32
    %sub3A_270 = arith.constant 128 : i32
    %sub3A_271 = arith.subi %sub3A_248, %sub3A_270 : i32
    %parallel_loop3A_272 = arith.constant 0 : i32
    %parallel_loop3A_273 = arith.constant 512 : i32
    %parallel_loop3A_274 = arith.constant 1 : i32
    %parallel_loop3A_275:2 = scf.for %parallel_loop3A_509 = %parallel_loop3A_272 to %parallel_loop3A_273 step %parallel_loop3A_274 iter_args(%parallel_loop3A_510 = %broadcast_in_dim3A_3, %parallel_loop3A_511 = %broadcast_in_dim3A_3) -> (vector<16xi32>, vector<16xi32>)  : i32 {
      %parallel_loop3A_512 = arith.constant 4 : i32
      %parallel_loop3A_513 = arith.shli %parallel_loop3A_509, %parallel_loop3A_512 : i32
      %parallel_loop3A_514 = vector.broadcast %parallel_loop3A_513 : i32 to vector<16xi32>
      %parallel_loop3A_515 = arith.addi %parallel_loop3A_514, %iota3A : vector<16xi32>
      %parallel_loop3A_516 = arith.constant 16 : i32
      %parallel_loop3A_517 = arith.muli %parallel_loop3A_509, %parallel_loop3A_516 : i32
      %parallel_loop3A_518 = arith.constant 0 : i32
      %parallel_loop3A_519 = arith.constant 0 : i32
      %parallel_loop3A_520 = tpu.memref_slice %arg7[%parallel_loop3A_518, %parallel_loop3A_519] : memref<2x8192xi32, #tpu.memory_space<vmem>> -> memref<1x8192xi32, #tpu.memory_space<vmem>>
      %parallel_loop3A_521 = tpu.memref_squeeze %parallel_loop3A_520 : memref<1x8192xi32, #tpu.memory_space<vmem>> -> memref<8192xi32, #tpu.memory_space<vmem>>
      %parallel_loop3A_522 = arith.index_cast %parallel_loop3A_517 : i32 to index
      %parallel_loop3A_523 = tpu.vector_load %parallel_loop3A_521[%parallel_loop3A_522] {strides = array<i32>} : memref<8192xi32, #tpu.memory_space<vmem>>, vector<16xi32>,
      %parallel_loop3A_524 = arith.constant 24 : i32
      %parallel_loop3A_525 = vector.broadcast %parallel_loop3A_524 : i32 to vector<16xi32>
      %parallel_loop3A_526 = arith.shrsi %parallel_loop3A_523, %parallel_loop3A_525 : vector<16xi32>
      %parallel_loop3A_527 = vector.broadcast %sub3A_269 : i32 to vector<16xi32>
      %parallel_loop3A_528 = arith.cmpi eq, %parallel_loop3A_526, %parallel_loop3A_527 : vector<16xi32>
      %parallel_loop3A_529 = arith.select %parallel_loop3A_528, %broadcast_in_dim3A_1, %broadcast_in_dim3A_3 : vector<16xi1>, vector<16xi32>
      %parallel_loop3A_530 = arith.constant true
      %parallel_loop3A_531 = vector.broadcast %parallel_loop3A_530 : i1 to vector<16xi1>
      %parallel_loop3A_532 = tpu.scan <sum>, %parallel_loop3A_529 masked %parallel_loop3A_531 : vector<16xi32>, vector<16xi1> -> vector<16xi32>
      %parallel_loop3A_533 = arith.addi %parallel_loop3A_510, %parallel_loop3A_532 : vector<16xi32>
      %parallel_loop3A_534 = arith.subi %parallel_loop3A_533, %parallel_loop3A_529 : vector<16xi32>
      %parallel_loop3A_535 = arith.constant 0 : i32
      %parallel_loop3A_536 = arith.constant 0 : i32
      %parallel_loop3A_537 = tpu.memref_slice %arg10[%parallel_loop3A_535, %parallel_loop3A_536] : memref<2x8208xi32, #tpu.memory_space<vmem>> -> memref<1x8208xi32, #tpu.memory_space<vmem>>
      %parallel_loop3A_538 = tpu.memref_squeeze %parallel_loop3A_537 : memref<1x8208xi32, #tpu.memory_space<vmem>> -> memref<8208xi32, #tpu.memory_space<vmem>>
      tpu.vector_store_idx %parallel_loop3A_538[%parallel_loop3A_534], %parallel_loop3A_523 masked %parallel_loop3A_528 : memref<8208xi32, #tpu.memory_space<vmem>>[vector<16xi32>], vector<16xi32>, vector<16xi1>
      %parallel_loop3A_539 = arith.constant 0 : i32
      %parallel_loop3A_540 = arith.constant 0 : i32
      %parallel_loop3A_541 = tpu.memref_slice %arg11[%parallel_loop3A_539, %parallel_loop3A_540] : memref<2x8208xi32, #tpu.memory_space<vmem>> -> memref<1x8208xi32, #tpu.memory_space<vmem>>
      %parallel_loop3A_542 = tpu.memref_squeeze %parallel_loop3A_541 : memref<1x8208xi32, #tpu.memory_space<vmem>> -> memref<8208xi32, #tpu.memory_space<vmem>>
      tpu.vector_store_idx %parallel_loop3A_542[%parallel_loop3A_534], %parallel_loop3A_515 masked %parallel_loop3A_528 : memref<8208xi32, #tpu.memory_space<vmem>>[vector<16xi32>], vector<16xi32>, vector<16xi1>
      %parallel_loop3A_543 = tpu.all_reduce %parallel_loop3A_528 {dim = 0 : i64, kind = #tpu.reduction_kind<sum>} : vector<16xi1> -> vector<16xi32>
      %parallel_loop3A_544 = arith.addi %parallel_loop3A_510, %parallel_loop3A_543 : vector<16xi32>
      %parallel_loop3A_545 = arith.constant 16 : i32
      %parallel_loop3A_546 = arith.muli %parallel_loop3A_509, %parallel_loop3A_545 : i32
      %parallel_loop3A_547 = arith.constant 1 : i32
      %parallel_loop3A_548 = arith.constant 0 : i32
      %parallel_loop3A_549 = tpu.memref_slice %arg7[%parallel_loop3A_547, %parallel_loop3A_548] : memref<2x8192xi32, #tpu.memory_space<vmem>> -> memref<1x8192xi32, #tpu.memory_space<vmem>>
      %parallel_loop3A_550 = tpu.memref_squeeze %parallel_loop3A_549 : memref<1x8192xi32, #tpu.memory_space<vmem>> -> memref<8192xi32, #tpu.memory_space<vmem>>
      %parallel_loop3A_551 = arith.index_cast %parallel_loop3A_546 : i32 to index
      %parallel_loop3A_552 = tpu.vector_load %parallel_loop3A_550[%parallel_loop3A_551] {strides = array<i32>} : memref<8192xi32, #tpu.memory_space<vmem>>, vector<16xi32>,
      %parallel_loop3A_553 = arith.constant 24 : i32
      %parallel_loop3A_554 = vector.broadcast %parallel_loop3A_553 : i32 to vector<16xi32>
      %parallel_loop3A_555 = arith.shrsi %parallel_loop3A_552, %parallel_loop3A_554 : vector<16xi32>
      %parallel_loop3A_556 = vector.broadcast %sub3A_271 : i32 to vector<16xi32>
      %parallel_loop3A_557 = arith.cmpi eq, %parallel_loop3A_555, %parallel_loop3A_556 : vector<16xi32>
      %parallel_loop3A_558 = arith.select %parallel_loop3A_557, %broadcast_in_dim3A_1, %broadcast_in_dim3A_3 : vector<16xi1>, vector<16xi32>
      %parallel_loop3A_559 = arith.constant true
      %parallel_loop3A_560 = vector.broadcast %parallel_loop3A_559 : i1 to vector<16xi1>
      %parallel_loop3A_561 = tpu.scan <sum>, %parallel_loop3A_558 masked %parallel_loop3A_560 : vector<16xi32>, vector<16xi1> -> vector<16xi32>
      %parallel_loop3A_562 = arith.addi %parallel_loop3A_511, %parallel_loop3A_561 : vector<16xi32>
      %parallel_loop3A_563 = arith.subi %parallel_loop3A_562, %parallel_loop3A_558 : vector<16xi32>
      %parallel_loop3A_564 = arith.constant 1 : i32
      %parallel_loop3A_565 = arith.constant 0 : i32
      %parallel_loop3A_566 = tpu.memref_slice %arg10[%parallel_loop3A_564, %parallel_loop3A_565] : memref<2x8208xi32, #tpu.memory_space<vmem>> -> memref<1x8208xi32, #tpu.memory_space<vmem>>
      %parallel_loop3A_567 = tpu.memref_squeeze %parallel_loop3A_566 : memref<1x8208xi32, #tpu.memory_space<vmem>> -> memref<8208xi32, #tpu.memory_space<vmem>>
      tpu.vector_store_idx %parallel_loop3A_567[%parallel_loop3A_563], %parallel_loop3A_552 masked %parallel_loop3A_557 : memref<8208xi32, #tpu.memory_space<vmem>>[vector<16xi32>], vector<16xi32>, vector<16xi1>
      %parallel_loop3A_568 = arith.constant 1 : i32
      %parallel_loop3A_569 = arith.constant 0 : i32
      %parallel_loop3A_570 = tpu.memref_slice %arg11[%parallel_loop3A_568, %parallel_loop3A_569] : memref<2x8208xi32, #tpu.memory_space<vmem>> -> memref<1x8208xi32, #tpu.memory_space<vmem>>
      %parallel_loop3A_571 = tpu.memref_squeeze %parallel_loop3A_570 : memref<1x8208xi32, #tpu.memory_space<vmem>> -> memref<8208xi32, #tpu.memory_space<vmem>>
      tpu.vector_store_idx %parallel_loop3A_571[%parallel_loop3A_563], %parallel_loop3A_515 masked %parallel_loop3A_557 : memref<8208xi32, #tpu.memory_space<vmem>>[vector<16xi32>], vector<16xi32>, vector<16xi1>
      %parallel_loop3A_572 = tpu.all_reduce %parallel_loop3A_557 {dim = 0 : i64, kind = #tpu.reduction_kind<sum>} : vector<16xi1> -> vector<16xi32>
      %parallel_loop3A_573 = arith.addi %parallel_loop3A_511, %parallel_loop3A_572 : vector<16xi32>
      scf.yield %parallel_loop3A_544, %parallel_loop3A_573 : vector<16xi32>, vector<16xi32>
    } {sc.loop_unroll_factor = 4 : i64, sc.parallel_access}
    %reduce_max3A_276 = arith.constant true
    %reduce_max3A_277 = vector.broadcast %reduce_max3A_276 : i1 to vector<16xi1>
    %reduce_max3A_278 = arith.constant -2147483648 : i32
    %reduce_max3A_279 = vector.broadcast %reduce_max3A_278 : i32 to vector<16xi32>
    %reduce_max3A_280 = arith.xori %parallel_loop3A_275#0, %reduce_max3A_279 : vector<16xi32>
    %reduce_max3A_281 = tpu.scan <max>, %reduce_max3A_280 masked %reduce_max3A_277 : vector<16xi32>, vector<16xi1> -> vector<16xi32>
    %reduce_max3A_282 = arith.xori %reduce_max3A_281, %reduce_max3A_279 : vector<16xi32>
    %reduce_max3A_283 = vector.extract %reduce_max3A_282[15] : i32 from vector<16xi32>
    %reduce_max3A_284 = arith.constant true
    %reduce_max3A_285 = vector.broadcast %reduce_max3A_284 : i1 to vector<16xi1>
    %reduce_max3A_286 = arith.constant -2147483648 : i32
    %reduce_max3A_287 = vector.broadcast %reduce_max3A_286 : i32 to vector<16xi32>
    %reduce_max3A_288 = arith.xori %parallel_loop3A_275#1, %reduce_max3A_287 : vector<16xi32>
    %reduce_max3A_289 = tpu.scan <max>, %reduce_max3A_288 masked %reduce_max3A_285 : vector<16xi32>, vector<16xi1> -> vector<16xi32>
    %reduce_max3A_290 = arith.xori %reduce_max3A_289, %reduce_max3A_287 : vector<16xi32>
    %reduce_max3A_291 = vector.extract %reduce_max3A_290[15] : i32 from vector<16xi32>
    %add3A_292 = arith.constant 16 : i32
    %add3A_293 = arith.addi %reduce_max3A_283, %add3A_292 : i32
    %sub3A_294 = arith.constant 1 : i32
    %sub3A_295 = arith.subi %add3A_293, %sub3A_294 : i32
    %shift_right_arithmetic3A = arith.constant 4 : i32
    %shift_right_arithmetic3A_296 = arith.shrsi %sub3A_295, %shift_right_arithmetic3A : i32
    %add3A_297 = arith.constant 16 : i32
    %add3A_298 = arith.addi %reduce_max3A_291, %add3A_297 : i32
    %sub3A_299 = arith.constant 1 : i32
    %sub3A_300 = arith.subi %add3A_298, %sub3A_299 : i32
    %shift_right_arithmetic3A_301 = arith.constant 4 : i32
    %shift_right_arithmetic3A_302 = arith.shrsi %sub3A_300, %shift_right_arithmetic3A_301 : i32
    %max3A = arith.maxsi %shift_right_arithmetic3A_296, %shift_right_arithmetic3A_302 : i32
    %sub3A_303 = arith.constant 128 : i32
    %sub3A_304 = arith.subi %sub3A_144, %sub3A_303 : i32
    %shift_left3A_305 = arith.constant 24 : i32
    %shift_left3A_306 = arith.shli %sub3A_304, %shift_left3A_305 : i32
    %sub3A_307 = arith.constant 128 : i32
    %sub3A_308 = arith.subi %sub3A_248, %sub3A_307 : i32
    %shift_left3A_309 = arith.constant 24 : i32
    %shift_left3A_310 = arith.shli %sub3A_308, %shift_left3A_309 : i32
    %scan3A_311 = arith.constant 0 : i32
    %scan3A_312 = arith.constant 24 : i32
    %scan3A_313 = arith.addi %scan3A_311, %scan3A_312 : i32
    %scan3A_314 = arith.constant 1 : i32
    %scan3A_315:2 = scf.for %scan3A_509 = %scan3A_311 to %scan3A_313 step %scan3A_314 iter_args(%scan3A_510 = %shift_left3A_306, %scan3A_511 = %shift_left3A_310) -> (i32, i32)  : i32 {
      %sub3A_512 = arith.constant 23 : i32
      %sub3A_513 = arith.subi %sub3A_512, %scan3A_509 : i32
      %shift_left3A_514 = arith.constant 1 : i32
      %shift_left3A_515 = arith.shli %shift_left3A_514, %sub3A_513 : i32
      %or3A = arith.ori %scan3A_510, %shift_left3A_515 : i32
      %sub3A_516 = arith.constant 23 : i32
      %sub3A_517 = arith.subi %sub3A_516, %scan3A_509 : i32
      %shift_left3A_518 = arith.constant 1 : i32
      %shift_left3A_519 = arith.shli %shift_left3A_518, %sub3A_517 : i32
      %or3A_520 = arith.ori %scan3A_511, %shift_left3A_519 : i32
      %parallel_loop3A_521 = arith.constant 0 : i32
      %parallel_loop3A_522 = arith.constant 1 : i32
      %parallel_loop3A_523:2 = scf.for %parallel_loop3A_548 = %parallel_loop3A_521 to %max3A step %parallel_loop3A_522 iter_args(%parallel_loop3A_549 = %broadcast_in_dim3A_3, %parallel_loop3A_550 = %broadcast_in_dim3A_3) -> (vector<16xi32>, vector<16xi32>)  : i32 {
        %parallel_loop3A_551 = arith.constant 4 : i32
        %parallel_loop3A_552 = arith.shli %parallel_loop3A_548, %parallel_loop3A_551 : i32
        %parallel_loop3A_553 = vector.broadcast %parallel_loop3A_552 : i32 to vector<16xi32>
        %parallel_loop3A_554 = arith.addi %parallel_loop3A_553, %iota3A : vector<16xi32>
        %parallel_loop3A_555 = arith.constant 16 : i32
        %parallel_loop3A_556 = arith.muli %parallel_loop3A_548, %parallel_loop3A_555 : i32
        %parallel_loop3A_557 = arith.constant 0 : i32
        %parallel_loop3A_558 = arith.constant 0 : i32
        %parallel_loop3A_559 = tpu.memref_slice %arg10[%parallel_loop3A_557, %parallel_loop3A_558] : memref<2x8208xi32, #tpu.memory_space<vmem>> -> memref<1x8208xi32, #tpu.memory_space<vmem>>
        %parallel_loop3A_560 = tpu.memref_squeeze %parallel_loop3A_559 : memref<1x8208xi32, #tpu.memory_space<vmem>> -> memref<8208xi32, #tpu.memory_space<vmem>>
        %parallel_loop3A_561 = arith.index_cast %parallel_loop3A_556 : i32 to index
        %parallel_loop3A_562 = tpu.vector_load %parallel_loop3A_560[%parallel_loop3A_561] {strides = array<i32>} : memref<8208xi32, #tpu.memory_space<vmem>>, vector<16xi32>,
        %parallel_loop3A_563 = vector.broadcast %reduce_max3A_283 : i32 to vector<16xi32>
        %parallel_loop3A_564 = arith.cmpi slt, %parallel_loop3A_554, %parallel_loop3A_563 : vector<16xi32>
        %parallel_loop3A_565 = vector.broadcast %or3A : i32 to vector<16xi32>
        %parallel_loop3A_566 = arith.cmpi sge, %parallel_loop3A_562, %parallel_loop3A_565 : vector<16xi32>
        %parallel_loop3A_567 = arith.andi %parallel_loop3A_564, %parallel_loop3A_566 : vector<16xi1>
        %parallel_loop3A_568 = tpu.all_reduce %parallel_loop3A_567 {dim = 0 : i64, kind = #tpu.reduction_kind<sum>} : vector<16xi1> -> vector<16xi32>
        %parallel_loop3A_569 = arith.addi %parallel_loop3A_549, %parallel_loop3A_568 : vector<16xi32>
        %parallel_loop3A_570 = arith.constant 16 : i32
        %parallel_loop3A_571 = arith.muli %parallel_loop3A_548, %parallel_loop3A_570 : i32
        %parallel_loop3A_572 = arith.constant 1 : i32
        %parallel_loop3A_573 = arith.constant 0 : i32
        %parallel_loop3A_574 = tpu.memref_slice %arg10[%parallel_loop3A_572, %parallel_loop3A_573] : memref<2x8208xi32, #tpu.memory_space<vmem>> -> memref<1x8208xi32, #tpu.memory_space<vmem>>
        %parallel_loop3A_575 = tpu.memref_squeeze %parallel_loop3A_574 : memref<1x8208xi32, #tpu.memory_space<vmem>> -> memref<8208xi32, #tpu.memory_space<vmem>>
        %parallel_loop3A_576 = arith.index_cast %parallel_loop3A_571 : i32 to index
        %parallel_loop3A_577 = tpu.vector_load %parallel_loop3A_575[%parallel_loop3A_576] {strides = array<i32>} : memref<8208xi32, #tpu.memory_space<vmem>>, vector<16xi32>,
        %parallel_loop3A_578 = vector.broadcast %reduce_max3A_291 : i32 to vector<16xi32>
        %parallel_loop3A_579 = arith.cmpi slt, %parallel_loop3A_554, %parallel_loop3A_578 : vector<16xi32>
        %parallel_loop3A_580 = vector.broadcast %or3A_520 : i32 to vector<16xi32>
        %parallel_loop3A_581 = arith.cmpi sge, %parallel_loop3A_577, %parallel_loop3A_580 : vector<16xi32>
        %parallel_loop3A_582 = arith.andi %parallel_loop3A_579, %parallel_loop3A_581 : vector<16xi1>
        %parallel_loop3A_583 = tpu.all_reduce %parallel_loop3A_582 {dim = 0 : i64, kind = #tpu.reduction_kind<sum>} : vector<16xi1> -> vector<16xi32>
        %parallel_loop3A_584 = arith.addi %parallel_loop3A_550, %parallel_loop3A_583 : vector<16xi32>
        scf.yield %parallel_loop3A_569, %parallel_loop3A_584 : vector<16xi32>, vector<16xi32>
      } {sc.loop_unroll_factor = 4 : i64, sc.parallel_access}
      %reduce_max3A_524 = arith.constant true
      %reduce_max3A_525 = vector.broadcast %reduce_max3A_524 : i1 to vector<16xi1>
      %reduce_max3A_526 = arith.constant -2147483648 : i32
      %reduce_max3A_527 = vector.broadcast %reduce_max3A_526 : i32 to vector<16xi32>
      %reduce_max3A_528 = arith.xori %parallel_loop3A_523#0, %reduce_max3A_527 : vector<16xi32>
      %reduce_max3A_529 = tpu.scan <max>, %reduce_max3A_528 masked %reduce_max3A_525 : vector<16xi32>, vector<16xi1> -> vector<16xi32>
      %reduce_max3A_530 = arith.xori %reduce_max3A_529, %reduce_max3A_527 : vector<16xi32>
      %reduce_max3A_531 = vector.extract %reduce_max3A_530[15] : i32 from vector<16xi32>
      %add3A_532 = arith.addi %sub3A_163, %reduce_max3A_531 : i32
      %ge3A_533 = arith.constant 64 : i32
      %ge3A_534 = arith.cmpi sge, %add3A_532, %ge3A_533 : i32
      %select_n3A_535 = arith.select %ge3A_534, %or3A, %scan3A_510 : i32
      %reduce_max3A_536 = arith.constant true
      %reduce_max3A_537 = vector.broadcast %reduce_max3A_536 : i1 to vector<16xi1>
      %reduce_max3A_538 = arith.constant -2147483648 : i32
      %reduce_max3A_539 = vector.broadcast %reduce_max3A_538 : i32 to vector<16xi32>
      %reduce_max3A_540 = arith.xori %parallel_loop3A_523#1, %reduce_max3A_539 : vector<16xi32>
      %reduce_max3A_541 = tpu.scan <max>, %reduce_max3A_540 masked %reduce_max3A_537 : vector<16xi32>, vector<16xi1> -> vector<16xi32>
      %reduce_max3A_542 = arith.xori %reduce_max3A_541, %reduce_max3A_539 : vector<16xi32>
      %reduce_max3A_543 = vector.extract %reduce_max3A_542[15] : i32 from vector<16xi32>
      %add3A_544 = arith.addi %sub3A_267, %reduce_max3A_543 : i32
      %ge3A_545 = arith.constant 64 : i32
      %ge3A_546 = arith.cmpi sge, %add3A_544, %ge3A_545 : i32
      %select_n3A_547 = arith.select %ge3A_546, %or3A_520, %scan3A_511 : i32
      scf.yield %select_n3A_535, %select_n3A_547 : i32, i32
    }
    %scan3A_316 = arith.constant 24 : i32
    %parallel_loop3A_317 = arith.constant 0 : i32
    %parallel_loop3A_318 = arith.constant 1 : i32
    %parallel_loop3A_319:2 = scf.for %parallel_loop3A_509 = %parallel_loop3A_317 to %max3A step %parallel_loop3A_318 iter_args(%parallel_loop3A_510 = %broadcast_in_dim3A_3, %parallel_loop3A_511 = %broadcast_in_dim3A_3) -> (vector<16xi32>, vector<16xi32>)  : i32 {
      %parallel_loop3A_512 = arith.constant 4 : i32
      %parallel_loop3A_513 = arith.shli %parallel_loop3A_509, %parallel_loop3A_512 : i32
      %parallel_loop3A_514 = vector.broadcast %parallel_loop3A_513 : i32 to vector<16xi32>
      %parallel_loop3A_515 = arith.addi %parallel_loop3A_514, %iota3A : vector<16xi32>
      %parallel_loop3A_516 = arith.constant 16 : i32
      %parallel_loop3A_517 = arith.muli %parallel_loop3A_509, %parallel_loop3A_516 : i32
      %parallel_loop3A_518 = arith.constant 0 : i32
      %parallel_loop3A_519 = arith.constant 0 : i32
      %parallel_loop3A_520 = tpu.memref_slice %arg10[%parallel_loop3A_518, %parallel_loop3A_519] : memref<2x8208xi32, #tpu.memory_space<vmem>> -> memref<1x8208xi32, #tpu.memory_space<vmem>>
      %parallel_loop3A_521 = tpu.memref_squeeze %parallel_loop3A_520 : memref<1x8208xi32, #tpu.memory_space<vmem>> -> memref<8208xi32, #tpu.memory_space<vmem>>
      %parallel_loop3A_522 = arith.index_cast %parallel_loop3A_517 : i32 to index
      %parallel_loop3A_523 = tpu.vector_load %parallel_loop3A_521[%parallel_loop3A_522] {strides = array<i32>} : memref<8208xi32, #tpu.memory_space<vmem>>, vector<16xi32>,
      %parallel_loop3A_524 = vector.broadcast %reduce_max3A_283 : i32 to vector<16xi32>
      %parallel_loop3A_525 = arith.cmpi slt, %parallel_loop3A_515, %parallel_loop3A_524 : vector<16xi32>
      %parallel_loop3A_526 = vector.broadcast %scan3A_315#0 : i32 to vector<16xi32>
      %parallel_loop3A_527 = arith.cmpi sgt, %parallel_loop3A_523, %parallel_loop3A_526 : vector<16xi32>
      %parallel_loop3A_528 = arith.andi %parallel_loop3A_525, %parallel_loop3A_527 : vector<16xi1>
      %parallel_loop3A_529 = tpu.all_reduce %parallel_loop3A_528 {dim = 0 : i64, kind = #tpu.reduction_kind<sum>} : vector<16xi1> -> vector<16xi32>
      %parallel_loop3A_530 = arith.addi %parallel_loop3A_510, %parallel_loop3A_529 : vector<16xi32>
      %parallel_loop3A_531 = arith.constant 16 : i32
      %parallel_loop3A_532 = arith.muli %parallel_loop3A_509, %parallel_loop3A_531 : i32
      %parallel_loop3A_533 = arith.constant 1 : i32
      %parallel_loop3A_534 = arith.constant 0 : i32
      %parallel_loop3A_535 = tpu.memref_slice %arg10[%parallel_loop3A_533, %parallel_loop3A_534] : memref<2x8208xi32, #tpu.memory_space<vmem>> -> memref<1x8208xi32, #tpu.memory_space<vmem>>
      %parallel_loop3A_536 = tpu.memref_squeeze %parallel_loop3A_535 : memref<1x8208xi32, #tpu.memory_space<vmem>> -> memref<8208xi32, #tpu.memory_space<vmem>>
      %parallel_loop3A_537 = arith.index_cast %parallel_loop3A_532 : i32 to index
      %parallel_loop3A_538 = tpu.vector_load %parallel_loop3A_536[%parallel_loop3A_537] {strides = array<i32>} : memref<8208xi32, #tpu.memory_space<vmem>>, vector<16xi32>,
      %parallel_loop3A_539 = vector.broadcast %reduce_max3A_291 : i32 to vector<16xi32>
      %parallel_loop3A_540 = arith.cmpi slt, %parallel_loop3A_515, %parallel_loop3A_539 : vector<16xi32>
      %parallel_loop3A_541 = vector.broadcast %scan3A_315#1 : i32 to vector<16xi32>
      %parallel_loop3A_542 = arith.cmpi sgt, %parallel_loop3A_538, %parallel_loop3A_541 : vector<16xi32>
      %parallel_loop3A_543 = arith.andi %parallel_loop3A_540, %parallel_loop3A_542 : vector<16xi1>
      %parallel_loop3A_544 = tpu.all_reduce %parallel_loop3A_543 {dim = 0 : i64, kind = #tpu.reduction_kind<sum>} : vector<16xi1> -> vector<16xi32>
      %parallel_loop3A_545 = arith.addi %parallel_loop3A_511, %parallel_loop3A_544 : vector<16xi32>
      scf.yield %parallel_loop3A_530, %parallel_loop3A_545 : vector<16xi32>, vector<16xi32>
    } {sc.loop_unroll_factor = 4 : i64, sc.parallel_access}
    %reduce_max3A_320 = arith.constant true
    %reduce_max3A_321 = vector.broadcast %reduce_max3A_320 : i1 to vector<16xi1>
    %reduce_max3A_322 = arith.constant -2147483648 : i32
    %reduce_max3A_323 = vector.broadcast %reduce_max3A_322 : i32 to vector<16xi32>
    %reduce_max3A_324 = arith.xori %parallel_loop3A_319#0, %reduce_max3A_323 : vector<16xi32>
    %reduce_max3A_325 = tpu.scan <max>, %reduce_max3A_324 masked %reduce_max3A_321 : vector<16xi32>, vector<16xi1> -> vector<16xi32>
    %reduce_max3A_326 = arith.xori %reduce_max3A_325, %reduce_max3A_323 : vector<16xi32>
    %reduce_max3A_327 = vector.extract %reduce_max3A_326[15] : i32 from vector<16xi32>
    %add3A_328 = arith.addi %sub3A_163, %reduce_max3A_327 : i32
    %sub3A_329 = arith.constant 64 : i32
    %sub3A_330 = arith.subi %sub3A_329, %add3A_328 : i32
    %reduce_max3A_331 = arith.constant true
    %reduce_max3A_332 = vector.broadcast %reduce_max3A_331 : i1 to vector<16xi1>
    %reduce_max3A_333 = arith.constant -2147483648 : i32
    %reduce_max3A_334 = vector.broadcast %reduce_max3A_333 : i32 to vector<16xi32>
    %reduce_max3A_335 = arith.xori %parallel_loop3A_319#1, %reduce_max3A_334 : vector<16xi32>
    %reduce_max3A_336 = tpu.scan <max>, %reduce_max3A_335 masked %reduce_max3A_332 : vector<16xi32>, vector<16xi1> -> vector<16xi32>
    %reduce_max3A_337 = arith.xori %reduce_max3A_336, %reduce_max3A_334 : vector<16xi32>
    %reduce_max3A_338 = vector.extract %reduce_max3A_337[15] : i32 from vector<16xi32>
    %add3A_339 = arith.addi %sub3A_267, %reduce_max3A_338 : i32
    %sub3A_340 = arith.constant 64 : i32
    %sub3A_341 = arith.subi %sub3A_340, %add3A_339 : i32
    %broadcast_in_dim3A_342 = arith.constant -2147483648 : i32
    %broadcast_in_dim3A_343 = vector.broadcast %broadcast_in_dim3A_342 : i32 to vector<16xi32>
    %broadcast_in_dim3A_344 = arith.constant 0.000000e+00 : f32
    %broadcast_in_dim3A_345 = vector.broadcast %broadcast_in_dim3A_344 : f32 to vector<16xf32>
    %parallel_loop3A_346 = arith.constant 0 : i32
    %parallel_loop3A_347 = arith.constant 512 : i32
    %parallel_loop3A_348 = arith.constant 1 : i32
    %parallel_loop3A_349 = arith.constant 1.562500e-02 : f32
    %parallel_loop3A_350:6 = scf.for %parallel_loop3A_509 = %parallel_loop3A_346 to %parallel_loop3A_347 step %parallel_loop3A_348 iter_args(%parallel_loop3A_510 = %broadcast_in_dim3A_345, %parallel_loop3A_511 = %broadcast_in_dim3A_343, %parallel_loop3A_512 = %broadcast_in_dim3A_3, %parallel_loop3A_513 = %broadcast_in_dim3A_345, %parallel_loop3A_514 = %broadcast_in_dim3A_343, %parallel_loop3A_515 = %broadcast_in_dim3A_3) -> (vector<16xf32>, vector<16xi32>, vector<16xi32>, vector<16xf32>, vector<16xi32>, vector<16xi32>)  : i32 {
      %parallel_loop3A_516 = arith.constant 4 : i32
      %parallel_loop3A_517 = arith.shli %parallel_loop3A_509, %parallel_loop3A_516 : i32
      %parallel_loop3A_518 = vector.broadcast %parallel_loop3A_517 : i32 to vector<16xi32>
      %parallel_loop3A_519 = arith.addi %parallel_loop3A_518, %iota3A : vector<16xi32>
      %parallel_loop3A_520 = arith.constant 16 : i32
      %parallel_loop3A_521 = arith.muli %parallel_loop3A_509, %parallel_loop3A_520 : i32
      %parallel_loop3A_522 = arith.constant 0 : i32
      %parallel_loop3A_523 = arith.constant 0 : i32
      %parallel_loop3A_524 = tpu.memref_slice %arg5[%parallel_loop3A_522, %parallel_loop3A_523] : memref<2x8192xf32, #tpu.memory_space<vmem>> -> memref<1x8192xf32, #tpu.memory_space<vmem>>
      %parallel_loop3A_525 = tpu.memref_squeeze %parallel_loop3A_524 : memref<1x8192xf32, #tpu.memory_space<vmem>> -> memref<8192xf32, #tpu.memory_space<vmem>>
      %parallel_loop3A_526 = arith.index_cast %parallel_loop3A_521 : i32 to index
      %parallel_loop3A_527 = tpu.vector_load %parallel_loop3A_525[%parallel_loop3A_526] {strides = array<i32>} : memref<8192xf32, #tpu.memory_space<vmem>>, vector<16xf32>,
      %parallel_loop3A_528 = arith.constant 16 : i32
      %parallel_loop3A_529 = arith.muli %parallel_loop3A_509, %parallel_loop3A_528 : i32
      %parallel_loop3A_530 = arith.constant 0 : i32
      %parallel_loop3A_531 = arith.constant 0 : i32
      %parallel_loop3A_532 = tpu.memref_slice %arg7[%parallel_loop3A_530, %parallel_loop3A_531] : memref<2x8192xi32, #tpu.memory_space<vmem>> -> memref<1x8192xi32, #tpu.memory_space<vmem>>
      %parallel_loop3A_533 = tpu.memref_squeeze %parallel_loop3A_532 : memref<1x8192xi32, #tpu.memory_space<vmem>> -> memref<8192xi32, #tpu.memory_space<vmem>>
      %parallel_loop3A_534 = arith.index_cast %parallel_loop3A_529 : i32 to index
      %parallel_loop3A_535 = tpu.vector_load %parallel_loop3A_533[%parallel_loop3A_534] {strides = array<i32>} : memref<8192xi32, #tpu.memory_space<vmem>>, vector<16xi32>,
      %parallel_loop3A_536 = vector.broadcast %scan3A_315#0 : i32 to vector<16xi32>
      %parallel_loop3A_537 = arith.cmpi sgt, %parallel_loop3A_535, %parallel_loop3A_536 : vector<16xi32>
      %parallel_loop3A_538 = arith.constant 0.000000e+00 : f32
      %parallel_loop3A_539 = vector.broadcast %parallel_loop3A_349 : f32 to vector<16xf32>
      %parallel_loop3A_540 = vector.broadcast %parallel_loop3A_538 : f32 to vector<16xf32>
      %parallel_loop3A_541 = arith.select %parallel_loop3A_537, %parallel_loop3A_539, %parallel_loop3A_540 : vector<16xi1>, vector<16xf32>
      %parallel_loop3A_542 = arith.constant 16 : i32
      %parallel_loop3A_543 = arith.muli %parallel_loop3A_509, %parallel_loop3A_542 : i32
      %parallel_loop3A_544 = arith.constant 0 : i32
      %parallel_loop3A_545 = arith.constant 0 : i32
      %parallel_loop3A_546 = tpu.memref_slice %arg6[%parallel_loop3A_544, %parallel_loop3A_545] : memref<2x8192xf32, #tpu.memory_space<vmem>> -> memref<1x8192xf32, #tpu.memory_space<vmem>>
      %parallel_loop3A_547 = tpu.memref_squeeze %parallel_loop3A_546 : memref<1x8192xf32, #tpu.memory_space<vmem>> -> memref<8192xf32, #tpu.memory_space<vmem>>
      %parallel_loop3A_548 = arith.index_cast %parallel_loop3A_543 : i32 to index
      %parallel_loop3A_549 = tpu.vector_load %parallel_loop3A_547[%parallel_loop3A_548] {strides = array<i32>} : memref<8192xf32, #tpu.memory_space<vmem>>, vector<16xf32>,
      tpu.vector_store %parallel_loop3A_547[%parallel_loop3A_548], %parallel_loop3A_541 {strides = array<i32>} : memref<8192xf32, #tpu.memory_space<vmem>>, vector<16xf32>,
      %parallel_loop3A_550 = arith.cmpi sgt, %parallel_loop3A_535, %parallel_loop3A_511 : vector<16xi32>
      %parallel_loop3A_551 = arith.constant 0.000000e+00 : f32
      %parallel_loop3A_552 = vector.broadcast %parallel_loop3A_551 : f32 to vector<16xf32>
      %parallel_loop3A_553 = arith.select %parallel_loop3A_537, %parallel_loop3A_527, %parallel_loop3A_552 : vector<16xi1>, vector<16xf32>
      %parallel_loop3A_554 = arith.addf %parallel_loop3A_510, %parallel_loop3A_553 : vector<16xf32>
      %parallel_loop3A_555 = arith.select %parallel_loop3A_550, %parallel_loop3A_535, %parallel_loop3A_511 : vector<16xi1>, vector<16xi32>
      %parallel_loop3A_556 = arith.select %parallel_loop3A_550, %parallel_loop3A_519, %parallel_loop3A_512 : vector<16xi1>, vector<16xi32>
      %parallel_loop3A_557 = arith.constant 16 : i32
      %parallel_loop3A_558 = arith.muli %parallel_loop3A_509, %parallel_loop3A_557 : i32
      %parallel_loop3A_559 = arith.constant 1 : i32
      %parallel_loop3A_560 = arith.constant 0 : i32
      %parallel_loop3A_561 = tpu.memref_slice %arg5[%parallel_loop3A_559, %parallel_loop3A_560] : memref<2x8192xf32, #tpu.memory_space<vmem>> -> memref<1x8192xf32, #tpu.memory_space<vmem>>
      %parallel_loop3A_562 = tpu.memref_squeeze %parallel_loop3A_561 : memref<1x8192xf32, #tpu.memory_space<vmem>> -> memref<8192xf32, #tpu.memory_space<vmem>>
      %parallel_loop3A_563 = arith.index_cast %parallel_loop3A_558 : i32 to index
      %parallel_loop3A_564 = tpu.vector_load %parallel_loop3A_562[%parallel_loop3A_563] {strides = array<i32>} : memref<8192xf32, #tpu.memory_space<vmem>>, vector<16xf32>,
      %parallel_loop3A_565 = arith.constant 16 : i32
      %parallel_loop3A_566 = arith.muli %parallel_loop3A_509, %parallel_loop3A_565 : i32
      %parallel_loop3A_567 = arith.constant 1 : i32
      %parallel_loop3A_568 = arith.constant 0 : i32
      %parallel_loop3A_569 = tpu.memref_slice %arg7[%parallel_loop3A_567, %parallel_loop3A_568] : memref<2x8192xi32, #tpu.memory_space<vmem>> -> memref<1x8192xi32, #tpu.memory_space<vmem>>
      %parallel_loop3A_570 = tpu.memref_squeeze %parallel_loop3A_569 : memref<1x8192xi32, #tpu.memory_space<vmem>> -> memref<8192xi32, #tpu.memory_space<vmem>>
      %parallel_loop3A_571 = arith.index_cast %parallel_loop3A_566 : i32 to index
      %parallel_loop3A_572 = tpu.vector_load %parallel_loop3A_570[%parallel_loop3A_571] {strides = array<i32>} : memref<8192xi32, #tpu.memory_space<vmem>>, vector<16xi32>,
      %parallel_loop3A_573 = vector.broadcast %scan3A_315#1 : i32 to vector<16xi32>
      %parallel_loop3A_574 = arith.cmpi sgt, %parallel_loop3A_572, %parallel_loop3A_573 : vector<16xi32>
      %parallel_loop3A_575 = arith.constant 0.000000e+00 : f32
      %parallel_loop3A_576 = vector.broadcast %parallel_loop3A_349 : f32 to vector<16xf32>
      %parallel_loop3A_577 = vector.broadcast %parallel_loop3A_575 : f32 to vector<16xf32>
      %parallel_loop3A_578 = arith.select %parallel_loop3A_574, %parallel_loop3A_576, %parallel_loop3A_577 : vector<16xi1>, vector<16xf32>
      %parallel_loop3A_579 = arith.constant 16 : i32
      %parallel_loop3A_580 = arith.muli %parallel_loop3A_509, %parallel_loop3A_579 : i32
      %parallel_loop3A_581 = arith.constant 1 : i32
      %parallel_loop3A_582 = arith.constant 0 : i32
      %parallel_loop3A_583 = tpu.memref_slice %arg6[%parallel_loop3A_581, %parallel_loop3A_582] : memref<2x8192xf32, #tpu.memory_space<vmem>> -> memref<1x8192xf32, #tpu.memory_space<vmem>>
      %parallel_loop3A_584 = tpu.memref_squeeze %parallel_loop3A_583 : memref<1x8192xf32, #tpu.memory_space<vmem>> -> memref<8192xf32, #tpu.memory_space<vmem>>
      %parallel_loop3A_585 = arith.index_cast %parallel_loop3A_580 : i32 to index
      %parallel_loop3A_586 = tpu.vector_load %parallel_loop3A_584[%parallel_loop3A_585] {strides = array<i32>} : memref<8192xf32, #tpu.memory_space<vmem>>, vector<16xf32>,
      tpu.vector_store %parallel_loop3A_584[%parallel_loop3A_585], %parallel_loop3A_578 {strides = array<i32>} : memref<8192xf32, #tpu.memory_space<vmem>>, vector<16xf32>,
      %parallel_loop3A_587 = arith.cmpi sgt, %parallel_loop3A_572, %parallel_loop3A_514 : vector<16xi32>
      %parallel_loop3A_588 = arith.constant 0.000000e+00 : f32
      %parallel_loop3A_589 = vector.broadcast %parallel_loop3A_588 : f32 to vector<16xf32>
      %parallel_loop3A_590 = arith.select %parallel_loop3A_574, %parallel_loop3A_564, %parallel_loop3A_589 : vector<16xi1>, vector<16xf32>
      %parallel_loop3A_591 = arith.addf %parallel_loop3A_513, %parallel_loop3A_590 : vector<16xf32>
      %parallel_loop3A_592 = arith.select %parallel_loop3A_587, %parallel_loop3A_572, %parallel_loop3A_514 : vector<16xi1>, vector<16xi32>
      %parallel_loop3A_593 = arith.select %parallel_loop3A_587, %parallel_loop3A_519, %parallel_loop3A_515 : vector<16xi1>, vector<16xi32>
      scf.yield %parallel_loop3A_554, %parallel_loop3A_555, %parallel_loop3A_556, %parallel_loop3A_591, %parallel_loop3A_592, %parallel_loop3A_593 : vector<16xf32>, vector<16xi32>, vector<16xi32>, vector<16xf32>, vector<16xi32>, vector<16xi32>
    } {sc.loop_unroll_factor = 4 : i64, sc.parallel_access}
    %broadcast_in_dim3A_351 = arith.constant 1.562500e-02 : f32
    %broadcast_in_dim3A_352 = vector.broadcast %broadcast_in_dim3A_351 : f32 to vector<16xf32>
    %parallel_loop3A_353 = arith.constant 0 : i32
    %parallel_loop3A_354 = arith.constant 1 : i32
    %parallel_loop3A_355:2 = scf.for %parallel_loop3A_509 = %parallel_loop3A_353 to %max3A step %parallel_loop3A_354 iter_args(%parallel_loop3A_510 = %broadcast_in_dim3A_3, %parallel_loop3A_511 = %broadcast_in_dim3A_3) -> (vector<16xi32>, vector<16xi32>)  : i32 {
      %parallel_loop3A_512 = arith.constant 4 : i32
      %parallel_loop3A_513 = arith.shli %parallel_loop3A_509, %parallel_loop3A_512 : i32
      %parallel_loop3A_514 = vector.broadcast %parallel_loop3A_513 : i32 to vector<16xi32>
      %parallel_loop3A_515 = arith.addi %parallel_loop3A_514, %iota3A : vector<16xi32>
      %parallel_loop3A_516 = arith.constant 16 : i32
      %parallel_loop3A_517 = arith.muli %parallel_loop3A_509, %parallel_loop3A_516 : i32
      %parallel_loop3A_518 = arith.constant 0 : i32
      %parallel_loop3A_519 = arith.constant 0 : i32
      %parallel_loop3A_520 = tpu.memref_slice %arg10[%parallel_loop3A_518, %parallel_loop3A_519] : memref<2x8208xi32, #tpu.memory_space<vmem>> -> memref<1x8208xi32, #tpu.memory_space<vmem>>
      %parallel_loop3A_521 = tpu.memref_squeeze %parallel_loop3A_520 : memref<1x8208xi32, #tpu.memory_space<vmem>> -> memref<8208xi32, #tpu.memory_space<vmem>>
      %parallel_loop3A_522 = arith.index_cast %parallel_loop3A_517 : i32 to index
      %parallel_loop3A_523 = tpu.vector_load %parallel_loop3A_521[%parallel_loop3A_522] {strides = array<i32>} : memref<8208xi32, #tpu.memory_space<vmem>>, vector<16xi32>,
      %parallel_loop3A_524 = arith.constant 16 : i32
      %parallel_loop3A_525 = arith.muli %parallel_loop3A_509, %parallel_loop3A_524 : i32
      %parallel_loop3A_526 = arith.constant 0 : i32
      %parallel_loop3A_527 = arith.constant 0 : i32
      %parallel_loop3A_528 = tpu.memref_slice %arg11[%parallel_loop3A_526, %parallel_loop3A_527] : memref<2x8208xi32, #tpu.memory_space<vmem>> -> memref<1x8208xi32, #tpu.memory_space<vmem>>
      %parallel_loop3A_529 = tpu.memref_squeeze %parallel_loop3A_528 : memref<1x8208xi32, #tpu.memory_space<vmem>> -> memref<8208xi32, #tpu.memory_space<vmem>>
      %parallel_loop3A_530 = arith.index_cast %parallel_loop3A_525 : i32 to index
      %parallel_loop3A_531 = tpu.vector_load %parallel_loop3A_529[%parallel_loop3A_530] {strides = array<i32>} : memref<8208xi32, #tpu.memory_space<vmem>>, vector<16xi32>,
      %parallel_loop3A_532 = vector.broadcast %reduce_max3A_283 : i32 to vector<16xi32>
      %parallel_loop3A_533 = arith.cmpi slt, %parallel_loop3A_515, %parallel_loop3A_532 : vector<16xi32>
      %parallel_loop3A_534 = vector.broadcast %scan3A_315#0 : i32 to vector<16xi32>
      %parallel_loop3A_535 = arith.cmpi eq, %parallel_loop3A_523, %parallel_loop3A_534 : vector<16xi32>
      %parallel_loop3A_536 = arith.andi %parallel_loop3A_533, %parallel_loop3A_535 : vector<16xi1>
      %parallel_loop3A_537 = arith.select %parallel_loop3A_536, %broadcast_in_dim3A_1, %broadcast_in_dim3A_3 : vector<16xi1>, vector<16xi32>
      %parallel_loop3A_538 = arith.constant true
      %parallel_loop3A_539 = vector.broadcast %parallel_loop3A_538 : i1 to vector<16xi1>
      %parallel_loop3A_540 = tpu.scan <sum>, %parallel_loop3A_537 masked %parallel_loop3A_539 : vector<16xi32>, vector<16xi1> -> vector<16xi32>
      %parallel_loop3A_541 = arith.addi %parallel_loop3A_510, %parallel_loop3A_540 : vector<16xi32>
      %parallel_loop3A_542 = arith.subi %parallel_loop3A_541, %parallel_loop3A_537 : vector<16xi32>
      %parallel_loop3A_543 = vector.broadcast %sub3A_330 : i32 to vector<16xi32>
      %parallel_loop3A_544 = arith.cmpi slt, %parallel_loop3A_542, %parallel_loop3A_543 : vector<16xi32>
      %parallel_loop3A_545 = arith.andi %parallel_loop3A_536, %parallel_loop3A_544 : vector<16xi1>
      %parallel_loop3A_546 = arith.constant 0 : i32
      %parallel_loop3A_547 = arith.constant 0 : i32
      %parallel_loop3A_548 = tpu.memref_slice %arg6[%parallel_loop3A_546, %parallel_loop3A_547] : memref<2x8192xf32, #tpu.memory_space<vmem>> -> memref<1x8192xf32, #tpu.memory_space<vmem>>
      %parallel_loop3A_549 = tpu.memref_squeeze %parallel_loop3A_548 : memref<1x8192xf32, #tpu.memory_space<vmem>> -> memref<8192xf32, #tpu.memory_space<vmem>>
      tpu.vector_store_idx %parallel_loop3A_549[%parallel_loop3A_531], %broadcast_in_dim3A_352 masked %parallel_loop3A_545 : memref<8192xf32, #tpu.memory_space<vmem>>[vector<16xi32>], vector<16xf32>, vector<16xi1>
      %parallel_loop3A_550 = tpu.all_reduce %parallel_loop3A_536 {dim = 0 : i64, kind = #tpu.reduction_kind<sum>} : vector<16xi1> -> vector<16xi32>
      %parallel_loop3A_551 = arith.addi %parallel_loop3A_510, %parallel_loop3A_550 : vector<16xi32>
      %parallel_loop3A_552 = arith.constant 16 : i32
      %parallel_loop3A_553 = arith.muli %parallel_loop3A_509, %parallel_loop3A_552 : i32
      %parallel_loop3A_554 = arith.constant 1 : i32
      %parallel_loop3A_555 = arith.constant 0 : i32
      %parallel_loop3A_556 = tpu.memref_slice %arg10[%parallel_loop3A_554, %parallel_loop3A_555] : memref<2x8208xi32, #tpu.memory_space<vmem>> -> memref<1x8208xi32, #tpu.memory_space<vmem>>
      %parallel_loop3A_557 = tpu.memref_squeeze %parallel_loop3A_556 : memref<1x8208xi32, #tpu.memory_space<vmem>> -> memref<8208xi32, #tpu.memory_space<vmem>>
      %parallel_loop3A_558 = arith.index_cast %parallel_loop3A_553 : i32 to index
      %parallel_loop3A_559 = tpu.vector_load %parallel_loop3A_557[%parallel_loop3A_558] {strides = array<i32>} : memref<8208xi32, #tpu.memory_space<vmem>>, vector<16xi32>,
      %parallel_loop3A_560 = arith.constant 16 : i32
      %parallel_loop3A_561 = arith.muli %parallel_loop3A_509, %parallel_loop3A_560 : i32
      %parallel_loop3A_562 = arith.constant 1 : i32
      %parallel_loop3A_563 = arith.constant 0 : i32
      %parallel_loop3A_564 = tpu.memref_slice %arg11[%parallel_loop3A_562, %parallel_loop3A_563] : memref<2x8208xi32, #tpu.memory_space<vmem>> -> memref<1x8208xi32, #tpu.memory_space<vmem>>
      %parallel_loop3A_565 = tpu.memref_squeeze %parallel_loop3A_564 : memref<1x8208xi32, #tpu.memory_space<vmem>> -> memref<8208xi32, #tpu.memory_space<vmem>>
      %parallel_loop3A_566 = arith.index_cast %parallel_loop3A_561 : i32 to index
      %parallel_loop3A_567 = tpu.vector_load %parallel_loop3A_565[%parallel_loop3A_566] {strides = array<i32>} : memref<8208xi32, #tpu.memory_space<vmem>>, vector<16xi32>,
      %parallel_loop3A_568 = vector.broadcast %reduce_max3A_291 : i32 to vector<16xi32>
      %parallel_loop3A_569 = arith.cmpi slt, %parallel_loop3A_515, %parallel_loop3A_568 : vector<16xi32>
      %parallel_loop3A_570 = vector.broadcast %scan3A_315#1 : i32 to vector<16xi32>
      %parallel_loop3A_571 = arith.cmpi eq, %parallel_loop3A_559, %parallel_loop3A_570 : vector<16xi32>
      %parallel_loop3A_572 = arith.andi %parallel_loop3A_569, %parallel_loop3A_571 : vector<16xi1>
      %parallel_loop3A_573 = arith.select %parallel_loop3A_572, %broadcast_in_dim3A_1, %broadcast_in_dim3A_3 : vector<16xi1>, vector<16xi32>
      %parallel_loop3A_574 = arith.constant true
      %parallel_loop3A_575 = vector.broadcast %parallel_loop3A_574 : i1 to vector<16xi1>
      %parallel_loop3A_576 = tpu.scan <sum>, %parallel_loop3A_573 masked %parallel_loop3A_575 : vector<16xi32>, vector<16xi1> -> vector<16xi32>
      %parallel_loop3A_577 = arith.addi %parallel_loop3A_511, %parallel_loop3A_576 : vector<16xi32>
      %parallel_loop3A_578 = arith.subi %parallel_loop3A_577, %parallel_loop3A_573 : vector<16xi32>
      %parallel_loop3A_579 = vector.broadcast %sub3A_341 : i32 to vector<16xi32>
      %parallel_loop3A_580 = arith.cmpi slt, %parallel_loop3A_578, %parallel_loop3A_579 : vector<16xi32>
      %parallel_loop3A_581 = arith.andi %parallel_loop3A_572, %parallel_loop3A_580 : vector<16xi1>
      %parallel_loop3A_582 = arith.constant 1 : i32
      %parallel_loop3A_583 = arith.constant 0 : i32
      %parallel_loop3A_584 = tpu.memref_slice %arg6[%parallel_loop3A_582, %parallel_loop3A_583] : memref<2x8192xf32, #tpu.memory_space<vmem>> -> memref<1x8192xf32, #tpu.memory_space<vmem>>
      %parallel_loop3A_585 = tpu.memref_squeeze %parallel_loop3A_584 : memref<1x8192xf32, #tpu.memory_space<vmem>> -> memref<8192xf32, #tpu.memory_space<vmem>>
      tpu.vector_store_idx %parallel_loop3A_585[%parallel_loop3A_567], %broadcast_in_dim3A_352 masked %parallel_loop3A_581 : memref<8192xf32, #tpu.memory_space<vmem>>[vector<16xi32>], vector<16xf32>, vector<16xi1>
      %parallel_loop3A_586 = tpu.all_reduce %parallel_loop3A_572 {dim = 0 : i64, kind = #tpu.reduction_kind<sum>} : vector<16xi1> -> vector<16xi32>
      %parallel_loop3A_587 = arith.addi %parallel_loop3A_511, %parallel_loop3A_586 : vector<16xi32>
      scf.yield %parallel_loop3A_551, %parallel_loop3A_587 : vector<16xi32>, vector<16xi32>
    } {sc.loop_unroll_factor = 4 : i64, sc.parallel_access}
    %add3A_356 = arith.constant 0 : i32
    %add3A_357 = arith.addi %mul3A_5, %add3A_356 : i32
    %dma_start3A_358 = arith.constant 0 : i32
    %dma_start3A_359 = arith.constant 0 : i32
    %dma_start3A_360 = tpu.memref_slice %arg6[%dma_start3A_358, %dma_start3A_359] : memref<2x8192xf32, #tpu.memory_space<vmem>> -> memref<1x8192xf32, #tpu.memory_space<vmem>>
    %dma_start3A_361 = tpu.memref_squeeze %dma_start3A_360 : memref<1x8192xf32, #tpu.memory_space<vmem>> -> memref<8192xf32, #tpu.memory_space<vmem>>
    %dma_start3A_362 = arith.constant 0 : i32
    %dma_start3A_363 = tpu.memref_slice %arg3[%add3A_357, %dma_start3A_362] : memref<64x8192xf32, #tpu.memory_space<hbm>> -> memref<1x8192xf32, #tpu.memory_space<hbm>>
    %dma_start3A_364 = tpu.memref_squeeze %dma_start3A_363 : memref<1x8192xf32, #tpu.memory_space<hbm>> -> memref<8192xf32, #tpu.memory_space<hbm>>
    %dma_start3A_365 = arith.constant 0 : i32
    %dma_start3A_366 = tpu.memref_slice %arg3[%add3A_357, %dma_start3A_365] : memref<64x8192xf32, #tpu.memory_space<hbm>> -> memref<1x8192xf32, #tpu.memory_space<hbm>>
    %dma_start3A_367 = tpu.memref_squeeze %dma_start3A_366 : memref<1x8192xf32, #tpu.memory_space<hbm>> -> memref<8192xf32, #tpu.memory_space<hbm>>
    %dma_start3A_368 = arith.constant 0 : i32
    %dma_start3A_369 = tpu.memref_slice %arg6[%dma_start3A_358, %dma_start3A_368] : memref<2x8192xf32, #tpu.memory_space<vmem>> -> memref<1x8192xf32, #tpu.memory_space<vmem>>
    %dma_start3A_370 = tpu.memref_squeeze %dma_start3A_369 : memref<1x8192xf32, #tpu.memory_space<vmem>> -> memref<8192xf32, #tpu.memory_space<vmem>>
    tpu.enqueue_dma source(%dma_start3A_370 : memref<8192xf32, #tpu.memory_space<vmem>>) target(%dma_start3A_367 : memref<8192xf32, #tpu.memory_space<hbm>>) target_semaphore(%arg15 : memref<!tpu.dma_semaphore, #tpu.memory_space<semaphore_mem>>)
    %add3A_371 = arith.constant 1 : i32
    %add3A_372 = arith.addi %mul3A_5, %add3A_371 : i32
    %dma_start3A_373 = arith.constant 1 : i32
    %dma_start3A_374 = arith.constant 0 : i32
    %dma_start3A_375 = tpu.memref_slice %arg6[%dma_start3A_373, %dma_start3A_374] : memref<2x8192xf32, #tpu.memory_space<vmem>> -> memref<1x8192xf32, #tpu.memory_space<vmem>>
    %dma_start3A_376 = tpu.memref_squeeze %dma_start3A_375 : memref<1x8192xf32, #tpu.memory_space<vmem>> -> memref<8192xf32, #tpu.memory_space<vmem>>
    %dma_start3A_377 = arith.constant 0 : i32
    %dma_start3A_378 = tpu.memref_slice %arg3[%add3A_372, %dma_start3A_377] : memref<64x8192xf32, #tpu.memory_space<hbm>> -> memref<1x8192xf32, #tpu.memory_space<hbm>>
    %dma_start3A_379 = tpu.memref_squeeze %dma_start3A_378 : memref<1x8192xf32, #tpu.memory_space<hbm>> -> memref<8192xf32, #tpu.memory_space<hbm>>
    %dma_start3A_380 = arith.constant 0 : i32
    %dma_start3A_381 = tpu.memref_slice %arg3[%add3A_372, %dma_start3A_380] : memref<64x8192xf32, #tpu.memory_space<hbm>> -> memref<1x8192xf32, #tpu.memory_space<hbm>>
    %dma_start3A_382 = tpu.memref_squeeze %dma_start3A_381 : memref<1x8192xf32, #tpu.memory_space<hbm>> -> memref<8192xf32, #tpu.memory_space<hbm>>
    %dma_start3A_383 = arith.constant 0 : i32
    %dma_start3A_384 = tpu.memref_slice %arg6[%dma_start3A_373, %dma_start3A_383] : memref<2x8192xf32, #tpu.memory_space<vmem>> -> memref<1x8192xf32, #tpu.memory_space<vmem>>
    %dma_start3A_385 = tpu.memref_squeeze %dma_start3A_384 : memref<1x8192xf32, #tpu.memory_space<vmem>> -> memref<8192xf32, #tpu.memory_space<vmem>>
    tpu.enqueue_dma source(%dma_start3A_385 : memref<8192xf32, #tpu.memory_space<vmem>>) target(%dma_start3A_382 : memref<8192xf32, #tpu.memory_space<hbm>>) target_semaphore(%arg16 : memref<!tpu.dma_semaphore, #tpu.memory_space<semaphore_mem>>)
    %broadcast_in_dim3A_386 = arith.constant 0.000000e+00 : f32
    %broadcast_in_dim3A_387 = vector.broadcast %broadcast_in_dim3A_386 : f32 to vector<16xf32>
    %reduce_sum3A = arith.constant true
    %reduce_sum3A_388 = vector.broadcast %reduce_sum3A : i1 to vector<16xi1>
    %reduce_sum3A_389 = tpu.scan <sum>, %parallel_loop3A_350#0 masked %reduce_sum3A_388 : vector<16xf32>, vector<16xi1> -> vector<16xf32>
    %reduce_sum3A_390 = vector.extract %reduce_sum3A_389[15] : f32 from vector<16xf32>
    %reduce_max3A_391 = arith.constant true
    %reduce_max3A_392 = vector.broadcast %reduce_max3A_391 : i1 to vector<16xi1>
    %reduce_max3A_393 = arith.constant -2147483648 : i32
    %reduce_max3A_394 = vector.broadcast %reduce_max3A_393 : i32 to vector<16xi32>
    %reduce_max3A_395 = arith.xori %parallel_loop3A_350#1, %reduce_max3A_394 : vector<16xi32>
    %reduce_max3A_396 = tpu.scan <max>, %reduce_max3A_395 masked %reduce_max3A_392 : vector<16xi32>, vector<16xi1> -> vector<16xi32>
    %reduce_max3A_397 = arith.xori %reduce_max3A_396, %reduce_max3A_394 : vector<16xi32>
    %reduce_max3A_398 = vector.extract %reduce_max3A_397[15] : i32 from vector<16xi32>
    %eq3A_399 = vector.broadcast %reduce_max3A_398 : i32 to vector<16xi32>
    %eq3A_400 = arith.cmpi eq, %parallel_loop3A_350#1, %eq3A_399 : vector<16xi32>
    %jit3A = arith.constant 8192 : i32
    %broadcast_in_dim3A_401 = vector.broadcast %jit3A : i32 to vector<16xi32>
    %select_n3A_402 = arith.select %eq3A_400, %parallel_loop3A_350#2, %broadcast_in_dim3A_401 : vector<16xi1>, vector<16xi32>
    %reduce_min3A = arith.constant true
    %reduce_min3A_403 = vector.broadcast %reduce_min3A : i1 to vector<16xi1>
    %reduce_min3A_404 = arith.constant -2147483648 : i32
    %reduce_min3A_405 = vector.broadcast %reduce_min3A_404 : i32 to vector<16xi32>
    %reduce_min3A_406 = arith.xori %select_n3A_402, %reduce_min3A_405 : vector<16xi32>
    %reduce_min3A_407 = tpu.scan <min>, %reduce_min3A_406 masked %reduce_min3A_403 : vector<16xi32>, vector<16xi1> -> vector<16xi32>
    %reduce_min3A_408 = arith.xori %reduce_min3A_407, %reduce_min3A_405 : vector<16xi32>
    %reduce_min3A_409 = vector.extract %reduce_min3A_408[15] : i32 from vector<16xi32>
    %ge3A_410 = arith.constant 0 : i32
    %ge3A_411 = arith.cmpi sge, %scan3A_315#0, %ge3A_410 : i32
    %xor3A = arith.constant 2147483647 : i32
    %xor3A_412 = arith.xori %scan3A_315#0, %xor3A : i32
    %select_n3A_413 = arith.select %ge3A_411, %scan3A_315#0, %xor3A_412 : i32
    %broadcast_in_dim3A_414 = vector.broadcast %select_n3A_413 : i32 to vector<16xi32>
    %bitcast_convert_type3A = tpu.bitcast %broadcast_in_dim3A_414 : vector<16xi32> -> vector<16xf32>
    %broadcast_in_dim3A_415 = vector.broadcast %sub3A_330 : i32 to vector<16xi32>
    %convert_element_type3A = arith.sitofp %broadcast_in_dim3A_415 : vector<16xi32> to vector<16xf32>
    %broadcast_in_dim3A_416 = vector.broadcast %reduce_sum3A_390 : f32 to vector<16xf32>
    %mul3A_417 = arith.mulf %convert_element_type3A, %bitcast_convert_type3A : vector<16xf32>
    %add3A_418 = arith.addf %broadcast_in_dim3A_416, %mul3A_417 : vector<16xf32>
    %mul3A_419 = arith.constant 1.562500e-02 : f32
    %mul3A_420 = vector.broadcast %mul3A_419 : f32 to vector<16xf32>
    %mul3A_421 = arith.mulf %add3A_418, %mul3A_420 : vector<16xf32>
    %broadcast_in_dim3A_422 = vector.broadcast %reduce_min3A_409 : i32 to vector<16xi32>
    %bitcast_convert_type3A_423 = tpu.bitcast %broadcast_in_dim3A_422 : vector<16xi32> -> vector<16xf32>
    %eq3A_424 = arith.constant 0 : i32
    %eq3A_425 = vector.broadcast %eq3A_424 : i32 to vector<16xi32>
    %eq3A_426 = arith.cmpi eq, %iota3A, %eq3A_425 : vector<16xi32>
    %select_n3A_427 = arith.select %eq3A_426, %mul3A_421, %broadcast_in_dim3A_387 : vector<16xi1>, vector<16xf32>
    %eq3A_428 = arith.constant 2 : i32
    %eq3A_429 = vector.broadcast %eq3A_428 : i32 to vector<16xi32>
    %eq3A_430 = arith.cmpi eq, %iota3A, %eq3A_429 : vector<16xi32>
    %select_n3A_431 = arith.select %eq3A_430, %bitcast_convert_type3A_423, %select_n3A_427 : vector<16xi1>, vector<16xf32>
    %reduce_sum3A_432 = arith.constant true
    %reduce_sum3A_433 = vector.broadcast %reduce_sum3A_432 : i1 to vector<16xi1>
    %reduce_sum3A_434 = tpu.scan <sum>, %parallel_loop3A_350#3 masked %reduce_sum3A_433 : vector<16xf32>, vector<16xi1> -> vector<16xf32>
    %reduce_sum3A_435 = vector.extract %reduce_sum3A_434[15] : f32 from vector<16xf32>
    %reduce_max3A_436 = arith.constant true
    %reduce_max3A_437 = vector.broadcast %reduce_max3A_436 : i1 to vector<16xi1>
    %reduce_max3A_438 = arith.constant -2147483648 : i32
    %reduce_max3A_439 = vector.broadcast %reduce_max3A_438 : i32 to vector<16xi32>
    %reduce_max3A_440 = arith.xori %parallel_loop3A_350#4, %reduce_max3A_439 : vector<16xi32>
    %reduce_max3A_441 = tpu.scan <max>, %reduce_max3A_440 masked %reduce_max3A_437 : vector<16xi32>, vector<16xi1> -> vector<16xi32>
    %reduce_max3A_442 = arith.xori %reduce_max3A_441, %reduce_max3A_439 : vector<16xi32>
    %reduce_max3A_443 = vector.extract %reduce_max3A_442[15] : i32 from vector<16xi32>
    %eq3A_444 = vector.broadcast %reduce_max3A_443 : i32 to vector<16xi32>
    %eq3A_445 = arith.cmpi eq, %parallel_loop3A_350#4, %eq3A_444 : vector<16xi32>
    %jit3A_446 = arith.constant 8192 : i32
    %broadcast_in_dim3A_447 = vector.broadcast %jit3A_446 : i32 to vector<16xi32>
    %select_n3A_448 = arith.select %eq3A_445, %parallel_loop3A_350#5, %broadcast_in_dim3A_447 : vector<16xi1>, vector<16xi32>
    %reduce_min3A_449 = arith.constant true
    %reduce_min3A_450 = vector.broadcast %reduce_min3A_449 : i1 to vector<16xi1>
    %reduce_min3A_451 = arith.constant -2147483648 : i32
    %reduce_min3A_452 = vector.broadcast %reduce_min3A_451 : i32 to vector<16xi32>
    %reduce_min3A_453 = arith.xori %select_n3A_448, %reduce_min3A_452 : vector<16xi32>
    %reduce_min3A_454 = tpu.scan <min>, %reduce_min3A_453 masked %reduce_min3A_450 : vector<16xi32>, vector<16xi1> -> vector<16xi32>
    %reduce_min3A_455 = arith.xori %reduce_min3A_454, %reduce_min3A_452 : vector<16xi32>
    %reduce_min3A_456 = vector.extract %reduce_min3A_455[15] : i32 from vector<16xi32>
    %ge3A_457 = arith.constant 0 : i32
    %ge3A_458 = arith.cmpi sge, %scan3A_315#1, %ge3A_457 : i32
    %xor3A_459 = arith.constant 2147483647 : i32
    %xor3A_460 = arith.xori %scan3A_315#1, %xor3A_459 : i32
    %select_n3A_461 = arith.select %ge3A_458, %scan3A_315#1, %xor3A_460 : i32
    %broadcast_in_dim3A_462 = vector.broadcast %select_n3A_461 : i32 to vector<16xi32>
    %bitcast_convert_type3A_463 = tpu.bitcast %broadcast_in_dim3A_462 : vector<16xi32> -> vector<16xf32>
    %broadcast_in_dim3A_464 = vector.broadcast %sub3A_341 : i32 to vector<16xi32>
    %convert_element_type3A_465 = arith.sitofp %broadcast_in_dim3A_464 : vector<16xi32> to vector<16xf32>
    %broadcast_in_dim3A_466 = vector.broadcast %reduce_sum3A_435 : f32 to vector<16xf32>
    %mul3A_467 = arith.mulf %convert_element_type3A_465, %bitcast_convert_type3A_463 : vector<16xf32>
    %add3A_468 = arith.addf %broadcast_in_dim3A_466, %mul3A_467 : vector<16xf32>
    %mul3A_469 = arith.constant 1.562500e-02 : f32
    %mul3A_470 = vector.broadcast %mul3A_469 : f32 to vector<16xf32>
    %mul3A_471 = arith.mulf %add3A_468, %mul3A_470 : vector<16xf32>
    %broadcast_in_dim3A_472 = vector.broadcast %reduce_min3A_456 : i32 to vector<16xi32>
    %bitcast_convert_type3A_473 = tpu.bitcast %broadcast_in_dim3A_472 : vector<16xi32> -> vector<16xf32>
    %eq3A_474 = arith.constant 1 : i32
    %eq3A_475 = vector.broadcast %eq3A_474 : i32 to vector<16xi32>
    %eq3A_476 = arith.cmpi eq, %iota3A, %eq3A_475 : vector<16xi32>
    %select_n3A_477 = arith.select %eq3A_476, %mul3A_471, %select_n3A_431 : vector<16xi1>, vector<16xf32>
    %eq3A_478 = arith.constant 3 : i32
    %eq3A_479 = vector.broadcast %eq3A_478 : i32 to vector<16xi32>
    %eq3A_480 = arith.cmpi eq, %iota3A, %eq3A_479 : vector<16xi32>
    %select_n3A_481 = arith.select %eq3A_480, %bitcast_convert_type3A_473, %select_n3A_477 : vector<16xi1>, vector<16xf32>
    %swap3A = arith.constant 0 : index
    %swap3A_482 = tpu.vector_load %arg12[%swap3A] {strides = array<i32>} : memref<16xf32, #tpu.memory_space<vmem>>, vector<16xf32>,
    tpu.vector_store %arg12[%swap3A], %select_n3A_481 {strides = array<i32>} : memref<16xf32, #tpu.memory_space<vmem>>, vector<16xf32>,
    "tpu.region"() ({
      %run_scoped3A = tpu.sem_alloc : memref<!tpu.dma_semaphore, #tpu.memory_space<semaphore_mem>>
      %dma_start3A_509 = arith.constant 0 : i32
      %dma_start3A_510 = tpu.memref_slice %arg4[%add3A, %dma_start3A_509] : memref<32x16xf32, #tpu.memory_space<hbm>> -> memref<1x16xf32, #tpu.memory_space<hbm>>
      %dma_start3A_511 = tpu.memref_squeeze %dma_start3A_510 : memref<1x16xf32, #tpu.memory_space<hbm>> -> memref<16xf32, #tpu.memory_space<hbm>>
      %dma_start3A_512 = arith.constant 0 : i32
      %dma_start3A_513 = tpu.memref_slice %arg4[%add3A, %dma_start3A_512] : memref<32x16xf32, #tpu.memory_space<hbm>> -> memref<1x16xf32, #tpu.memory_space<hbm>>
      %dma_start3A_514 = tpu.memref_squeeze %dma_start3A_513 : memref<1x16xf32, #tpu.memory_space<hbm>> -> memref<16xf32, #tpu.memory_space<hbm>>
      tpu.enqueue_dma source(%arg12 : memref<16xf32, #tpu.memory_space<vmem>>) target(%dma_start3A_514 : memref<16xf32, #tpu.memory_space<hbm>>) target_semaphore(%run_scoped3A : memref<!tpu.dma_semaphore, #tpu.memory_space<semaphore_mem>>)
      %dma_wait3A_515 = arith.constant 0 : i32
      %dma_wait3A_516 = tpu.memref_slice %arg4[%add3A, %dma_wait3A_515] : memref<32x16xf32, #tpu.memory_space<hbm>> -> memref<1x16xf32, #tpu.memory_space<hbm>>
      %dma_wait3A_517 = tpu.memref_squeeze %dma_wait3A_516 : memref<1x16xf32, #tpu.memory_space<hbm>> -> memref<16xf32, #tpu.memory_space<hbm>>
      %dma_wait3A_518 = arith.constant 0 : i32
      %dma_wait3A_519 = tpu.memref_slice %arg4[%add3A, %dma_wait3A_518] : memref<32x16xf32, #tpu.memory_space<hbm>> -> memref<1x16xf32, #tpu.memory_space<hbm>>
      %dma_wait3A_520 = tpu.memref_squeeze %dma_wait3A_519 : memref<1x16xf32, #tpu.memory_space<hbm>> -> memref<16xf32, #tpu.memory_space<hbm>>
      tpu.wait_dma2 semaphore(%run_scoped3A : memref<!tpu.dma_semaphore, #tpu.memory_space<semaphore_mem>>) src(%arg12 : memref<16xf32, #tpu.memory_space<vmem>>) dst(%dma_wait3A_520 : memref<16xf32, #tpu.memory_space<hbm>>)
      tpu.yield
    }) : () -> ()
    %dma_wait3A_483 = arith.constant 0 : i32
    %dma_wait3A_484 = arith.constant 0 : i32
    %dma_wait3A_485 = tpu.memref_slice %arg6[%dma_wait3A_483, %dma_wait3A_484] : memref<2x8192xf32, #tpu.memory_space<vmem>> -> memref<1x8192xf32, #tpu.memory_space<vmem>>
    %dma_wait3A_486 = tpu.memref_squeeze %dma_wait3A_485 : memref<1x8192xf32, #tpu.memory_space<vmem>> -> memref<8192xf32, #tpu.memory_space<vmem>>
    %dma_wait3A_487 = arith.constant 0 : i32
    %dma_wait3A_488 = tpu.memref_slice %arg3[%add3A_357, %dma_wait3A_487] : memref<64x8192xf32, #tpu.memory_space<hbm>> -> memref<1x8192xf32, #tpu.memory_space<hbm>>
    %dma_wait3A_489 = tpu.memref_squeeze %dma_wait3A_488 : memref<1x8192xf32, #tpu.memory_space<hbm>> -> memref<8192xf32, #tpu.memory_space<hbm>>
    %dma_wait3A_490 = arith.constant 0 : i32
    %dma_wait3A_491 = tpu.memref_slice %arg3[%add3A_357, %dma_wait3A_490] : memref<64x8192xf32, #tpu.memory_space<hbm>> -> memref<1x8192xf32, #tpu.memory_space<hbm>>
    %dma_wait3A_492 = tpu.memref_squeeze %dma_wait3A_491 : memref<1x8192xf32, #tpu.memory_space<hbm>> -> memref<8192xf32, #tpu.memory_space<hbm>>
    %dma_wait3A_493 = arith.constant 0 : i32
    %dma_wait3A_494 = tpu.memref_slice %arg6[%dma_wait3A_483, %dma_wait3A_493] : memref<2x8192xf32, #tpu.memory_space<vmem>> -> memref<1x8192xf32, #tpu.memory_space<vmem>>
    %dma_wait3A_495 = tpu.memref_squeeze %dma_wait3A_494 : memref<1x8192xf32, #tpu.memory_space<vmem>> -> memref<8192xf32, #tpu.memory_space<vmem>>
    tpu.wait_dma2 semaphore(%arg15 : memref<!tpu.dma_semaphore, #tpu.memory_space<semaphore_mem>>) src(%dma_wait3A_495 : memref<8192xf32, #tpu.memory_space<vmem>>) dst(%dma_wait3A_492 : memref<8192xf32, #tpu.memory_space<hbm>>)
    %dma_wait3A_496 = arith.constant 1 : i32
    %dma_wait3A_497 = arith.constant 0 : i32
    %dma_wait3A_498 = tpu.memref_slice %arg6[%dma_wait3A_496, %dma_wait3A_497] : memref<2x8192xf32, #tpu.memory_space<vmem>> -> memref<1x8192xf32, #tpu.memory_space<vmem>>
    %dma_wait3A_499 = tpu.memref_squeeze %dma_wait3A_498 : memref<1x8192xf32, #tpu.memory_space<vmem>> -> memref<8192xf32, #tpu.memory_space<vmem>>
    %dma_wait3A_500 = arith.constant 0 : i32
    %dma_wait3A_501 = tpu.memref_slice %arg3[%add3A_372, %dma_wait3A_500] : memref<64x8192xf32, #tpu.memory_space<hbm>> -> memref<1x8192xf32, #tpu.memory_space<hbm>>
    %dma_wait3A_502 = tpu.memref_squeeze %dma_wait3A_501 : memref<1x8192xf32, #tpu.memory_space<hbm>> -> memref<8192xf32, #tpu.memory_space<hbm>>
    %dma_wait3A_503 = arith.constant 0 : i32
    %dma_wait3A_504 = tpu.memref_slice %arg3[%add3A_372, %dma_wait3A_503] : memref<64x8192xf32, #tpu.memory_space<hbm>> -> memref<1x8192xf32, #tpu.memory_space<hbm>>
    %dma_wait3A_505 = tpu.memref_squeeze %dma_wait3A_504 : memref<1x8192xf32, #tpu.memory_space<hbm>> -> memref<8192xf32, #tpu.memory_space<hbm>>
    %dma_wait3A_506 = arith.constant 0 : i32
    %dma_wait3A_507 = tpu.memref_slice %arg6[%dma_wait3A_496, %dma_wait3A_506] : memref<2x8192xf32, #tpu.memory_space<vmem>> -> memref<1x8192xf32, #tpu.memory_space<vmem>>
    %dma_wait3A_508 = tpu.memref_squeeze %dma_wait3A_507 : memref<1x8192xf32, #tpu.memory_space<vmem>> -> memref<8192xf32, #tpu.memory_space<vmem>>
    tpu.wait_dma2 semaphore(%arg16 : memref<!tpu.dma_semaphore, #tpu.memory_space<semaphore_mem>>) src(%dma_wait3A_508 : memref<8192xf32, #tpu.memory_space<vmem>>) dst(%dma_wait3A_505 : memref<8192xf32, #tpu.memory_space<hbm>>)
    return
  }
}

</mosaic_0001>

<sc_bundles>
// kernel: kernel.3.cloned.1.call-start
scs
__scs_entry_jumppad:
0x0: {  	(pc) =	sbr.rel $0x88, $3  }
0x1: {  	(tag) =	ssettag $0x0;
	lr =	simm.s32 $0x1  }
0x2: {  	[smem:$0x3FA0] =	sst lr;
	_ =	strace $0xD0000000  }
0x3: {  	_ = 	snop  }
0x4: {  	_ = 	snop  }
0x5: {  	_ = 	snop  }
0x6: {  	_ = 	snop  }
0x7: {  	_ = 	snop  }
__scs_overlays_trampoline_lowered:
0x8: {  	[smem:$0x3FAF] =	sst s0  }
0x9: {  	[smem:$0x3FB0] =	sst s1  }
0xa: {  	[smem:$0x3FB1] =	sst s2  }
0xb: {  	[smem:$0x3FB2] =	sst s3  }
0xc: {  	[smem:$0x3FB3] =	sst s4  }
0xd: {  	[smem:$0x3FB4] =	sst s5  }
0xe: {  	[smem:$0x3FB5] =	sst s6  }
0xf: {  	[smem:$0x3FB6] =	sst s7  }
0x10: {  	[smem:$0x3FB7] =	sst s8  }
0x11: {  	[smem:$0x3FB8] =	sst s9;
	s0 =	simm.s32 @!p0 $0x0  }
0x12: {  	s1 =	sld [smem:$0x3F9E];
	s0 =	simm.s32 @p0 $0x1  }
0x13: {  	[smem:$0x3FB9] =	sst s0;
	s0 =	simm.s32 @!p1 $0x0  }
0x14: {  	s2 =	sld [smem:$0x3F9D];
	s0 =	simm.s32 @p1 $0x1  }
0x15: {  	[smem:$0x3FBA] =	sst s0;
	s0 =	simm.s32 @!p2 $0x0  }
0x16: {  	s3 =	sld [smem:$0x3FDB];
	s0 =	simm.s32 @p2 $0x1  }
0x17: {  	s4 =	simm.s32 $0x1BF5;
	[smem:$0x3FBC] =	sst s0  }
0x18: {  	s0 =	sld [smem:$0x3F9F];
	_ =	swait.ge [sflag:s4], $0x0  }
0x19: {  	s7 =	sld [smem:$0x3FA0]  }
0x1a: {  	s8 =	sadd.s32 $0xFFFFE003, lr  }
0x1b: {  	s9 =	sadd.s32 $0xFFFFFEF7, lr;
	s5 =	simm.s32 $0xFFFFFFFF;
	p2 =	slt.u32 s8, $0xFFFFF086  }
0x1c: {  	p1 =	slt.u32 s9, $0xF7A;
	s5 =	simm.s32 @!p2 $0x0  }
0x1d: {  	s5 =	simm.s32 @p1 $0x1;
	p0 =	seq.s32 s7, s2  }
0x1e: {  	s7 =	smul.u32 @!p0 $0xF7A, s2;
	p2 =	seq.s32 @!p0 s5, $0x0  }
0x1f: {  	s9 =	smul.u32 $0xF7A, s1;
	s8 =	simm.s32 @!p0 $0x1BF5;
	p2 =	por !p2, p0  }
0x20: {  	[sflag:s8] =	ssyncset.s32 @!p0 $0xFFFFF086;
	s6 =	sadd.s32 @!p0 s3, s7;
	s7 =	simm.s32 @!p0 $0x108  }
0x21: {  	s3 =	sadd.s32 s3, s9;
	s6 =	sadd.s32 @!p0 $0x88, s6;
	s7 =	simm.s32 @p2 $0x1082  }
0x22: {  	[simem:s7], [sflag:s8] =	dma.local @!p0 [hbm:s6], $0xF7A  }
0x23: {  	s9 =	sor.u32 $0xD0000000, s2;
	s6 =	simm.s32 $0x108;
	_ =	swait.ge @!p0 [sflag:s8], $0x0  }
0x24: {  	s3 =	sadd.s32 $0x88, s3;
	s6 =	simm.s32 @!p1 $0x1082;
	[sflag:s4] =	ssyncset.s32 $0xFFFFF086  }
0x25: {  	[simem:s6], [sflag:s4] =	dma.local [hbm:s3], $0xF7A  }
0x26: {  	[smem:$0x3FA0] =	sst s1;
	(tag) =	ssettag s2;
	_ =	strace s9  }
0x27: {  	s1 =	sld [smem:$0x3FB0]  }
0x28: {  	s2 =	sld [smem:$0x3FB1]  }
0x29: {  	s4 =	sld [smem:$0x3FB3]  }
0x2a: {  	p0 =	seq.s32 s5, $0x0;
	s5 =	sld [smem:$0x3FB4]  }
0x2b: {  	s6 =	sld [smem:$0x3FB5]  }
0x2c: {  	s7 =	sld [smem:$0x3FB6]  }
0x2d: {  	s3 =	simm.s32 $0x108;
	s8 =	sld [smem:$0x3FB7]  }
0x2e: {  	s3 =	simm.s32 @!p0 $0x1082;
	s9 =	sld [smem:$0x3FB8]  }
0x2f: {  	lr =	sadd.s32 s0, s3;
	s0 =	sld [smem:$0x3FAF]  }
0x30: {  	s3 =	sld [smem:$0x3FB2]  }
0x31: {  	[smem:$0x3FBB] =	sst s10  }
0x32: {  	s10 =	sld [smem:$0x3FB9];
	_ =	sdelay $0x3  }
0x33: {  	p0 =	seq.s32 s10, $0x1;
	s10 =	sld [smem:$0x3FBB];
	_ =	sdelay $0x3  }
0x34: {  	[smem:$0x3FBB] =	sst s10  }
0x35: {  	s10 =	sld [smem:$0x3FBA];
	_ =	sdelay $0x3  }
0x36: {  	p1 =	seq.s32 s10, $0x1;
	s10 =	sld [smem:$0x3FBB];
	_ =	sdelay $0x3  }
0x37: {  	[smem:$0x3FBB] =	sst s10  }
0x38: {  	s10 =	sld [smem:$0x3FBC]  }
0x39: {  	_ = 	snop;
	(pc) =	sbr.ind lr, $3  }
0x3a: {  	_ = 	snop  }
0x3b: {  	_ = 	snop  }
0x3c: {  	p2 =	seq.s32 s10, $0x1;
	s10 =	sld [smem:$0x3FBB]  }
0x3d: {  	_ =	shalt  }
0x3e: {  	_ =	shalt  }
0x3f: {  	_ =	shalt  }
0x40: {  	_ =	shalt  }
0x41: {  	_ =	shalt  }
0x42: {  	_ =	shalt  }
0x43: {  	_ =	shalt  }
0x44: {  	_ =	shalt  }
0x45: {  	_ =	shalt  }
0x46: {  	_ =	shalt  }
0x47: {  	_ =	shalt  }
0x48: {  	_ =	shalt  }
0x49: {  	_ =	shalt  }
0x4a: {  	_ =	shalt  }
0x4b: {  	_ =	shalt  }
0x4c: {  	_ =	shalt  }
0x4d: {  	_ =	shalt  }
0x4e: {  	_ =	shalt  }
0x4f: {  	_ =	shalt  }
0x50: {  	_ =	shalt  }
0x51: {  	_ =	shalt  }
0x52: {  	_ =	shalt  }
0x53: {  	_ =	shalt  }
0x54: {  	_ =	shalt  }
0x55: {  	_ =	shalt  }
0x56: {  	_ =	shalt  }
0x57: {  	_ =	shalt  }
0x58: {  	_ =	shalt  }
0x59: {  	_ =	shalt  }
0x5a: {  	_ =	shalt  }
0x5b: {  	_ =	shalt  }
0x5c: {  	_ =	shalt  }
0x5d: {  	_ =	shalt  }
0x5e: {  	_ =	shalt  }
0x5f: {  	_ =	shalt  }
0x60: {  	_ =	shalt  }
0x61: {  	_ =	shalt  }
0x62: {  	_ =	shalt  }
0x63: {  	_ =	shalt  }
0x64: {  	_ =	shalt  }
0x65: {  	_ =	shalt  }
0x66: {  	_ =	shalt  }
0x67: {  	_ =	shalt  }
0x68: {  	_ =	shalt  }
0x69: {  	_ =	shalt  }
0x6a: {  	_ =	shalt  }
0x6b: {  	_ =	shalt  }
0x6c: {  	_ =	shalt  }
0x6d: {  	_ =	shalt  }
0x6e: {  	_ =	shalt  }
0x6f: {  	_ =	shalt  }
0x70: {  	_ =	shalt  }
0x71: {  	_ =	shalt  }
0x72: {  	_ =	shalt  }
0x73: {  	_ =	shalt  }
0x74: {  	_ =	shalt  }
0x75: {  	_ =	shalt  }
0x76: {  	_ =	shalt  }
0x77: {  	_ =	shalt  }
0x78: {  	_ =	shalt  }
0x79: {  	_ =	shalt  }
0x7a: {  	_ =	shalt  }
0x7b: {  	_ =	shalt  }
0x7c: {  	_ =	shalt  }
0x7d: {  	_ =	shalt  }
0x7e: {  	_ =	shalt  }
0x7f: {  	_ =	shalt  }
0x80: {  	_ =	shalt  }
0x81: {  	_ =	shalt  }
0x82: {  	_ =	shalt  }
0x83: {  	_ =	shalt  }
0x84: {  	_ =	shalt  }
0x85: {  	_ =	shalt  }
0x86: {  	_ =	shalt  }
0x87: {  	_ =	shalt  }
.Lfunc_end0:
.L_simem_size_0:
called_computation_lowered:
.L_overlay_start_0:
0x88: {  	s2 =	sld [smem:$0x3FD9]  }
0x89: {  	s3 =	sld [smem:$0x3FFE];
	_ =	sdelay $0x1  }
0x8a: {  	s1 =	srdreg.scid  }
0x8b: {  	s0 =	sand.u32 $0x1, s1  }
0x8c: {  	s14 =	sshll.u32 s0, $0xA;
	s2 =	sadd.s32 s3, s2  }
0x8d: {  	s2 =	sadd.s32 s2, s14  }
0x8e: {  	[smem:$0x3FC7] =	sst s2  }
0x8f: {  	_ = 	snop  }
0x90: {  	s2 =	sld [smem:$0x3FD0];
	_ =	sdelay $0x2  }
0x91: {  	s15 =	simm.s32 $0xA;
	s4 =	simm.s32 $0x10  }
0x92: {  	[smem:s4], [sflag:s15] =	dma.local [hbm:s2], $0x1  }
0x93: {  	_ =	swait.eq [sflag:s15], $0x1  }
0x94: {  	[sflag:s15] =	ssyncset.done $0x0  }
0x95: {  	[sflag:s15] =	ssyncadd.s32 $0xFFFFFFFF  }
0x96: {  	s16 =	sld [smem:$0x12];
	(tm) =	ssettm $0x1  }
0x97: {  	s17 =	sld [smem:$0x3FFB];
	_ =	sdelay $0x3  }
0x98: {  	_ =	strace s17  }
0x99: {  	s3 =	sld [smem:$0x3FFC];
	_ =	sdelay $0x3  }
0x9a: {  	_ =	strace s3  }
0x9b: {  	s3 =	sld [smem:$0x3FFD];
	_ =	sdelay $0x3  }
0x9c: {  	_ =	strace s3  }
0x9d: {  	_ =	strace $0x8FFFFFFF  }
0x9e: {  	s18 =	sld [smem:$0x3FDB];
	_ =	sdelay $0x1  }
0x9f: {  	s19 =	simm.s32 $_scs_section_size  }
0xa0: {  	s5 =	simm.s32 $_size__tile_overlayer_lowered;
	s6 =	simm.s32 $_tile_overlayer_lowered  }
0xa1: {  	s22 =	simm.s32 $0x1BFF;
	s21 =	sshll.u32 s6, $0x1;
	s3 =	sadd.s32 s19, s18  }
0xa2: {  	s7 =	simm.s32 $0x0;
	s20 =	sshll.u32 s5, $0x1;
	s5 =	sadd.s32 s21, s3  }
0xa3: {  	[timem:s7], [sflag:s22] =	dma.local [hbm:s5], s20  }
0xa4: {  	_ =	swait.ge [sflag:s22], s20  }
0xa5: {  	s4 =	ssub.s32 $0x0, s20;
	[sflag:s22] =	ssyncset.done $0x0  }
0xa6: {  	[sflag:s22] =	ssyncadd.s32 s4;
	_ =	sdelay $0x1  }
0xa7: {  	s23 =	simm.s32 $0x1B8B  }
0xa8: {  	_ =	swait.ge [sflag:s23], $0x1  }
0xa9: {  	[sflag:s23] =	ssyncset.done $0x0  }
0xaa: {  	s25 =	simm.s32 $0x1B8E;
	s24 =	sld [smem:$0x3FFE];
	[sflag:s23] =	ssyncadd.s32 $0xFFFFFFFF  }
0xab: {  	s26 =	simm.s32 $execute0_lowered;
	[smem:$0x3FD2] =	sst s25  }
0xac: {  	s5 =	sshll.u32 s26, $0x1;
	_ =	strace $0x80000046;
	[dreg:$0x1] =	wrdreg $0xFFFFFFFF  }
0xad: {  	s28 =	simm.s32 $_size_execute0_lowered;
	s3 =	sadd.s32 s3, s5;
	[dreg:$0x0] =	wrdreg $0x0  }
0xae: {  	s5 =	sshll.u32 s28, $0x1;
	[dreg:$0x2] =	wrdreg s3  }
0xaf: {  	[dreg:$0x3] =	wrdreg s5  }
0xb0: {  	[dreg:$0x4] =	wrdreg $0xC0  }
0xb1: {  	_ =	task [dreg:s7], $0x5FFFF  }
0xb2: {  	[dreg:$0x1] =	wrdreg $0xFFFFFFFF  }
0xb3: {  	[dreg:$0x0] =	wrdreg $0x60  }
0xb4: {  	[dreg:$0x2] =	wrdreg s16  }
0xb5: {  	[dreg:$0x3] =	wrdreg s24  }
0xb6: {  	[dreg:$0x4] =	wrdreg $0x9  }
0xb7: {  	_ =	task.clear_ibuf [dreg:s7], $0x5FFFF;
	_ =	strace $0x90000046  }
0xb8: {  	s29 =	simm.s32 $0x9;
	_ =	strace $0x80000048  }
0xb9: {  	_ =	swait.ge [sflag:s29], $0x1  }
0xba: {  	[sflag:s29] =	ssyncadd.s32 $0xFFFFFFFF  }
0xbb: {  	_ =	strace $0x90000048  }
0xbc: {  	_ =	sfence  }
0xbd: {  	s30 =	sld [smem:$0x0];
	_ =	sdelay $0x2  }
0xbe: {  	s31 =	sshll.u32 s1, $0xD;
	s1 =	sshrl.u32 s1, $0x2  }
0xbf: {  	s3 =	sand.u32 $0x4000, s31;
	s1 =	sadd.s32 s1, s30  }
0xc0: {  	s0 =	sor.u32 s3, s0;
	s1 =	sshll.u32 s1, $0x11  }
0xc1: {  	s0 =	sor.u32 s1, s0  }
0xc2: {  	s0 =	sadd.s32 $0x8F2B, s0  }
0xc3: {  	[sflag:s0] =	ssyncadd.remote.s32 $0x1  }
0xc4: {  	_ =	sfence.sel $0xFFFF  }
0xc5: {  	[dreg:$0x0] =	wrdreg $0xFFFFFFFF;
	(pc) =	sbr.abs _section_cstart, $3  }
0xc6: {  	[dreg:$0x1] =	wrdreg $0xFFFFFFFF  }
0xc7: {  	_ =	task.clear_ibuf [dreg:s7], $0x2FFFF;
	_ =	strace $0x9FFFFFFF  }
0xc8: {  	(tm) =	ssettm $0x7FFFFFFF  }
0xc9: {  	_ =	shalt  }
tec
execute0_lowered:
.L_overlay_start_1:
0x0: {  	(tag) =	ssettag $0x1  }
0x1: {  	s0 =	rddreg [dreg:$0x0]  }
0x2: {  	s1 =	rddreg [dreg:$0x1];
	s3 =	srdreg.scid  }
0x3: {  	s2 =	simm.s32 $0x0;
	s5 =	stileid.u32;
	s12 =	simm.s32 $0xC000  }
0x4: {  	s13 =	simm.s32 $0xE200;
	s14 =	simm.s32 $0x12220;
	s15 =	simm.s32 $0x10210  }
0x5: {  	s16 =	simm.s32 $0x14230;
	s17 =	simm.s32 $0x800000;
	s3 =	sand.u32 $0x1, s3  }
0x6: {  	s18 =	simm.s32 $0x4000;
	[smem:$0x7FF] =	sst s2;
	s4 =	sshll.u32 s3, $0x4  }
0x7: {  	s23 =	sadd.s32 $0xA00, s1;
	s3 =	ssub.s32 $0x2, s3;
	s4 =	sor.u32 s5, s4  }
0x8: {  	s24 =	sshrl.u32 s3, $0x1;
	s6 =	sshll.u32 s4, $0x1;
	s4 =	sshll.u32 s4, $0xB  }
0x9: {  	_ =	strace $0x80000047;
	s3 =	ssub.s32 s3, s24;
	s25 =	sadd.s32 s0, s4  }
0xa: {  	s26 =	sor.u32 $0x400, s4;
	s28 =	sadd.s32 s23, s4;
	[dreg:$0x3] =	wrdreg s25  }
.Ltmp0:
0xb: {  	v0 =	vlaneseq.u32;
	v1 =	vimm.s32 $0x0;
	v3 =	vimm.s32 $0x1;
	s31 =	smax.u32 s3, $0x1;
	[dreg:$0x5] =	wrdreg s28;
	(pc) =	sbr.rel .LBB2_1-.Ltmp0, $4  }
0xc: {  	s19 =	simm.s32 $0x6000;
	vm0 =	vcmask $0x310;
	vm1 =	vcmask $0xB08;
	v8 =	vimm.s32 $0x0;
	s0 =	sadd.s32 s0, s26;
	[dreg:$0x8] =	wrdreg s31  }
0xd: {  	v4 =	vmul.u32 $0x100, v0;
	v5 =	vmul.u32 $0xFFFFFFFF, v0;
	vm0 =	vmor vm0, vm1;
	s1 =	sadd.s32 s6, s1;
	s29 =	sadd.s32 s23, s26;
	[dreg:$0x4] =	wrdreg s0  }
0xe: {  	v6 =	vimm.f32 $0.0e+00;
	v7 =	vimm.f32 $1.562500000e-02;
	s22 =	simm.s32 $0x3;
	v8 =	vsel vm0, $0xFFFFFFFF, v8;
	s30 =	sadd.s32 $0x10A00, s1;
	[dreg:$0x6] =	wrdreg s29  }
0xf: {  	v2 =	vor.u32 $0x80, v4;
	v4 =	vor.u32 $0x1080, v4;
	v5 =	vadd.s32 $0xF, v5;
	[tilespmem:$0x1FFF0] =	vst v8;
	s24 =	simm.s32 $0x0;
	s23 =	simm.s32 $0x4;
	[dreg:$0x7] =	wrdreg s30  }
.LBB2_25:
0x10: {  	v19 =	vmov s1  }
.LBB2_41:
0x11: {  	v8 =	vxor.u32 $0x80000000, v14  }
0x12: {  	(xrf0) =	vmax.scan.msk.u32 $0xffff, v8;
	_ =	sdelay $0x5  }
0x13: {  	v8, _, _ =	vpop (xrf0)  }
0x14: {  	(v2sf) =	vpush v8, $0xF;
	_ =	sdelay $0xe  }
0x15: {  	s0 =	spop (v2sf)  }
0x16: {  	s0 =	sxor.u32 $0x80000000, s0  }
0x17: {  	v8 =	vxor.u32 $0x80000000, v17;
	vm0 =	veq.s32 v14, s0  }
0x18: {  	v8 =	vnsel vm0, $0x80002000, v8  }
0x19: {  	(xrf0) =	vmin.scan.msk.u32 $0xffff, v8;
	v8 =	vxor.u32 $0x80000000, v15  }
0x1a: {  	(xrf0) =	vmax.scan.msk.u32 $0xffff, v8;
	_ =	sdelay $0x4  }
0x1b: {  	v8, _, _ =	vpop (xrf0)  }
0x1c: {  	(v2sf) =	vpush v8, $0xF;
	v8, _, _ =	vpop (xrf0)  }
0x1d: {  	(v2sf) =	vpush v8, $0xF;
	_ =	sdelay $0xd  }
0x1e: {  	s20 =	spop (v2sf)  }
0x1f: {  	s1 =	spop (v2sf)  }
0x20: {  	s1 =	sxor.u32 $0x80000000, s1  }
0x21: {  	v8 =	vxor.u32 $0x80000000, v16;
	vm11 =	veq.s32 v15, s1  }
0x22: {  	v8 =	vnsel vm11, $0x80002000, v8  }
0x23: {  	(xrf0) =	vmin.scan.msk.u32 $0xffff, v8;
	_ =	sdelay $0x5  }
0x24: {  	v8, _, _ =	vpop (xrf0)  }
0x25: {  	(xrf2) =	vadd.scan.msk.f32 $0xffff, v12;
	(v2sf) =	vpush v8, $0xF;
	_ =	sdelay $0x1  }
0x26: {  	(xrf2) =	vadd.scan.msk.f32 $0xffff, v13;
	_ =	sdelay $0x4  }
0x27: {  	s3 =	sxor.u32 $0x7FFFFFFF, s26;
	p1 =	slt.s32 s26, $0x0  }
0x28: {  	p0 =	slt.s32 s25, $0x0;
	v10 =	vcvt.s32.f32 v19;
	s26 =	smov.u32 @p1 s3;
	s1 =	sxor.u32 $0x7FFFFFFF, s25  }
0x29: {  	v9 =	vcvt.s32.f32 v18;
	v56 =	vmov s26;
	s25 =	smov.u32 @p0 s1  }
0x2a: {  	v10 =	vmul.f32 v10, v56;
	v11 =	vmov s25;
	v8, _, _ =	vpop (xrf2)  }
0x2b: {  	v9 =	vmul.f32 v9, v11;
	v8 =	vbroadcast v8, $0xF  }
0x2c: {  	v57, _, _ =	vpop (xrf2)  }
0x2d: {  	v63 =	vld [tilespmem:$0x1FFF0];
	v10 =	vbroadcast v10, $0x0;
	v58 =	vbroadcast v57, $0xF;
	v8 =	vadd.f32 v8, v9  }
0x2e: {  	s0 =	sxor.u32 $0x80000000, s20  }
0x2f: {  	v59 =	vmov s0;
	v9 =	vadd.f32 v58, v10;
	v8 =	vmul.f32 $1.562500000e-02, v8;
	s21 =	spop (v2sf)  }
0x30: {  	vm12 =	vmmov $0x1;
	vm13 =	vcmask $0x310;
	v60 =	vbroadcast v59, $0x0;
	s0 =	sxor.u32 $0x80000000, s21  }
0x31: {  	s25 =	rddreg [dreg:$0x5];
	v9 =	vmul.f32 $1.562500000e-02, v9;
	v8 =	vnsel vm12, $0x0, v8;
	v61 =	vmov s0  }
0x32: {  	vm14 =	vnez.u8 v63;
	[hbm4b:s25+s2] =	stream.linear.scatter [tilespmem:s18], [sflag:$0x3], $0x2000, $0x38;
	v8 =	vsel vm13, v8, v60;
	v62 =	vbroadcast v61, $0x0;
	[tilespmem:$0x16250] =	vst v63  }
0x33: {  	vm15 =	vcmask $0xB10;
	s26 =	rddreg [dreg:$0x6];
	v8 =	vsel vm14, v8, v9  }
0x34: {  	[hbm4b:s26+s2] =	stream.linear.scatter [tilespmem:s19], [sflag:$0x4], $0x2000, $0x38;
	v8 =	vsel vm15, v8, v62;
	[tilespmem:$0x16250] =	vst v63  }
0x35: {  	s28 =	rddreg [dreg:$0x7];
	s29 =	simm.s32 $0x16240;
	s30 =	simm.s32 $0x5;
	[tilespmem:$0x16240] =	vst v8  }
0x36: {  	[hbm4b:s28+s2] =	stream.linear.scatter [tilespmem:s29], [sflag:$0x5], $0x10, $0x38;
	[tilespmem:$0x16250] =	vst v63  }
0x37: {  	_ =	swait.ge [sflag:s30], $0x10  }
0x38: {  	[sflag:s30] =	ssyncset.done $0x0  }
0x39: {  	[sflag:s30] =	ssyncadd.s32 $0xFFFFFFF0  }
0x3a: {  	_ =	swait.ge [sflag:s22], $0x2000  }
0x3b: {  	[sflag:s22] =	ssyncset.done $0x0  }
0x3c: {  	[sflag:s22] =	ssyncadd.s32 $0xFFFFE000  }
0x3d: {  	_ =	swait.ge [sflag:s23], $0x2000  }
0x3e: {  	s24 =	sadd.s32 $0x1, s24;
	s31 =	rddreg [dreg:$0x8]  }
0x3f: {  	p0 =	sne.s32 s24, s31  }
.Ltmp1:
0x40: {  	_ = 	snop;
	(pc) =	sbr.rel @!p0 .LBB2_42-.Ltmp1, $3  }
0x41: {  	_ =	sdelay $0x1  }
0x42: {  	[sflag:s23] =	ssyncset.done $0x0  }
0x43: {  	[sflag:s23] =	ssyncadd.s32 $0xFFFFE000  }
.LBB2_1:
0x44: {  	s0 =	rddreg [dreg:$0x3]  }
0x45: {  	[tilespmem:s2], [sflag:$0x1] =	stream.linear.gather [hbm4b:s0+s2], $0x2000, $0x38;
	[tilespmem:$0x16250] =	vst v63  }
0x46: {  	s31 =	rddreg [dreg:$0x4];
	s1 =	simm.s32 $0x2000;
	s0 =	simm.s32 $0xC040  }
0x47: {  	[tilespmem:s1], [sflag:$0x2] =	stream.linear.gather [hbm4b:s31+s2], $0x2000, $0x38;
	[tilespmem:$0x16250] =	vst v63  }
0x48: {  	[tilespmem:s0+$0xFFFFFFC0] =	vst v1  }
0x49: {  	[tilespmem:s0+$0x30] =	vst v1  }
0x4a: {  	[tilespmem:s0+$0x20] =	vst v1  }
0x4b: {  	[tilespmem:s0+$0x10] =	vst v1  }
0x4c: {  	[tilespmem:s0+$0x0] =	vst v1  }
0x4d: {  	[tilespmem:s0+$0xFFFFFFF0] =	vst v1  }
0x4e: {  	s1 =	simm.s32 $0x0;
	[tilespmem:s0+$0xFFFFFFE0] =	vst v1  }
.LBB2_2:
0x4f: {  	s1 =	sadd.s32 $0x8, s1;
	[tilespmem:s0+$0xFFFFFFD0] =	vst v1;
	s0 =	sadd.s32 $0x80, s0  }
0x50: {  	[tilespmem:s0+$0xFFFFFFC0] =	vst v1;
	p0 =	slt.u32 s1, $0x1F8  }
0x51: {  	[tilespmem:s0+$0x30] =	vst v1  }
.Ltmp2:
0x52: {  	[tilespmem:s0+$0x20] =	vst v1;
	(pc) =	sbr.rel @p0 .LBB2_2-.Ltmp2, $4  }
0x53: {  	[tilespmem:s0+$0x10] =	vst v1  }
0x54: {  	[tilespmem:s0+$0x0] =	vst v1  }
0x55: {  	[tilespmem:s0+$0xFFFFFFF0] =	vst v1  }
0x56: {  	[tilespmem:s0+$0xFFFFFFE0] =	vst v1  }
0x57: {  	[tilespmem:s0+$0xFFFFFFD0] =	vst v1;
	s29 =	simm.s32 $0x1  }
0x58: {  	_ =	swait.ge [sflag:s29], $0x2000  }
0x59: {  	[sflag:s29] =	ssyncset.done $0x0  }
0x5a: {  	s30 =	simm.s32 $0x2;
	[sflag:s29] =	ssyncadd.s32 $0xFFFFE000  }
0x5b: {  	_ =	swait.ge [sflag:s30], $0x2000  }
0x5c: {  	[sflag:s30] =	ssyncset.done $0x0  }
0x5d: {  	s31 =	simm.s32 $0x2000;
	[sflag:s30] =	ssyncadd.s32 $0xFFFFE000  }
0x5e: {  	v8 =	vld [tilespmem:s31+$0xFFFFE030];
	_ =	sdelay $0x4  }
0x5f: {  	v10 =	vxor.u32 $0x7FFFFFFF, v8;
	vm3 =	vlt.s32 v8, $0x0  }
0x60: {  	v9 =	vld [tilespmem:s31+$0xFFFFE020];
	vm4 =	veq.s32 v8, $0x80000000;
	v8 =	vsel vm3, v10, v8  }
0x61: {  	v8 =	vsel vm4, $0x0, v8  }
0x62: {  	v10 =	vshra.s32 v8, $0x18  }
0x63: {  	v13 =	vld [tilespmem:s31+$0xFFFFE000];
	v10 =	vadd.s32 v2, v10  }
0x64: {  	v11 =	vld [tilespmem:s31+$0xFFFFE010]  }
0x65: {  	v12 =	vxor.u32 $0x7FFFFFFF, v9;
	vm3 =	vlt.s32 v9, $0x0  }
0x66: {  	s1 =	simm.s32 $0xA000;
	s3 =	simm.s32 $0x2040;
	v12 =	vsel vm3, v12, v9;
	vm3 =	veq.s32 v9, $0x80000000  }
0x67: {  	v19 =	vld [tilespmem:s3+$0xFFFFE000];
	v9 =	vsel vm3, $0x0, v12;
	[tilespmem:s1+$0xFFFFE030] =	vst v8  }
0x68: {  	v14 =	vxor.u32 $0x7FFFFFFF, v13;
	v12 =	vshra.s32 v9, $0x18;
	[tilespmem:v10+s12+$0x0] =	vst.idx.add.s32.msk $0xffff, v3  }
0x69: {  	vm4 =	vlt.s32 v11, $0x0;
	v8 =	vadd.s32 v2, v12;
	v10 =	vxor.u32 $0x7FFFFFFF, v11;
	v12 =	vld [tilespmem:s31+$0x30]  }
0x6a: {  	vm5 =	vlt.s32 v13, $0x0;
	vm3 =	veq.s32 v11, $0x80000000;
	v10 =	vsel vm4, v10, v11;
	v11 =	vld [tilespmem:s3+$0xFFFFE030]  }
0x6b: {  	v14 =	vsel vm5, v14, v13;
	vm4 =	veq.s32 v13, $0x80000000  }
0x6c: {  	v10 =	vsel vm3, $0x0, v10;
	v13 =	vsel vm4, $0x0, v14;
	v14 =	vld [tilespmem:s3+$0xFFFFE020]  }
0x6d: {  	[tilespmem:s1+$0xFFFFE020] =	vst v9;
	v9 =	vshra.s32 v10, $0x18;
	v15 =	vshra.s32 v13, $0x18  }
0x6e: {  	v20 =	vxor.u32 $0x7FFFFFFF, v19;
	[tilespmem:v8+s12+$0x0] =	vst.idx.add.s32.msk $0xffff, v3;
	v9 =	vadd.s32 v2, v9;
	v16 =	vadd.s32 v2, v15  }
0x6f: {  	v17 =	vld [tilespmem:s31+$0x20];
	v15 =	vxor.u32 $0x7FFFFFFF, v12;
	vm3 =	vlt.s32 v12, $0x0;
	v18 =	vxor.u32 $0x7FFFFFFF, v11  }
0x70: {  	v8 =	vld [tilespmem:s3+$0xFFFFE010];
	vm4 =	vlt.s32 v11, $0x0;
	vm5 =	veq.s32 v12, $0x80000000;
	vm6 =	veq.s32 v11, $0x80000000  }
0x71: {  	[tilespmem:s1+$0xFFFFE010] =	vst v10;
	v11 =	vsel vm4, v18, v11;
	v12 =	vsel vm3, v15, v12;
	v10 =	vxor.u32 $0x7FFFFFFF, v14  }
0x72: {  	vm3 =	vlt.s32 v14, $0x0;
	vm4 =	veq.s32 v14, $0x80000000;
	v18 =	vsel vm6, $0x0, v11  }
0x73: {  	v21 =	vsel vm5, $0x0, v12;
	vm5 =	vlt.s32 v19, $0x0;
	[tilespmem:v9+s12+$0x0] =	vst.idx.add.s32.msk $0xffff, v3;
	v9 =	vsel vm3, v10, v14  }
0x74: {  	vm6 =	veq.s32 v17, $0x80000000;
	v11 =	vsel vm4, $0x0, v9;
	v9 =	vshra.s32 v18, $0x18;
	v10 =	vld [tilespmem:s31+$0x10]  }
0x75: {  	[tilespmem:s1+$0xFFFFE000] =	vst v13;
	vm3 =	veq.s32 v8, $0x80000000;
	v12 =	vsel vm5, v20, v19;
	v15 =	vadd.s32 v2, v9  }
0x76: {  	[tilespmem:v16+s12+$0x0] =	vst.idx.add.s32.msk $0xffff, v3;
	vm5 =	veq.s32 v19, $0x80000000;
	vm4 =	vlt.s32 v17, $0x0;
	v14 =	vshra.s32 v11, $0x18  }
0x77: {  	v12 =	vsel vm5, $0x0, v12;
	v13 =	vld [tilespmem:s31+$0x0];
	v9 =	vxor.u32 $0x7FFFFFFF, v17;
	v14 =	vadd.s32 v2, v14  }
0x78: {  	s5 =	simm.s32 $0xA040;
	[tilespmem:s1+$0x30] =	vst v21;
	vm5 =	vlt.s32 v8, $0x0;
	v16 =	vshra.s32 v12, $0x18;
	v9 =	vsel vm4, v9, v17  }
0x79: {  	s6 =	simm.s32 $0x4;
	s7 =	simm.s32 $0x2080;
	s4 =	simm.s32 $0xA040;
	[tilespmem:s5+$0xFFFFE030] =	vst v18;
	v17 =	vshra.s32 v21, $0x18;
	v9 =	vsel vm6, $0x0, v9;
	vm4 =	veq.s32 v10, $0x80000000  }
.LBB2_4:
0x7a: {  	s6 =	sadd.s32 $0x4, s6;
	v18 =	vxor.u32 $0x7FFFFFFF, v8;
	[tilespmem:v15+s12+$0x0] =	vst.idx.add.s32.msk $0xffff, v3;
	v15 =	vxor.u32 $0x7FFFFFFF, v10;
	vm6 =	vlt.s32 v10, $0x0;
	s0 =	simm.s32 $0xE100  }
0x7b: {  	p0 =	slt.u32 s6, $0x1FC;
	v8 =	vsel vm5, v18, v8;
	[tilespmem:s5+$0xFFFFE020] =	vst v11;
	v11 =	vld [tilespmem:s3+$0x30];
	v10 =	vsel vm6, v15, v10;
	v15 =	vadd.s32 v4, v17  }
0x7c: {  	v17 =	vsel vm3, $0x0, v8;
	[tilespmem:v14+s12+$0x0] =	vst.idx.add.s32.msk $0xffff, v3;
	vm3 =	veq.s32 v13, $0x80000000;
	v10 =	vsel vm4, $0x0, v10  }
0x7d: {  	v18 =	vshra.s32 v9, $0x18;
	vm4 =	vlt.s32 v13, $0x0;
	v14 =	vld [tilespmem:s7+$0xFFFFE030];
	v8 =	vshra.s32 v17, $0x18;
	[tilespmem:s1+$0x10] =	vst v10  }
0x7e: {  	v21 =	vxor.u32 $0x7FFFFFFF, v13;
	v18 =	vadd.s32 v4, v18;
	v19 =	vld [tilespmem:s7+$0xFFFFE020];
	v20 =	vadd.s32 v2, v8  }
0x7f: {  	v16 =	vadd.s32 v2, v16;
	v13 =	vsel vm4, v21, v13;
	v10 =	vshra.s32 v10, $0x18;
	v8 =	vld [tilespmem:s7+$0xFFFFE010]  }
0x80: {  	v13 =	vsel vm3, $0x0, v13;
	v10 =	vadd.s32 v4, v10;
	[tilespmem:s5+$0xFFFFE000] =	vst v12;
	v12 =	vxor.u32 $0x7FFFFFFF, v11  }
0x81: {  	vm3 =	vlt.s32 v11, $0x0;
	vm4 =	veq.s32 v11, $0x80000000;
	v21 =	vld [tilespmem:s3+$0x20];
	[tilespmem:s1+$0x0] =	vst v13;
	v13 =	vshra.s32 v13, $0x18  }
0x82: {  	v22 =	vxor.u32 $0x7FFFFFFF, v14;
	vm5 =	vlt.s32 v14, $0x0;
	vm6 =	veq.s32 v14, $0x80000000;
	[tilespmem:v15+s12+$0x0] =	vst.idx.add.s32.msk $0xffff, v3  }
0x83: {  	v12 =	vsel vm3, v12, v11;
	v13 =	vadd.s32 v4, v13;
	v23 =	vld [tilespmem:s7+$0xFFFFE000];
	v14 =	vsel vm5, v22, v14;
	[tilespmem:s5+$0xFFFFE010] =	vst v17  }
0x84: {  	v11 =	vxor.u32 $0x7FFFFFFF, v19;
	vm5 =	vlt.s32 v19, $0x0;
	vm3 =	veq.s32 v8, $0x80000000;
	[tilespmem:v20+s12+$0x0] =	vst.idx.add.s32.msk $0xffff, v3  }
0x85: {  	s5 =	sadd.s32 $0x40, s5;
	v11 =	vsel vm5, v11, v19;
	vm5 =	veq.s32 v19, $0x80000000;
	v17 =	vsel vm6, $0x0, v14;
	[tilespmem:v10+s12+$0x0] =	vst.idx.add.s32.msk $0xffff, v3  }
0x86: {  	v11 =	vsel vm5, $0x0, v11;
	v14 =	vshra.s32 v17, $0x18;
	v10 =	vld [tilespmem:s3+$0x10];
	vm5 =	vlt.s32 v21, $0x0;
	[tilespmem:s1+$0x20] =	vst v9;
	s1 =	smov.u32 s4;
	s4 =	smov.u32 s5  }
0x87: {  	v9 =	vshra.s32 v11, $0x18;
	v15 =	vadd.s32 v2, v14;
	v19 =	vxor.u32 $0x7FFFFFFF, v21;
	[tilespmem:v18+s12+$0x0] =	vst.idx.add.s32.msk $0xffff, v3  }
.Ltmp3:
0x88: {  	v20 =	vsel vm4, $0x0, v12;
	v14 =	vadd.s32 v2, v9;
	v18 =	vxor.u32 $0x7FFFFFFF, v23;
	[tilespmem:v16+s12+$0x0] =	vst.idx.add.s32.msk $0xffff, v3;
	(pc) =	sbr.rel @p0 .LBB2_4-.Ltmp3, $4  }
0x89: {  	vm6 =	veq.s32 v21, $0x80000000;
	vm4 =	vlt.s32 v23, $0x0;
	[tilespmem:v13+s12+$0x0] =	vst.idx.add.s32.msk $0xffff, v3  }
0x8a: {  	v9 =	vsel vm4, v18, v23;
	vm4 =	veq.s32 v23, $0x80000000;
	v18 =	vsel vm5, v19, v21;
	v13 =	vld [tilespmem:s3+$0x0];
	[tilespmem:s1+$0x30] =	vst v20;
	s3 =	smov.u32 s7  }
0x8b: {  	vm5 =	vlt.s32 v8, $0x0;
	v12 =	vsel vm4, $0x0, v9;
	vm4 =	veq.s32 v10, $0x80000000  }
0x8c: {  	s7 =	sadd.s32 $0x40, s7;
	v9 =	vsel vm6, $0x0, v18;
	v16 =	vshra.s32 v12, $0x18;
	[tilespmem:s5+$0xFFFFE030] =	vst v17;
	v17 =	vshra.s32 v20, $0x18  }
0x8d: {  	_ =	sdelay $0x3  }
0x8e: {  	v18 =	vxor.u32 $0x7FFFFFFF, v8;
	[tilespmem:v15+s12+$0x0] =	vst.idx.add.s32.msk $0xffff, v3  }
0x8f: {  	[tilespmem:s5+$0xFFFFE020] =	vst v11;
	v8 =	vsel vm5, v18, v8;
	v11 =	vld [tilespmem:s3+$0x30]  }
0x90: {  	[tilespmem:v14+s12+$0x0] =	vst.idx.add.s32.msk $0xffff, v3;
	v14 =	vadd.s32 v2, v16;
	v8 =	vsel vm3, $0x0, v8  }
0x91: {  	v15 =	vxor.u32 $0x7FFFFFFF, v10;
	vm3 =	vlt.s32 v10, $0x0;
	v18 =	vshra.s32 v8, $0x18  }
0x92: {  	v10 =	vsel vm3, v15, v10;
	v15 =	vadd.s32 v4, v17;
	v18 =	vadd.s32 v2, v18  }
0x93: {  	[tilespmem:s5+$0xFFFFE000] =	vst v12;
	v16 =	vld [tilespmem:s3+$0x20];
	v17 =	vxor.u32 $0x7FFFFFFF, v13;
	v10 =	vsel vm4, $0x0, v10;
	vm4 =	vlt.s32 v13, $0x0  }
0x94: {  	vm3 =	veq.s32 v13, $0x80000000;
	[tilespmem:s5+$0xFFFFE010] =	vst v8;
	v13 =	vsel vm4, v17, v13  }
0x95: {  	v12 =	vxor.u32 $0x7FFFFFFF, v11;
	v13 =	vsel vm3, $0x0, v13;
	vm3 =	vlt.s32 v11, $0x0;
	[tilespmem:v14+s12+$0x0] =	vst.idx.add.s32.msk $0xffff, v3  }
0x96: {  	v8 =	vshra.s32 v9, $0x18;
	v17 =	vshra.s32 v10, $0x18;
	[tilespmem:s1+$0x10] =	vst v10;
	v10 =	vsel vm3, v12, v11;
	v12 =	vld [tilespmem:s3+$0x0]  }
0x97: {  	v8 =	vadd.s32 v4, v8;
	vm4 =	veq.s32 v11, $0x80000000;
	[tilespmem:v18+s12+$0x0] =	vst.idx.add.s32.msk $0xffff, v3  }
0x98: {  	v14 =	vshra.s32 v13, $0x18;
	vm3 =	vlt.s32 v16, $0x0;
	[tilespmem:s1+$0x0] =	vst v13;
	v13 =	vxor.u32 $0x7FFFFFFF, v16;
	v18 =	vld [tilespmem:s3+$0x10]  }
0x99: {  	[tilespmem:s1+$0x20] =	vst v9;
	v10 =	vsel vm4, $0x0, v10;
	vm4 =	veq.s32 v16, $0x80000000;
	v13 =	vsel vm3, v13, v16  }
0x9a: {  	[tilespmem:v15+s12+$0x0] =	vst.idx.add.s32.msk $0xffff, v3;
	v9 =	vsel vm4, $0x0, v13  }
0x9b: {  	v17 =	vadd.s32 v4, v17;
	v15 =	vshra.s32 v10, $0x18;
	[tilespmem:s4+$0x30] =	vst v10;
	v10 =	vshra.s32 v9, $0x18  }
0x9c: {  	v11 =	vadd.s32 v4, v14;
	v13 =	vadd.s32 v4, v15;
	v10 =	vadd.s32 v4, v10  }
0x9d: {  	[tilespmem:v8+s12+$0x0] =	vst.idx.add.s32.msk $0xffff, v3;
	v8 =	vxor.u32 $0x7FFFFFFF, v12;
	v14 =	vxor.u32 $0x7FFFFFFF, v18;
	vm3 =	vlt.s32 v18, $0x0  }
0x9e: {  	vm5 =	veq.s32 v18, $0x80000000;
	v14 =	vsel vm3, v14, v18;
	vm3 =	vlt.s32 v12, $0x0  }
0x9f: {  	[tilespmem:s4+$0x20] =	vst v9;
	vm4 =	veq.s32 v12, $0x80000000;
	v14 =	vsel vm5, $0x0, v14;
	v8 =	vsel vm3, v8, v12  }
0xa0: {  	[tilespmem:v17+s12+$0x0] =	vst.idx.add.s32.msk $0xffff, v3;
	v15 =	vshra.s32 v14, $0x18;
	v8 =	vsel vm4, $0x0, v8  }
0xa1: {  	[tilespmem:v11+s12+$0x0] =	vst.idx.add.s32.msk $0xffff, v3;
	v11 =	vadd.s32 v4, v15;
	v12 =	vshra.s32 v8, $0x18  }
0xa2: {  	[tilespmem:s4+$0x0] =	vst v8;
	v8 =	vadd.s32 v4, v12  }
0xa3: {  	[tilespmem:v13+s12+$0x0] =	vst.idx.add.s32.msk $0xffff, v3  }
0xa4: {  	[tilespmem:v10+s12+$0x0] =	vst.idx.add.s32.msk $0xffff, v3  }
0xa5: {  	[tilespmem:s4+$0x10] =	vst v14  }
0xa6: {  	[tilespmem:v11+s12+$0x0] =	vst.idx.add.s32.msk $0xffff, v3  }
0xa7: {  	s30 =	simm.s32 $0xD000;
	[tilespmem:v8+s12+$0x0] =	vst.idx.add.s32.msk $0xffff, v3  }
0xa8: {  	v8 =	vld [tilespmem:s30+$0xFFFFF000]  }
0xa9: {  	v9 =	vld [tilespmem:s30+$0xFFFFF100]  }
0xaa: {  	v10 =	vld [tilespmem:s30+$0xFFFFF200]  }
0xab: {  	v11 =	vld [tilespmem:s30+$0xFFFFF300]  }
0xac: {  	v12 =	vld [tilespmem:s30+$0xFFFFF400]  }
0xad: {  	v13 =	vld [tilespmem:s30+$0xFFFFF500]  }
0xae: {  	v8 =	vadd.s32 v8, v9;
	v9 =	vld [tilespmem:s30+$0xFFFFF600]  }
0xaf: {  	v8 =	vadd.s32 v10, v8;
	v10 =	vld [tilespmem:s30+$0xFFFFF700]  }
0xb0: {  	v8 =	vadd.s32 v11, v8;
	v11 =	vld [tilespmem:s30+$0xFFFFF800]  }
0xb1: {  	v8 =	vadd.s32 v12, v8;
	v12 =	vld [tilespmem:s30+$0xFFFFF900]  }
0xb2: {  	v8 =	vadd.s32 v13, v8;
	v13 =	vld [tilespmem:s30+$0xFFFFFA00]  }
0xb3: {  	v8 =	vadd.s32 v9, v8;
	v9 =	vld [tilespmem:s30+$0xFFFFFB00]  }
0xb4: {  	v8 =	vadd.s32 v10, v8;
	v10 =	vld [tilespmem:s30+$0xFFFFFC00]  }
0xb5: {  	v8 =	vadd.s32 v11, v8;
	v11 =	vld [tilespmem:s30+$0xFFFFFD00]  }
0xb6: {  	v8 =	vadd.s32 v12, v8;
	v12 =	vld [tilespmem:s30+$0xFFFFFE00]  }
0xb7: {  	v8 =	vadd.s32 v13, v8;
	v13 =	vld [tilespmem:s30+$0xFFFFFF00]  }
0xb8: {  	v8 =	vadd.s32 v9, v8  }
0xb9: {  	v8 =	vadd.s32 v10, v8  }
0xba: {  	v8 =	vadd.s32 v11, v8  }
0xbb: {  	v8 =	vadd.s32 v12, v8  }
0xbc: {  	v8 =	vadd.s32 v13, v8  }
0xbd: {  	[tilespmem:s0+$0xFFFFFF00] =	vst v8  }
0xbe: {  	v9 =	vld [tilespmem:s30+$0x0]  }
0xbf: {  	v10 =	vld [tilespmem:s30+$0x100]  }
0xc0: {  	v11 =	vld [tilespmem:s30+$0x200]  }
0xc1: {  	v12 =	vld [tilespmem:s30+$0x300]  }
0xc2: {  	v13 =	vld [tilespmem:s30+$0x400]  }
0xc3: {  	v14 =	vld [tilespmem:s30+$0x500]  }
0xc4: {  	v15 =	vld [tilespmem:s30+$0x600];
	v9 =	vadd.s32 v9, v10  }
0xc5: {  	v10 =	vld [tilespmem:s30+$0x700];
	v9 =	vadd.s32 v11, v9  }
0xc6: {  	v11 =	vld [tilespmem:s30+$0x800];
	v9 =	vadd.s32 v12, v9  }
0xc7: {  	v12 =	vld [tilespmem:s30+$0x900];
	v9 =	vadd.s32 v13, v9  }
0xc8: {  	v13 =	vld [tilespmem:s30+$0xA00];
	v9 =	vadd.s32 v14, v9  }
0xc9: {  	v14 =	vld [tilespmem:s30+$0xB00];
	v9 =	vadd.s32 v15, v9  }
0xca: {  	v15 =	vld [tilespmem:s30+$0xC00];
	v9 =	vadd.s32 v10, v9  }
0xcb: {  	v10 =	vld [tilespmem:s30+$0xD00];
	v9 =	vadd.s32 v11, v9  }
0xcc: {  	v11 =	vld [tilespmem:s30+$0xE00];
	v9 =	vadd.s32 v12, v9  }
0xcd: {  	v12 =	vld [tilespmem:s30+$0xF00];
	v9 =	vadd.s32 v13, v9  }
0xce: {  	v9 =	vadd.s32 v14, v9  }
0xcf: {  	v9 =	vadd.s32 v15, v9  }
0xd0: {  	(xrf0) =	vadd.scan.msk.s32 $0xffff, v8;
	v8 =	vadd.s32 v10, v9  }
0xd1: {  	v8 =	vadd.s32 v11, v8  }
0xd2: {  	v8 =	vadd.s32 v12, v8  }
0xd3: {  	s1 =	simm.s32 $0xD010;
	[tilespmem:s0+$0x0] =	vst v8;
	(xrf0) =	vadd.scan.msk.s32 $0xffff, v8  }
0xd4: {  	v15 =	vld [tilespmem:s1+$0xFFFFF000]  }
0xd5: {  	s31 =	simm.s32 $0x0;
	v16 =	vld [tilespmem:s1+$0xFFFFF100]  }
0xd6: {  	v9 =	vmov s31;
	v12 =	vld [tilespmem:s1+$0xFFFFF200];
	v8, _, _ =	vpop (xrf0)  }
0xd7: {  	v13 =	vld [tilespmem:s1+$0xFFFFF300];
	v8 =	vbroadcast v8, $0xF  }
0xd8: {  	v10 =	vimm.s32 $0x0;
	vm3 =	veq.s32 v9, v0;
	v11 =	vld [tilespmem:s1+$0xFFFFF400]  }
0xd9: {  	s3 =	simm.s32 $0x1;
	s4 =	simm.s32 $0x2;
	v14 =	vld [tilespmem:s1+$0xFFFFF500];
	v8 =	vsel vm3, v8, v10;
	v9, _, _ =	vpop (xrf0)  }
.LBB2_6:
0xda: {  	p0 =	sne.s32 s4, $0xF  }
0xdb: {  	v15 =	vadd.s32 v15, v16;
	v16 =	vld [tilespmem:s1+$0xFFFFF600];
	v9 =	vbroadcast v9, $0xF;
	s0 =	sadd.s32 $0x10, s0;
	s5 =	smov.u32 s4;
	s4 =	sadd.s32 $0x1, s4  }
0xdc: {  	v12 =	vadd.s32 v12, v15;
	v15 =	vld [tilespmem:s1+$0xFFFFF700]  }
0xdd: {  	v12 =	vadd.s32 v13, v12;
	v13 =	vld [tilespmem:s1+$0xFFFFF800];
	v10 =	vsel vm3, v9, v10  }
0xde: {  	v9 =	vadd.s32 v11, v12;
	v11 =	vld [tilespmem:s1+$0xFFFFF900]  }
0xdf: {  	v9 =	vadd.s32 v14, v9;
	v12 =	vld [tilespmem:s1+$0xFFFFFA00]  }
0xe0: {  	v9 =	vadd.s32 v16, v9;
	v14 =	vld [tilespmem:s1+$0xFFFFFB00]  }
0xe1: {  	v9 =	vadd.s32 v15, v9;
	v15 =	vld [tilespmem:s1+$0xFFFFFC00]  }
0xe2: {  	v9 =	vadd.s32 v13, v9;
	v13 =	vld [tilespmem:s1+$0xFFFFFD00]  }
0xe3: {  	v9 =	vadd.s32 v11, v9;
	v11 =	vld [tilespmem:s1+$0xFFFFFE00]  }
0xe4: {  	v9 =	vadd.s32 v12, v9;
	v12 =	vld [tilespmem:s1+$0xFFFFFF00]  }
0xe5: {  	v9 =	vadd.s32 v14, v9  }
0xe6: {  	v9 =	vadd.s32 v15, v9  }
0xe7: {  	v9 =	vadd.s32 v13, v9  }
0xe8: {  	v9 =	vadd.s32 v11, v9  }
0xe9: {  	v9 =	vadd.s32 v12, v9  }
0xea: {  	[tilespmem:s0+$0xFFFFFF00] =	vst v9;
	(xrf0) =	vadd.scan.msk.s32 $0xffff, v9  }
0xeb: {  	v9 =	vld [tilespmem:s1+$0x200]  }
0xec: {  	v11 =	vld [tilespmem:s1+$0x0]  }
0xed: {  	v12 =	vld [tilespmem:s1+$0x100]  }
0xee: {  	v13 =	vld [tilespmem:s1+$0x300]  }
0xef: {  	v14 =	vld [tilespmem:s1+$0x400]  }
0xf0: {  	v15 =	vld [tilespmem:s1+$0x500];
	v16, _, _ =	vpop (xrf0)  }
0xf1: {  	v17 =	vmov s3;
	s3 =	smov.u32 s5;
	v16 =	vbroadcast v16, $0xF;
	v18 =	vld [tilespmem:s1+$0x600]  }
0xf2: {  	vm3 =	veq.s32 v17, v0;
	v11 =	vadd.s32 v11, v12;
	v12 =	vld [tilespmem:s1+$0x700]  }
0xf3: {  	v8 =	vsel vm3, v16, v8;
	v9 =	vadd.s32 v9, v11;
	v11 =	vld [tilespmem:s1+$0x800]  }
0xf4: {  	v9 =	vadd.s32 v13, v9;
	v13 =	vld [tilespmem:s1+$0x900]  }
0xf5: {  	v9 =	vadd.s32 v14, v9;
	v14 =	vld [tilespmem:s1+$0xA00]  }
0xf6: {  	v9 =	vadd.s32 v15, v9;
	v15 =	vld [tilespmem:s1+$0xB00]  }
0xf7: {  	v9 =	vadd.s32 v18, v9;
	v16 =	vld [tilespmem:s1+$0xC00]  }
0xf8: {  	v9 =	vadd.s32 v12, v9;
	v12 =	vld [tilespmem:s1+$0xD00]  }
0xf9: {  	v9 =	vadd.s32 v11, v9;
	v11 =	vld [tilespmem:s1+$0xE00]  }
0xfa: {  	v9 =	vadd.s32 v13, v9;
	v13 =	vld [tilespmem:s1+$0xF00]  }
0xfb: {  	v9 =	vadd.s32 v14, v9  }
0xfc: {  	v9 =	vadd.s32 v15, v9  }
0xfd: {  	v9 =	vadd.s32 v16, v9  }
0xfe: {  	v9 =	vadd.s32 v12, v9  }
0xff: {  	v9 =	vadd.s32 v11, v9  }
0x100: {  	v9 =	vadd.s32 v13, v9  }
0x101: {  	s1 =	sadd.s32 $0x10, s1;
	[tilespmem:s0+$0x0] =	vst v9;
	(xrf0) =	vadd.scan.msk.s32 $0xffff, v9  }
0x102: {  	v15 =	vld [tilespmem:s1+$0xFFFFF000]  }
.Ltmp4:
0x103: {  	v16 =	vld [tilespmem:s1+$0xFFFFF100];
	(pc) =	sbr.rel @p0 .LBB2_6-.Ltmp4, $4  }
0x104: {  	v12 =	vld [tilespmem:s1+$0xFFFFF200]  }
0x105: {  	v13 =	vld [tilespmem:s1+$0xFFFFF300]  }
0x106: {  	v11 =	vld [tilespmem:s1+$0xFFFFF400]  }
0x107: {  	v14 =	vld [tilespmem:s1+$0xFFFFF500];
	v9, _, _ =	vpop (xrf0)  }
0x108: {  	v15 =	vadd.s32 v15, v16;
	v16 =	vld [tilespmem:s1+$0xFFFFF600]  }
0x109: {  	v12 =	vadd.s32 v12, v15;
	v15 =	vld [tilespmem:s1+$0xFFFFF700]  }
0x10a: {  	v12 =	vadd.s32 v13, v12;
	v13 =	vld [tilespmem:s1+$0xFFFFF800]  }
0x10b: {  	v11 =	vadd.s32 v11, v12;
	v12 =	vld [tilespmem:s1+$0xFFFFF900]  }
0x10c: {  	v11 =	vadd.s32 v14, v11;
	v14 =	vld [tilespmem:s1+$0xFFFFFA00]  }
0x10d: {  	v11 =	vadd.s32 v16, v11;
	v16 =	vld [tilespmem:s1+$0xFFFFFB00]  }
0x10e: {  	v11 =	vadd.s32 v15, v11;
	v15 =	vld [tilespmem:s1+$0xFFFFFC00]  }
0x10f: {  	v11 =	vadd.s32 v13, v11;
	v13 =	vld [tilespmem:s1+$0xFFFFFD00]  }
0x110: {  	v11 =	vadd.s32 v12, v11;
	v12 =	vld [tilespmem:s1+$0xFFFFFE00]  }
0x111: {  	v11 =	vadd.s32 v14, v11;
	v14 =	vld [tilespmem:s1+$0xFFFFFF00]  }
0x112: {  	v11 =	vadd.s32 v16, v11  }
0x113: {  	v11 =	vadd.s32 v15, v11  }
0x114: {  	v11 =	vadd.s32 v13, v11  }
0x115: {  	v11 =	vadd.s32 v12, v11  }
0x116: {  	s4 =	sadd.s32 $0x10, s0;
	v11 =	vadd.s32 v14, v11  }
0x117: {  	[tilespmem:s4+$0xFFFFFF00] =	vst v11  }
0x118: {  	v12 =	vld [tilespmem:s1+$0x0]  }
0x119: {  	v13 =	vld [tilespmem:s1+$0x100]  }
0x11a: {  	v14 =	vld [tilespmem:s1+$0x200]  }
0x11b: {  	v15 =	vld [tilespmem:s1+$0x300]  }
0x11c: {  	v16 =	vld [tilespmem:s1+$0x400]  }
0x11d: {  	v17 =	vld [tilespmem:s1+$0x500]  }
0x11e: {  	v18 =	vld [tilespmem:s1+$0x600];
	v12 =	vadd.s32 v12, v13  }
0x11f: {  	v13 =	vld [tilespmem:s1+$0x700];
	v12 =	vadd.s32 v14, v12  }
0x120: {  	v14 =	vld [tilespmem:s1+$0x800];
	v12 =	vadd.s32 v15, v12  }
0x121: {  	v15 =	vld [tilespmem:s1+$0x900];
	v12 =	vadd.s32 v16, v12  }
0x122: {  	v12 =	vadd.s32 v17, v12  }
0x123: {  	(xrf0) =	vadd.scan.msk.s32 $0xffff, v11;
	v11 =	vld [tilespmem:s1+$0xA00];
	v12 =	vadd.s32 v18, v12  }
0x124: {  	v16 =	vld [tilespmem:s1+$0xB00];
	v12 =	vadd.s32 v13, v12  }
0x125: {  	v17 =	vld [tilespmem:s1+$0xC00];
	v12 =	vadd.s32 v14, v12  }
0x126: {  	v13 =	vld [tilespmem:s1+$0xD00];
	v12 =	vadd.s32 v15, v12  }
0x127: {  	v14 =	vld [tilespmem:s1+$0xE00]  }
0x128: {  	v15 =	vld [tilespmem:s1+$0xF00];
	v11 =	vadd.s32 v11, v12  }
0x129: {  	v11 =	vadd.s32 v16, v11;
	v12, _, _ =	vpop (xrf0)  }
0x12a: {  	v16 =	vmov s3;
	v11 =	vadd.s32 v17, v11;
	v12 =	vbroadcast v12, $0xF  }
0x12b: {  	vm4 =	veq.s32 v16, v0;
	v11 =	vadd.s32 v13, v11  }
0x12c: {  	v11 =	vadd.s32 v14, v11;
	v8 =	vsel vm4, v12, v8  }
0x12d: {  	v11 =	vadd.s32 v15, v11;
	v8 =	vperm.xlane v8, v5  }
0x12e: {  	(xrf0) =	vadd.scan.msk.s32 $0xffff, v11  }
0x12f: {  	(xrf0) =	vadd.scan.msk.s32 $0xffff, v8;
	_ =	sdelay $0x4  }
0x130: {  	v12, _, _ =	vpop (xrf0)  }
0x131: {  	v13, _, _ =	vpop (xrf0)  }
0x132: {  	vm5 =	vgt.s32 v13, $0x3F  }
0x133: {  	v14 =	vmctz.xlane vm5;
	_ =	sdelay $0x1  }
0x134: {  	v14 =	vxor.u32 $0x80000000, v14  }
0x135: {  	(xrf0) =	vmax.scan.msk.u32 $0xffff, v14;
	_ =	sdelay $0x5  }
0x136: {  	v14, _, _ =	vpop (xrf0)  }
0x137: {  	(v2sf) =	vpush v14, $0xF;
	_ =	sdelay $0xe  }
0x138: {  	s6 =	spop (v2sf)  }
0x139: {  	s0 =	sxor.u32 $0x80000000, s6  }
0x13a: {  	v14 =	vmov s0  }
0x13b: {  	v13 =	vxor.u32 $0x80000000, v13;
	vm5 =	veq.s32 v14, v0  }
0x13c: {  	v8 =	vxor.u32 $0x80000000, v8;
	v13 =	vnsel vm5, $0x80000000, v13  }
0x13d: {  	v8 =	vnsel vm5, $0x80000000, v8;
	(xrf0) =	vmax.scan.msk.u32 $0xffff, v13  }
0x13e: {  	(xrf0) =	vmax.scan.msk.u32 $0xffff, v8;
	_ =	sdelay $0x4  }
0x13f: {  	v8, _, _ =	vpop (xrf0)  }
0x140: {  	(v2sf) =	vpush v8, $0xF;
	v8, _, _ =	vpop (xrf0)  }
0x141: {  	(v2sf) =	vpush v8, $0xF  }
0x142: {  	s0 =	ssub.s32 $0xF, s0  }
0x143: {  	s7 =	sshll.u32 s0, $0x6  }
0x144: {  	[tilespmem:s4+$0x0] =	vst v11;
	s1 =	sshra.s32 s7, $0x2  }
0x145: {  	v8 =	vld [tilespmem:s1+$0xE000];
	_ =	sdelay $0x4  }
0x146: {  	v8 =	vperm.xlane v8, v5;
	_ =	sdelay $0x1  }
0x147: {  	(xrf0) =	vadd.scan.msk.s32 $0xffff, v8;
	_ =	sdelay $0x2  }
0x148: {  	s8 =	spop (v2sf)  }
0x149: {  	s9 =	spop (v2sf)  }
0x14a: {  	s1 =	sxor.u32 $0x80000000, s8;
	s3 =	sxor.u32 $0x80000000, s9  }
0x14b: {  	v11, _, _ =	vpop (xrf0);
	s1 =	ssub.s32 s1, s3  }
0x14c: {  	v13 =	vbroadcast v9, $0xF;
	v9 =	vadd.s32 s1, v11  }
0x14d: {  	v11 =	vbroadcast v12, $0xF;
	vm5 =	vgt.s32 v9, $0x3F  }
0x14e: {  	v10 =	vsel vm3, v13, v10;
	v12 =	vmctz.xlane vm5  }
0x14f: {  	v10 =	vsel vm4, v11, v10  }
0x150: {  	v10 =	vperm.xlane v10, v5;
	v11 =	vxor.u32 $0x80000000, v12  }
0x151: {  	(xrf0) =	vmax.scan.msk.u32 $0xffff, v11  }
0x152: {  	(xrf0) =	vadd.scan.msk.s32 $0xffff, v10;
	_ =	sdelay $0x4  }
0x153: {  	v11, _, _ =	vpop (xrf0)  }
0x154: {  	v12, _, _ =	vpop (xrf0)  }
0x155: {  	vm3 =	vgt.s32 v12, $0x3F  }
0x156: {  	v13 =	vmctz.xlane vm3;
	_ =	sdelay $0x1  }
0x157: {  	v13 =	vxor.u32 $0x80000000, v13  }
0x158: {  	(xrf0) =	vmax.scan.msk.u32 $0xffff, v13;
	_ =	sdelay $0x5  }
0x159: {  	(v2sf) =	vpush v11, $0xF;
	v11, _, _ =	vpop (xrf0)  }
0x15a: {  	(v2sf) =	vpush v11, $0xF;
	_ =	sdelay $0xd  }
0x15b: {  	s10 =	spop (v2sf)  }
0x15c: {  	s11 =	spop (v2sf)  }
0x15d: {  	s3 =	sxor.u32 $0x80000000, s11  }
0x15e: {  	v11 =	vmov s3  }
0x15f: {  	vm3 =	veq.s32 v11, v0;
	v11 =	vxor.u32 $0x80000000, v12  }
0x160: {  	v10 =	vxor.u32 $0x80000000, v10;
	v11 =	vnsel vm3, $0x80000000, v11  }
0x161: {  	v10 =	vnsel vm3, $0x80000000, v10;
	(xrf0) =	vmax.scan.msk.u32 $0xffff, v11  }
0x162: {  	(xrf0) =	vmax.scan.msk.u32 $0xffff, v10;
	_ =	sdelay $0x4  }
0x163: {  	v10, _, _ =	vpop (xrf0)  }
0x164: {  	(v2sf) =	vpush v10, $0xF;
	v10, _, _ =	vpop (xrf0)  }
0x165: {  	(v2sf) =	vpush v10, $0xF  }
0x166: {  	s3 =	ssub.s32 $0xF, s3  }
0x167: {  	s20 =	sshll.u32 s3, $0x6  }
0x168: {  	s4 =	sshra.s32 s20, $0x2  }
0x169: {  	v10 =	vld [tilespmem:s4+$0xE100];
	_ =	sdelay $0x4  }
0x16a: {  	v11 =	vperm.xlane v10, v5;
	_ =	sdelay $0x1  }
0x16b: {  	(xrf0) =	vadd.scan.msk.s32 $0xffff, v11;
	_ =	sdelay $0x2  }
0x16c: {  	s21 =	spop (v2sf)  }
0x16d: {  	s5 =	spop (v2sf)  }
0x16e: {  	s4 =	sxor.u32 $0x80000000, s21;
	s5 =	sxor.u32 $0x80000000, s5  }
0x16f: {  	v10, _, _ =	vpop (xrf0);
	s4 =	ssub.s32 s4, s5  }
0x170: {  	v14 =	vadd.s32 s4, v10  }
0x171: {  	vm3 =	vgt.s32 v14, $0x3F  }
0x172: {  	s25 =	simm.s32 $0xA000;
	v10 =	vmctz.xlane vm3  }
0x173: {  	v12 =	vld [tilespmem:s25+$0xFFFFE030]  }
0x174: {  	v10 =	vxor.u32 $0x80000000, v10  }
0x175: {  	v17 =	vld [tilespmem:s25+$0xFFFFE000];
	(xrf0) =	vmax.scan.msk.u32 $0xffff, v10;
	_ =	sdelay $0x1  }
0x176: {  	v19 =	vld [tilespmem:s25+$0xFFFFE010];
	s0 =	sshll.u32 s0, $0x4;
	s1 =	sxor.u32 $0x80000000, s10  }
0x177: {  	v18 =	vld [tilespmem:s25+$0xFFFFE020];
	s0 =	ssub.s32 s0, s1;
	v10 =	vshra.s32 v12, $0x18  }
0x178: {  	s0 =	sadd.s32 $0xFFFFFF8F, s0  }
0x179: {  	v13 =	vshra.s32 v17, $0x18;
	v20 =	vmov s0  }
0x17a: {  	vm3 =	veq.s32 v13, v20;
	vm5 =	veq.s32 v10, v20;
	v10, _, _ =	vpop (xrf0)  }
0x17b: {  	v15 =	vsel vm5, $0x1, v1;
	(v2sf) =	vpush v10, $0xF;
	v10 =	vshra.s32 v19, $0x18  }
0x17c: {  	v13 =	vmpcnt.ones.xlane vm3;
	(xrf0) =	vadd.scan.msk.s32 $0xffff, v15;
	vm4 =	veq.s32 v10, v20;
	v10 =	vshra.s32 v18, $0x18  }
0x17d: {  	v16 =	vimm.s32 $0x0;
	vm6 =	veq.s32 v10, v20;
	v10 =	vmpcnt.ones.xlane vm4  }
0x17e: {  	v15 =	vadd.s32 v16, v13  }
0x17f: {  	v13 =	vmpcnt.ones.xlane vm6;
	v21 =	vadd.s32 v15, v10;
	v10 =	vsel vm3, $0x1, v1;
	_ =	sdelay $0x1  }
0x180: {  	v23 =	vsel vm6, $0x1, v1;
	v22 =	vadd.s32 v21, v13;
	v13 =	vsel vm5, $0xFFFFFFFF, v1;
	(xrf0) =	vadd.scan.msk.s32 $0xffff, v10  }
0x181: {  	v13 =	vadd.s32 v13, v22;
	(xrf0) =	vadd.scan.msk.s32 $0xffff, v23;
	v10, _, _ =	vpop (xrf0)  }
0x182: {  	v13 =	vadd.s32 v10, v13;
	_ =	sdelay $0x1  }
0x183: {  	v10 =	vsel vm4, $0x1, v1  }
0x184: {  	(xrf0) =	vadd.scan.msk.s32 $0xffff, v10  }
0x185: {  	v23 =	vsel vm6, $0xFFFFFFFF, v1;
	v24, _, _ =	vpop (xrf0)  }
0x186: {  	[tilespmem:v13+s13+$0x0] =	vst.idx.msk vm5, v12;
	v12 =	vadd.s32 v23, v21;
	v21, _, _ =	vpop (xrf0)  }
0x187: {  	v12 =	vadd.s32 v21, v12;
	v21 =	vsel vm4, $0xFFFFFFFF, v1  }
0x188: {  	s20 =	simm.s32 $0xA040  }
0x189: {  	v27 =	vld [tilespmem:s20+$0xFFFFE030]  }
0x18a: {  	v15 =	vadd.s32 v21, v15;
	v21, _, _ =	vpop (xrf0)  }
0x18b: {  	v25 =	vld [tilespmem:s20+$0xFFFFE010];
	v23 =	vsel vm3, $0xFFFFFFFF, v1;
	v21 =	vadd.s32 v21, v15  }
0x18c: {  	v26 =	vld [tilespmem:s20+$0xFFFFE000];
	v23 =	vadd.s32 v23, v16  }
0x18d: {  	s30 =	simm.s32 $0x20;
	v28 =	vadd.s32 v24, v23;
	v24 =	vld [tilespmem:s20+$0xFFFFE020]  }
0x18e: {  	v30 =	vshra.s32 v27, $0x18;
	v29 =	vmpcnt.ones.xlane vm5;
	v15 =	vor.u32 s30, v0;
	[tilespmem:v12+s13+$0x0] =	vst.idx.msk vm6, v18  }
0x18f: {  	s6 =	simm.s32 $0x10;
	vm10 =	veq.s32 v30, v20;
	[tilespmem:v12+s14+$0x0] =	vst.idx.msk vm6, v15  }
0x190: {  	s28 =	simm.s32 $0x30;
	v30 =	vsel vm10, $0x1, v1;
	v29 =	vadd.s32 v22, v29;
	v18 =	vld [tilespmem:s25+$0x20];
	[tilespmem:v21+s13+$0x0] =	vst.idx.msk vm4, v19;
	v19 =	vor.u32 s6, v0  }
0x191: {  	v22 =	vshra.s32 v25, $0x18;
	v10 =	vor.u32 s28, v0;
	s29 =	spop (v2sf);
	[tilespmem:v21+s14+$0x0] =	vst.idx.msk vm4, v19;
	v21 =	vshra.s32 v26, $0x18  }
0x192: {  	s3 =	sshll.u32 s3, $0x4;
	[tilespmem:v13+s14+$0x0] =	vst.idx.msk vm5, v10;
	vm5 =	veq.s32 v22, v20;
	s9 =	sxor.u32 $0x80000000, s29;
	v22 =	vshra.s32 v24, $0x18;
	vm7 =	veq.s32 v21, v20;
	v21 =	vld [tilespmem:s25+$0x10]  }
0x193: {  	(xrf0) =	vadd.scan.msk.s32 $0xffff, v30;
	s3 =	ssub.s32 s3, s9;
	vm9 =	veq.s32 v22, v20;
	v22 =	vsel vm7, $0x1, v1  }
0x194: {  	s31 =	simm.s32 $0x0;
	v51 =	vsel vm10, $0xFFFFFFFF, v1;
	v13 =	vld [tilespmem:s25+$0x30];
	v32 =	vsel vm5, $0x1, v1;
	v36 =	vmpcnt.ones.xlane vm5;
	s26 =	sadd.s32 $0xFFFFFF8F, s3;
	(xrf0) =	vadd.scan.msk.s32 $0xffff, v22  }
0x195: {  	v23 =	vmov s26;
	[tilespmem:v28+s13+$0x0] =	vst.idx.msk vm3, v17;
	v17 =	vor.u32 s31, v0;
	v34 =	vshra.s32 v18, $0x18  }
0x196: {  	[tilespmem:v28+s14+$0x0] =	vst.idx.msk vm3, v17;
	v30 =	vsel vm9, $0x1, v1;
	v33 =	vmpcnt.ones.xlane vm7;
	vm8 =	veq.s32 v34, v23  }
0x197: {  	v54 =	vsel vm5, $0xFFFFFFFF, v1;
	v22 =	vld [tilespmem:s25+$0x0];
	(xrf0) =	vadd.scan.msk.s32 $0xffff, v30;
	v34 =	vsel vm8, $0x1, v1;
	v37 =	vshra.s32 v21, $0x18  }
0x198: {  	v33 =	vadd.s32 v29, v33;
	v30 =	vmpcnt.ones.xlane vm9;
	(xrf0) =	vadd.scan.msk.s32 $0xffff, v34;
	vm6 =	veq.s32 v37, v23  }
0x199: {  	s3 =	simm.s32 $0x70;
	v52, _, _ =	vpop (xrf0);
	v31 =	vshra.s32 v13, $0x18;
	v36 =	vadd.s32 v33, v36;
	(xrf0) =	vadd.scan.msk.s32 $0xffff, v32;
	v37 =	vsel vm6, $0x1, v1  }
0x19a: {  	v12 =	vor.u32 s3, v0;
	v35 =	vsel vm7, $0xFFFFFFFF, v1;
	v30 =	vadd.s32 v36, v30;
	v53, _, _ =	vpop (xrf0);
	(xrf0) =	vadd.scan.msk.s32 $0xffff, v37  }
0x19b: {  	vm3 =	veq.s32 v31, v23;
	v29 =	vadd.s32 v35, v29;
	v34 =	vadd.s32 v51, v30  }
0x19c: {  	v31 =	vsel vm9, $0xFFFFFFFF, v1;
	v32 =	vadd.s32 v52, v34;
	v38 =	vshra.s32 v22, $0x18  }
0x19d: {  	v28 =	vmpcnt.ones.xlane vm10;
	v31 =	vadd.s32 v31, v36;
	vm4 =	veq.s32 v38, v23;
	v55, _, _ =	vpop (xrf0)  }
0x19e: {  	v36 =	vadd.s32 v53, v29;
	v38 =	vadd.s32 v55, v31;
	v31 =	vsel vm3, $0x1, v1;
	v29, _, _ =	vpop (xrf0)  }
0x19f: {  	v39 =	vmpcnt.ones.xlane vm8;
	v56 =	vsel vm4, $0x1, v1;
	v57 =	vmpcnt.ones.xlane vm4;
	(xrf0) =	vadd.scan.msk.s32 $0xffff, v31;
	v58, _, _ =	vpop (xrf0)  }
0x1a0: {  	v62 =	vsel vm8, $0xFFFFFFFF, v1;
	v33 =	vadd.s32 v54, v33;
	v40 =	vmpcnt.ones.xlane vm6;
	v63, _, _ =	vpop (xrf0);
	(xrf0) =	vadd.scan.msk.s32 $0xffff, v56  }
0x1a1: {  	v59 =	vsel vm6, $0xFFFFFFFF, v1;
	v37 =	vadd.s32 v58, v33;
	[tilespmem:v32+s13+$0x0] =	vst.idx.msk vm10, v27;
	v27 =	vadd.s32 v16, v57  }
0x1a2: {  	s5 =	simm.s32 $0x4;
	v31 =	vsel vm4, $0xFFFFFFFF, v1;
	[tilespmem:v32+s14+$0x0] =	vst.idx.msk vm10, v12;
	v60 =	vadd.s32 v59, v27;
	v61 =	vadd.s32 v27, v40  }
0x1a3: {  	s4 =	simm.s32 $0x60;
	s6 =	simm.s32 $0xB0;
	s25 =	simm.s32 $0xA080;
	v27 =	vld [tilespmem:s20+$0x30];
	v35 =	vadd.s32 v62, v61;
	v33 =	vadd.s32 v61, v39;
	v32 =	vadd.s32 v63, v60  }
.LBB2_8:
0x1a4: {  	s7 =	sadd.s32 $0xFFFFFFF0, s6;
	v34 =	vld [tilespmem:s25+$0xFFFFE030];
	s5 =	sadd.s32 $0x4, s5;
	[tilespmem:v36+s13+$0x0] =	vst.idx.msk vm7, v26;
	v39 =	vadd.s32 v30, v28;
	vm10 =	vmmov vm8  }
0x1a5: {  	v40 =	vor.u32 s4, v0;
	v28 =	vld [tilespmem:s25+$0xFFFFE010];
	p0 =	slt.u32 s5, $0x1FC;
	[tilespmem:v38+s13+$0x0] =	vst.idx.msk vm9, v24;
	v30, _, _ =	vpop (xrf0);
	s4 =	smov.u32 s7  }
0x1a6: {  	v16 =	vadd.s32 v31, v16;
	v31 =	vsel vm3, $0xFFFFFFFF, v1;
	v24 =	vld [tilespmem:s25+$0xFFFFE020];
	[tilespmem:v38+s14+$0x0] =	vst.idx.msk vm9, v40;
	v38, _, _ =	vpop (xrf0)  }
0x1a7: {  	v43 =	vmpcnt.ones.xlane vm3;
	v26 =	vld [tilespmem:s25+$0xFFFFE000];
	[tilespmem:v37+s13+$0x0] =	vst.idx.msk vm5, v25;
	v38 =	vadd.s32 v38, v16;
	v16 =	vadd.s32 v31, v33  }
0x1a8: {  	s8 =	sadd.s32 $0xFFFFFFE0, s3;
	v29 =	vadd.s32 v29, v35;
	s7 =	sadd.s32 $0xFFFFFFD0, s3;
	s3 =	smov.u32 s6;
	v31 =	vld [tilespmem:s20+$0x20];
	v41 =	vshra.s32 v27, $0x18;
	[tilespmem:v32+s15+$0x0] =	vst.idx.msk vm6, v21;
	v30 =	vadd.s32 v30, v16  }
0x1a9: {  	v35 =	vor.u32 s6, v0;
	v42 =	vor.u32 s7, v0;
	[tilespmem:v32+s16+$0x0] =	vst.idx.msk vm6, v19;
	v19 =	vor.u32 s8, v0  }
0x1aa: {  	v16 =	vadd.s32 v33, v43;
	v32 =	vshra.s32 v34, $0x18;
	v21 =	vshra.s32 v28, $0x18;
	[tilespmem:v37+s14+$0x0] =	vst.idx.msk vm5, v19;
	v25 =	vmovc v28  }
0x1ab: {  	vm11 =	veq.s32 v32, v20;
	vm5 =	veq.s32 v21, v20;
	v21 =	vshra.s32 v24, $0x18;
	[tilespmem:v36+s14+$0x0] =	vst.idx.msk vm7, v42  }
0x1ac: {  	v33 =	vsel vm11, $0x1, v1;
	v28 =	vshra.s32 v26, $0x18;
	v32 =	vsel vm5, $0x1, v1;
	[tilespmem:v38+s15+$0x0] =	vst.idx.msk vm4, v22  }
0x1ad: {  	vm9 =	veq.s32 v21, v20;
	vm7 =	veq.s32 v28, v20;
	v28 =	vmpcnt.ones.xlane vm11;
	(xrf0) =	vadd.scan.msk.s32 $0xffff, v33;
	v21 =	vld [tilespmem:s20+$0x10]  }
0x1ae: {  	v36 =	vsel vm9, $0x1, v1;
	v33 =	vsel vm7, $0xFFFFFFFF, v1;
	v22 =	vsel vm7, $0x1, v1;
	[tilespmem:v29+s15+$0x0] =	vst.idx.msk vm10, v18;
	v18 =	vmovc v31  }
0x1af: {  	v31 =	vmpcnt.ones.xlane vm7;
	(xrf0) =	vadd.scan.msk.s32 $0xffff, v22;
	v37 =	vshra.s32 v18, $0x18;
	[tilespmem:v30+s15+$0x0] =	vst.idx.msk vm3, v13;
	v13 =	vmovc v27  }
0x1b0: {  	v27 =	vmpcnt.ones.xlane vm5;
	(xrf0) =	vadd.scan.msk.s32 $0xffff, v36;
	v22 =	vld [tilespmem:s20+$0x0];
	vm8 =	veq.s32 v37, v23;
	[tilespmem:v30+s16+$0x0] =	vst.idx.msk vm3, v10;
	v10 =	vmovc v12;
	s20 =	smov.u32 s25  }
0x1b1: {  	v31 =	vadd.s32 v39, v31;
	v30 =	vmpcnt.ones.xlane vm9;
	v12 =	vmovc v35;
	v36 =	vsel vm8, $0x1, v1;
	[tilespmem:v38+s16+$0x0] =	vst.idx.msk vm4, v17  }
0x1b2: {  	v27 =	vadd.s32 v31, v27;
	v43 =	vmpcnt.ones.xlane vm8;
	v17 =	vmovc v42;
	v35 =	vshra.s32 v21, $0x18;
	(xrf0) =	vadd.scan.msk.s32 $0xffff, v36  }
0x1b3: {  	v30 =	vadd.s32 v27, v30;
	v36 =	vsel vm11, $0xFFFFFFFF, v1;
	(xrf0) =	vadd.scan.msk.s32 $0xffff, v32;
	v32, _, _ =	vpop (xrf0);
	vm6 =	veq.s32 v35, v23  }
0x1b4: {  	vm3 =	veq.s32 v41, v23;
	v35 =	vadd.s32 v36, v30;
	v36 =	vsel vm6, $0x1, v1;
	[tilespmem:v29+s16+$0x0] =	vst.idx.msk vm10, v15  }
0x1b5: {  	v41 =	vsel vm9, $0xFFFFFFFF, v1;
	v32 =	vadd.s32 v32, v35;
	v29, _, _ =	vpop (xrf0);
	v35 =	vshra.s32 v22, $0x18;
	(xrf0) =	vadd.scan.msk.s32 $0xffff, v36  }
0x1b6: {  	v37 =	vsel vm5, $0xFFFFFFFF, v1;
	v36 =	vadd.s32 v41, v27;
	v27, _, _ =	vpop (xrf0);
	vm4 =	veq.s32 v35, v23  }
0x1b7: {  	v33 =	vadd.s32 v33, v39;
	v15 =	vmovc v40;
	v38 =	vadd.s32 v27, v36;
	v27 =	vsel vm3, $0x1, v1  }
.Ltmp5:
0x1b8: {  	v36 =	vadd.s32 v29, v33;
	v33 =	vsel vm4, $0x1, v1;
	v40 =	vmpcnt.ones.xlane vm4;
	v29, _, _ =	vpop (xrf0);
	(xrf0) =	vadd.scan.msk.s32 $0xffff, v27;
	(pc) =	sbr.rel @p0 .LBB2_8-.Ltmp5, $4  }
0x1b9: {  	v39 =	vmpcnt.ones.xlane vm6;
	v27 =	vadd.s32 v37, v31;
	v31 =	vsel vm4, $0xFFFFFFFF, v1;
	v37, _, _ =	vpop (xrf0);
	(xrf0) =	vadd.scan.msk.s32 $0xffff, v33  }
0x1ba: {  	v33 =	vsel vm6, $0xFFFFFFFF, v1;
	v37 =	vadd.s32 v37, v27;
	[tilespmem:v32+s13+$0x0] =	vst.idx.msk vm11, v34;
	v27 =	vadd.s32 v16, v40  }
0x1bb: {  	v34 =	vsel vm8, $0xFFFFFFFF, v1;
	[tilespmem:v32+s14+$0x0] =	vst.idx.msk vm11, v12;
	v32 =	vadd.s32 v33, v27;
	v33 =	vadd.s32 v27, v39;
	v35, _, _ =	vpop (xrf0)  }
0x1bc: {  	s6 =	sadd.s32 $0x40, s6;
	s25 =	sadd.s32 $0x40, s25;
	v27 =	vld [tilespmem:s20+$0x30];
	v32 =	vadd.s32 v35, v32;
	v35 =	vadd.s32 v34, v33;
	v33 =	vadd.s32 v33, v43  }
0x1bd: {  	_ =	sdelay $0x4  }
0x1be: {  	[tilespmem:v36+s13+$0x0] =	vst.idx.msk vm7, v26  }
0x1bf: {  	[tilespmem:v38+s13+$0x0] =	vst.idx.msk vm9, v24  }
0x1c0: {  	v20 =	vor.u32 s4, v0;
	[tilespmem:v37+s13+$0x0] =	vst.idx.msk vm5, v25;
	s10 =	sadd.s32 $0xFFFFFFE0, s3  }
0x1c1: {  	s8 =	sadd.s32 $0xFFFFFFD0, s3;
	[tilespmem:v38+s14+$0x0] =	vst.idx.msk vm9, v20;
	v26 =	vor.u32 s10, v0  }
0x1c2: {  	v24 =	vor.u32 s8, v0;
	v25 =	vld [tilespmem:s20+$0x20];
	[tilespmem:v37+s14+$0x0] =	vst.idx.msk vm5, v26  }
0x1c3: {  	[tilespmem:v36+s14+$0x0] =	vst.idx.msk vm7, v24;
	v36 =	vld [tilespmem:s20+$0x10];
	_ =	sdelay $0x1  }
0x1c4: {  	v34 =	vld [tilespmem:s20+$0x0]  }
0x1c5: {  	v43 =	vmpcnt.ones.xlane vm3  }
0x1c6: {  	v49 =	vmov s1;
	v9 =	vxor.u32 $0x80000000, v9;
	v44 =	vshra.s32 v25, $0x18  }
0x1c7: {  	v8 =	vxor.u32 $0x80000000, v8;
	vm10 =	veq.s32 v44, v23;
	v41 =	vshra.s32 v36, $0x18  }
0x1c8: {  	v39 =	vshra.s32 v27, $0x18;
	v38 =	vsel vm10, $0x1, v1;
	vm12 =	veq.s32 v41, v23  }
0x1c9: {  	vm13 =	veq.s32 v39, v23;
	v40 =	vshra.s32 v34, $0x18;
	(xrf0) =	vadd.scan.msk.s32 $0xffff, v38;
	v46 =	vsel vm12, $0x1, v1  }
0x1ca: {  	v51 =	vmov s9;
	v39 =	vsel vm13, $0x1, v1;
	vm5 =	veq.s32 v40, v23;
	(xrf0) =	vadd.scan.msk.s32 $0xffff, v46  }
0x1cb: {  	vm11 =	veq.s32 v49, v0;
	vm14 =	veq.s32 v51, v0;
	v48 =	vsel vm5, $0x1, v1;
	(xrf0) =	vadd.scan.msk.s32 $0xffff, v39  }
0x1cc: {  	v37 =	vadd.s32 v33, v43;
	v9 =	vnsel vm11, $0x80000000, v9;
	v45 =	vmpcnt.ones.xlane vm5;
	(xrf0) =	vadd.scan.msk.s32 $0xffff, v48  }
0x1cd: {  	v52, _, _ =	vpop (xrf0);
	v8 =	vnsel vm11, $0x80000000, v8;
	v47 =	vmpcnt.ones.xlane vm12;
	(xrf0) =	vmax.scan.msk.u32 $0xffff, v9;
	v9 =	vxor.u32 $0x80000000, v14  }
0x1ce: {  	v42 =	vmpcnt.ones.xlane vm10;
	v23 =	vadd.s32 v37, v45;
	v9 =	vnsel vm14, $0x80000000, v9  }
0x1cf: {  	v11 =	vxor.u32 $0x80000000, v11;
	v53, _, _ =	vpop (xrf0);
	v50 =	vadd.s32 v23, v47;
	(xrf0) =	vmax.scan.msk.u32 $0xffff, v8;
	v8 =	vmpcnt.ones.xlane vm13  }
0x1d0: {  	v28 =	vadd.s32 v30, v28;
	v11 =	vnsel vm14, $0x80000000, v11;
	v55 =	vadd.s32 v50, v42;
	v54, _, _ =	vpop (xrf0);
	(xrf0) =	vmax.scan.msk.u32 $0xffff, v9  }
0x1d1: {  	v8 =	vadd.s32 v55, v8;
	v9, _, _ =	vpop (xrf0);
	(xrf0) =	vmax.scan.msk.u32 $0xffff, v11;
	v11 =	vxor.u32 $0x80000000, v28  }
0x1d2: {  	v8 =	vxor.u32 $0x80000000, v8  }
0x1d3: {  	v56, _, _ =	vpop (xrf0);
	(xrf0) =	vmax.scan.msk.u32 $0xffff, v11  }
0x1d4: {  	v11, _, _ =	vpop (xrf0);
	(xrf0) =	vmax.scan.msk.u32 $0xffff, v8  }
0x1d5: {  	v8, _, _ =	vpop (xrf0)  }
0x1d6: {  	v57, _, _ =	vpop (xrf0);
	(v2sf) =	vpush v8, $0xF  }
0x1d7: {  	v8, _, _ =	vpop (xrf0);
	(v2sf) =	vpush v57, $0xF  }
0x1d8: {  	(v2sf) =	vpush v8, $0xF;
	v8, _, _ =	vpop (xrf0)  }
0x1d9: {  	(v2sf) =	vpush v8, $0xF;
	v8, _, _ =	vpop (xrf0)  }
0x1da: {  	(v2sf) =	vpush v8, $0xF;
	v8, _, _ =	vpop (xrf0)  }
0x1db: {  	(v2sf) =	vpush v8, $0xF;
	_ =	sdelay $0x6  }
0x1dc: {  	vm8 =	vmmov vm8;
	v58 =	vsel vm3, $0xFFFFFFFF, v1  }
0x1dd: {  	v59 =	vadd.s32 v29, v35;
	v14 =	vadd.s32 v58, v33  }
0x1de: {  	v14 =	vadd.s32 v52, v14  }
0x1df: {  	v8 =	vadd.s32 v31, v16;
	s11 =	spop (v2sf)  }
0x1e0: {  	[tilespmem:v32+s15+$0x0] =	vst.idx.msk vm6, v21;
	v8 =	vadd.s32 v53, v8;
	s20 =	spop (v2sf)  }
0x1e1: {  	[tilespmem:v32+s16+$0x0] =	vst.idx.msk vm6, v19;
	s21 =	spop (v2sf)  }
0x1e2: {  	[tilespmem:v59+s15+$0x0] =	vst.idx.msk vm8, v18;
	v60 =	vsel vm12, $0xFFFFFFFF, v1;
	s5 =	spop (v2sf)  }
0x1e3: {  	v19 =	vadd.s32 v60, v23;
	[tilespmem:v14+s15+$0x0] =	vst.idx.msk vm3, v13;
	s6 =	spop (v2sf)  }
0x1e4: {  	v61 =	vsel vm5, $0xFFFFFFFF, v1;
	v9 =	vadd.s32 v9, v19;
	[tilespmem:v14+s16+$0x0] =	vst.idx.msk vm3, v10;
	s7 =	spop (v2sf)  }
0x1e5: {  	v18 =	vadd.s32 v61, v37;
	v10 =	vsel vm13, $0xFFFFFFFF, v1;
	[tilespmem:v8+s15+$0x0] =	vst.idx.msk vm4, v22;
	s8 =	sadd.s32 $0x8000000F, s6;
	s25 =	sadd.s32 $0x8000000F, s7  }
0x1e6: {  	v11 =	vadd.s32 v11, v18;
	[tilespmem:v8+s16+$0x0] =	vst.idx.msk vm4, v17;
	v8 =	vadd.s32 v10, v55;
	s8 =	sshra.s32 s8, $0x4;
	s28 =	sshra.s32 s25, $0x4  }
0x1e7: {  	v8 =	vadd.s32 v56, v8;
	p0 =	sgt.s32 s8, s28  }
0x1e8: {  	s26 =	sshll.u32 s26, $0x18;
	[tilespmem:v59+s16+$0x0] =	vst.idx.msk vm8, v15;
	v62 =	vsel vm10, $0xFFFFFFFF, v1;
	s1 =	sxor.u32 $0x80000000, s11;
	s28 =	smov.u32 @p0 s8  }
0x1e9: {  	v63 =	vadd.s32 v62, v50;
	[tilespmem:v9+s15+$0x0] =	vst.idx.msk vm12, v36;
	s3 =	sxor.u32 $0x80000000, s20;
	s4 =	sxor.u32 $0x80000000, s21;
	s8 =	sshrl.u32 s28, $0x1E  }
0x1ea: {  	[tilespmem:v9+s16+$0x0] =	vst.idx.msk vm12, v26;
	v10 =	vadd.s32 v54, v63;
	s9 =	ssub.s32 s1, s3;
	s5 =	sxor.u32 $0x80000000, s5;
	s8 =	sadd.s32 s8, s28  }
0x1eb: {  	[tilespmem:v11+s15+$0x0] =	vst.idx.msk vm5, v34;
	s1 =	ssub.s32 s4, s5;
	s3 =	sxor.u32 $0x80000000, s6;
	s29 =	sand.u32 $0xFFFFFFFC, s8  }
.Ltmp6:
0x1ec: {  	[tilespmem:v8+s15+$0x0] =	vst.idx.msk vm13, v27;
	s10 =	sxor.u32 $0x80000000, s7;
	s31 =	ssub.s32 s28, s29;
	(pc) =	sbr.rel .LBB2_10-.Ltmp6, $4  }
0x1ed: {  	[tilespmem:v8+s16+$0x0] =	vst.idx.msk vm13, v12;
	v8 =	vmov s3;
	s3 =	simm.s32 $0x0;
	s6 =	sshll.u32 s28, $0x6;
	s8 =	sshll.u32 s31, $0x6  }
0x1ee: {  	[tilespmem:v11+s16+$0x0] =	vst.idx.msk vm5, v24;
	s25 =	sshll.u32 s0, $0x18;
	s20 =	sshll.u32 s28, $0x4;
	s11 =	ssub.s32 s6, s8  }
0x1ef: {  	[tilespmem:v10+s15+$0x0] =	vst.idx.msk vm10, v25;
	p0 =	slt.s32 s29, $0x1;
	s21 =	sshll.u32 s31, $0x4;
	s0 =	sshra.s32 s11, $0x2  }
0x1f0: {  	vm15 =	vmmov vm10;
	[tilespmem:v10+s16+$0x0] =	vst.idx.msk vm10, v20;
	v9 =	vmov s10;
	p1 =	slt.s32 s31, $0x1;
	s30 =	ssub.s32 s20, s21;
	s20 =	sadd.s32 $0x10210, s0  }
.LBB2_15:
0x1f1: {  	v10 =	vxor.u32 $0x80000000, v12  }
0x1f2: {  	(xrf0) =	vmax.scan.msk.u32 $0xffff, v10;
	v10 =	vxor.u32 $0x80000000, v13  }
0x1f3: {  	(xrf0) =	vmax.scan.msk.u32 $0xffff, v10;
	_ =	sdelay $0x4  }
0x1f4: {  	v10, _, _ =	vpop (xrf0)  }
0x1f5: {  	(v2sf) =	vpush v10, $0xF;
	v10, _, _ =	vpop (xrf0)  }
0x1f6: {  	(v2sf) =	vpush v10, $0xF;
	_ =	sdelay $0xc  }
0x1f7: {  	s3 =	sadd.s32 $0x1, s3  }
0x1f8: {  	p4 =	sne.s32 s3, $0x18;
	s6 =	spop (v2sf)  }
.Ltmp7:
0x1f9: {  	s7 =	spop (v2sf);
	(pc) =	sbr.rel @!p4 .LBB2_16-.Ltmp7, $4  }
0x1fa: {  	s6 =	sadd.s32 s6, s9;
	s7 =	sadd.s32 s7, s1  }
0x1fb: {  	s6 =	sadd.s32 $0x80000000, s6;
	s7 =	sadd.s32 $0x80000000, s7  }
0x1fc: {  	p2 =	sgt.s32 s6, $0x3F;
	p3 =	sgt.s32 s7, $0x3F  }
0x1fd: {  	s25 =	smov.u32 @p2 s4;
	s26 =	smov.u32 @p3 s5  }
.LBB2_10:
.Ltmp8:
0x1fe: {  	(pc) =	sbr.rel @p0 .LBB2_11-.Ltmp8, $4  }
0x1ff: {  	_ = 	snop  }
0x200: {  	s5 =	sshrl.u32 s17, s3  }
0x201: {  	s4 =	sor.u32 s5, s25;
	s5 =	sor.u32 s5, s26  }
0x202: {  	v12 =	vimm.s32 $0x0;
	v10 =	vmov s4;
	v11 =	vmov s5  }
0x203: {  	s7 =	simm.s32 $0x10210  }
0x204: {  	v13 =	vld [tilespmem:s7+$0xFFFFE020]  }
0x205: {  	v14 =	vld [tilespmem:s7+$0x30]  }
0x206: {  	v15 =	vld [tilespmem:s7+$0xFFFFE010]  }
0x207: {  	v16 =	vld [tilespmem:s7+$0x20]  }
0x208: {  	v17 =	vld [tilespmem:s7+$0xFFFFE000]  }
0x209: {  	s6 =	simm.s32 $0x30;
	s8 =	simm.s32 $0x20;
	v18 =	vld [tilespmem:s7+$0x10]  }
0x20a: {  	s10 =	simm.s32 $0x10;
	s21 =	simm.s32 $0x0;
	v19 =	vor.u32 s6, v0;
	v20 =	vld [tilespmem:s7+$0xFFFFDFF0];
	v21 =	vor.u32 s8, v0  }
0x20b: {  	v63 =	vld [tilespmem:s7+$0x0];
	v22 =	vor.u32 s10, v0;
	v23 =	vor.u32 s21, v0;
	vm6 =	vlt.s32 v19, v8  }
0x20c: {  	vm8 =	vlt.s32 v19, v9;
	vm10 =	vlt.s32 v21, v8;
	vm11 =	vlt.s32 v22, v8  }
0x20d: {  	vm4 =	vlt.s32 v22, v9;
	vm3 =	vlt.s32 v21, v9;
	vm9 =	vlt.s32 v23, v8  }
0x20e: {  	p2 =	sgt.s32 s29, $0x4;
	vm12 =	vlt.s32 v23, v9;
	vm13 =	vge.s32 v13, v10;
	vm14 =	vge.s32 v15, v10  }
.Ltmp9:
0x20f: {  	vm5 =	vge.s32 v16, v11;
	vm15 =	vge.s32 v14, v11;
	vm2 =	vge.s32 v20, v10;
	(pc) =	sbr.rel @!p2 .LBB2_28-.Ltmp9, $4  }
0x210: {  	vm0 =	vge.s32 v17, v10;
	vm7 =	vge.s32 v18, v11;
	vm1 =	vge.s32 v63, v11  }
0x211: {  	v13 =	vimm.s32 $0x0;
	vm13 =	vmand vm6, vm13;
	vm6 =	vmand vm8, vm15  }
0x212: {  	vm9 =	vmand vm9, vm2;
	vm8 =	vmand vm11, vm0;
	vm0 =	vmand vm10, vm14  }
0x213: {  	s7 =	simm.s32 $0x4;
	s8 =	simm.s32 $0x10250;
	vm10 =	vmand vm12, vm1;
	v15 =	vmpcnt.ones.xlane vm0;
	v14 =	vmpcnt.ones.xlane vm13  }
.LBB2_27:
0x214: {  	v16 =	vld [tilespmem:s8+$0xFFFFE020];
	v17 =	vmpcnt.ones.xlane vm9;
	v18 =	vmpcnt.ones.xlane vm10;
	vm0 =	vmand vm4, vm7  }
0x215: {  	v20 =	vmpcnt.ones.xlane vm8;
	v19 =	vld [tilespmem:s8+$0x30];
	v21 =	vmpcnt.ones.xlane vm0;
	vm0 =	vmand vm3, vm5  }
0x216: {  	v22 =	vld [tilespmem:s8+$0xFFFFE010];
	v12 =	vadd.s32 v12, v17;
	v13 =	vadd.s32 v13, v18;
	v17 =	vmpcnt.ones.xlane vm0  }
0x217: {  	v18 =	vld [tilespmem:s8+$0x20];
	v12 =	vadd.s32 v20, v12;
	v13 =	vadd.s32 v21, v13;
	v20 =	vmpcnt.ones.xlane vm6  }
0x218: {  	s6 =	sadd.s32 $0x40, s6;
	v21 =	vld [tilespmem:s8+$0xFFFFE000];
	v12 =	vadd.s32 v15, v12;
	v13 =	vadd.s32 v17, v13  }
0x219: {  	s10 =	sadd.s32 $0xFFFFFFF0, s6;
	v17 =	vor.u32 s6, v0;
	v15 =	vld [tilespmem:s8+$0x10];
	v12 =	vadd.s32 v14, v12;
	v13 =	vadd.s32 v20, v13  }
0x21a: {  	s11 =	sadd.s32 $0xFFFFFFD0, s6;
	s21 =	sadd.s32 $0xFFFFFFE0, s6;
	v20 =	vor.u32 s10, v0;
	vm0 =	vlt.s32 v17, v8;
	vm1 =	vlt.s32 v17, v9;
	v14 =	vld [tilespmem:s8+$0xFFFFDFF0]  }
0x21b: {  	v24 =	vor.u32 s21, v0;
	v17 =	vor.u32 s11, v0;
	vm2 =	vlt.s32 v20, v8;
	v23 =	vld [tilespmem:s8+$0x0]  }
0x21c: {  	s7 =	sadd.s32 $0x4, s7;
	vm8 =	vlt.s32 v24, v8;
	vm4 =	vlt.s32 v24, v9;
	vm3 =	vlt.s32 v20, v9  }
0x21d: {  	p2 =	slt.s32 s7, s29;
	vm6 =	vge.s32 v16, v10;
	vm9 =	vlt.s32 v17, v8;
	vm10 =	vlt.s32 v17, v9  }
.Ltmp10:
0x21e: {  	vm12 =	vge.s32 v19, v11;
	vm11 =	vge.s32 v22, v10;
	vm5 =	vge.s32 v18, v11;
	(pc) =	sbr.rel @p2 .LBB2_27-.Ltmp10, $4  }
0x21f: {  	vm14 =	vge.s32 v21, v10;
	vm7 =	vge.s32 v15, v11;
	vm13 =	vge.s32 v14, v10  }
0x220: {  	vm0 =	vmand vm0, vm6;
	vm6 =	vmand vm1, vm12;
	vm15 =	vge.s32 v23, v11  }
0x221: {  	vm1 =	vmand vm2, vm11;
	vm8 =	vmand vm8, vm14;
	vm9 =	vmand vm9, vm13  }
0x222: {  	s8 =	sadd.s32 $0x40, s8;
	v15 =	vmpcnt.ones.xlane vm1;
	v14 =	vmpcnt.ones.xlane vm0;
	vm10 =	vmand vm10, vm15  }
.LBB2_28:
0x223: {  	v16 =	vmpcnt.ones.xlane vm9;
	v17 =	vmpcnt.ones.xlane vm10;
	vm0 =	vmand vm4, vm7  }
.Ltmp11:
0x224: {  	v18 =	vmpcnt.ones.xlane vm8;
	vm15 =	vmand vm3, vm5;
	v19 =	vmpcnt.ones.xlane vm0;
	(pc) =	sbr.rel .LBB2_12-.Ltmp11, $4  }
0x225: {  	v62 =	vmpcnt.ones.xlane vm15;
	v12 =	vadd.s32 v12, v16;
	v13 =	vadd.s32 v13, v17  }
0x226: {  	v63 =	vmpcnt.ones.xlane vm6;
	v12 =	vadd.s32 v18, v12;
	v13 =	vadd.s32 v19, v13  }
0x227: {  	v12 =	vadd.s32 v15, v12;
	v13 =	vadd.s32 v62, v13  }
0x228: {  	v12 =	vadd.s32 v14, v12;
	v13 =	vadd.s32 v63, v13  }
.LBB2_11:
0x229: {  	v13 =	vimm.s32 $0x0  }
.LBB2_12:
.Ltmp12:
0x22a: {  	(pc) =	sbr.rel @p1 .LBB2_15-.Ltmp12, $1  }
0x22b: {  	_ =	sdelay $0x3  }
0x22c: {  	s6 =	smov.u32 s30;
	s7 =	smov.u32 s20;
	s8 =	smov.u32 s29  }
.LBB2_14:
0x22d: {  	v14 =	vld [tilespmem:s7+$0xFFFFDFF0]  }
0x22e: {  	v15 =	vld [tilespmem:s7+$0x0];
	_ =	sdelay $0x2  }
0x22f: {  	s8 =	sadd.s32 $0x1, s8  }
0x230: {  	p2 =	slt.s32 s8, s28;
	vm0 =	vge.s32 v14, v10;
	v14 =	vor.u32 s6, v0  }
.Ltmp13:
0x231: {  	vm3 =	vge.s32 v15, v11;
	vm1 =	vlt.s32 v14, v8;
	vm2 =	vlt.s32 v14, v9;
	(pc) =	sbr.rel @p2 .LBB2_14-.Ltmp13, $3  }
0x232: {  	vm0 =	vmand vm1, vm0;
	vm15 =	vmand vm2, vm3  }
0x233: {  	v14 =	vmpcnt.ones.xlane vm0;
	v15 =	vmpcnt.ones.xlane vm15;
	_ =	sdelay $0x1  }
0x234: {  	s7 =	sadd.s32 $0x10, s7;
	s6 =	sadd.s32 $0x10, s6;
	v12 =	vadd.s32 v12, v14;
	v13 =	vadd.s32 v13, v15  }
.Ltmp14:
0x235: {  	_ = 	snop;
	(pc) =	sbr.rel .LBB2_15-.Ltmp14, $1  }
0x236: {  	_ =	sdelay $0x3  }
.LBB2_16:
.Ltmp15:
0x237: {  	(pc) =	sbr.rel @p0 .LBB2_17-.Ltmp15, $2  }
0x238: {  	_ =	sdelay $0x2  }
0x239: {  	v10 =	vmov s25;
	v11 =	vmov s26  }
0x23a: {  	s4 =	simm.s32 $0x10210  }
0x23b: {  	v13 =	vld [tilespmem:s4+$0xFFFFE020]  }
0x23c: {  	v14 =	vld [tilespmem:s4+$0x30]  }
0x23d: {  	v15 =	vld [tilespmem:s4+$0xFFFFE010]  }
0x23e: {  	v16 =	vld [tilespmem:s4+$0x20]  }
0x23f: {  	v17 =	vld [tilespmem:s4+$0xFFFFE000]  }
0x240: {  	s3 =	simm.s32 $0x30;
	s5 =	simm.s32 $0x20;
	v18 =	vld [tilespmem:s4+$0x10]  }
0x241: {  	v12 =	vimm.s32 $0x0;
	s6 =	simm.s32 $0x10;
	s21 =	simm.s32 $0x0;
	v19 =	vor.u32 s3, v0;
	v20 =	vld [tilespmem:s4+$0xFFFFDFF0];
	v21 =	vor.u32 s5, v0  }
0x242: {  	v63 =	vld [tilespmem:s4+$0x0];
	v22 =	vor.u32 s6, v0;
	v23 =	vor.u32 s21, v0;
	vm0 =	vlt.s32 v19, v8  }
0x243: {  	vm1 =	vlt.s32 v19, v9;
	vm2 =	vlt.s32 v21, v8;
	vm8 =	vlt.s32 v22, v8  }
0x244: {  	vm4 =	vlt.s32 v22, v9;
	vm3 =	vlt.s32 v21, v9;
	vm9 =	vlt.s32 v23, v8  }
0x245: {  	p2 =	sgt.s32 s29, $0x4;
	vm10 =	vlt.s32 v23, v9;
	vm6 =	vgt.s32 v13, v10;
	vm11 =	vgt.s32 v15, v10  }
.Ltmp16:
0x246: {  	vm5 =	vgt.s32 v16, v11;
	vm12 =	vgt.s32 v14, v11;
	vm13 =	vgt.s32 v20, v10;
	(pc) =	sbr.rel @!p2 .LBB2_31-.Ltmp16, $4  }
0x247: {  	vm14 =	vgt.s32 v17, v10;
	vm7 =	vgt.s32 v18, v11;
	vm15 =	vgt.s32 v63, v11  }
0x248: {  	v13 =	vimm.s32 $0x0;
	vm0 =	vmand vm0, vm6;
	vm6 =	vmand vm1, vm12  }
0x249: {  	vm9 =	vmand vm9, vm13;
	vm8 =	vmand vm8, vm14;
	vm1 =	vmand vm2, vm11  }
0x24a: {  	s4 =	simm.s32 $0x4;
	s5 =	simm.s32 $0x10250;
	vm10 =	vmand vm10, vm15;
	v15 =	vmpcnt.ones.xlane vm1;
	v14 =	vmpcnt.ones.xlane vm0  }
.LBB2_30:
0x24b: {  	v16 =	vld [tilespmem:s5+$0xFFFFE020];
	v17 =	vmpcnt.ones.xlane vm9;
	v18 =	vmpcnt.ones.xlane vm10;
	vm0 =	vmand vm4, vm7  }
0x24c: {  	v20 =	vmpcnt.ones.xlane vm8;
	v19 =	vld [tilespmem:s5+$0x30];
	v21 =	vmpcnt.ones.xlane vm0;
	vm0 =	vmand vm3, vm5  }
0x24d: {  	v22 =	vld [tilespmem:s5+$0xFFFFE010];
	v12 =	vadd.s32 v12, v17;
	v13 =	vadd.s32 v13, v18;
	v17 =	vmpcnt.ones.xlane vm0  }
0x24e: {  	v18 =	vld [tilespmem:s5+$0x20];
	v12 =	vadd.s32 v20, v12;
	v13 =	vadd.s32 v21, v13;
	v20 =	vmpcnt.ones.xlane vm6  }
0x24f: {  	s3 =	sadd.s32 $0x40, s3;
	v21 =	vld [tilespmem:s5+$0xFFFFE000];
	v12 =	vadd.s32 v15, v12;
	v13 =	vadd.s32 v17, v13  }
0x250: {  	s6 =	sadd.s32 $0xFFFFFFF0, s3;
	v17 =	vor.u32 s3, v0;
	v15 =	vld [tilespmem:s5+$0x10];
	v12 =	vadd.s32 v14, v12;
	v13 =	vadd.s32 v20, v13  }
0x251: {  	s7 =	sadd.s32 $0xFFFFFFD0, s3;
	s8 =	sadd.s32 $0xFFFFFFE0, s3;
	v20 =	vor.u32 s6, v0;
	vm0 =	vlt.s32 v17, v8;
	vm1 =	vlt.s32 v17, v9;
	v14 =	vld [tilespmem:s5+$0xFFFFDFF0]  }
0x252: {  	v24 =	vor.u32 s8, v0;
	v17 =	vor.u32 s7, v0;
	vm2 =	vlt.s32 v20, v8;
	v23 =	vld [tilespmem:s5+$0x0]  }
0x253: {  	s4 =	sadd.s32 $0x4, s4;
	vm8 =	vlt.s32 v24, v8;
	vm4 =	vlt.s32 v24, v9;
	vm3 =	vlt.s32 v20, v9  }
0x254: {  	p2 =	slt.s32 s4, s29;
	vm6 =	vgt.s32 v16, v10;
	vm9 =	vlt.s32 v17, v8;
	vm10 =	vlt.s32 v17, v9  }
.Ltmp17:
0x255: {  	vm12 =	vgt.s32 v19, v11;
	vm11 =	vgt.s32 v22, v10;
	vm5 =	vgt.s32 v18, v11;
	(pc) =	sbr.rel @p2 .LBB2_30-.Ltmp17, $4  }
0x256: {  	vm14 =	vgt.s32 v21, v10;
	vm7 =	vgt.s32 v15, v11;
	vm13 =	vgt.s32 v14, v10  }
0x257: {  	vm0 =	vmand vm0, vm6;
	vm6 =	vmand vm1, vm12;
	vm15 =	vgt.s32 v23, v11  }
0x258: {  	vm1 =	vmand vm2, vm11;
	vm8 =	vmand vm8, vm14;
	vm9 =	vmand vm9, vm13  }
0x259: {  	s5 =	sadd.s32 $0x40, s5;
	v15 =	vmpcnt.ones.xlane vm1;
	v14 =	vmpcnt.ones.xlane vm0;
	vm10 =	vmand vm10, vm15  }
.LBB2_31:
0x25a: {  	v16 =	vmpcnt.ones.xlane vm9;
	v17 =	vmpcnt.ones.xlane vm10;
	vm0 =	vmand vm4, vm7  }
.Ltmp18:
0x25b: {  	v18 =	vmpcnt.ones.xlane vm8;
	vm15 =	vmand vm3, vm5;
	v19 =	vmpcnt.ones.xlane vm0;
	(pc) =	sbr.rel .LBB2_18-.Ltmp18, $4  }
0x25c: {  	v12 =	vadd.s32 v12, v16;
	v13 =	vadd.s32 v13, v17;
	v16 =	vmpcnt.ones.xlane vm15  }
0x25d: {  	v17 =	vmpcnt.ones.xlane vm6;
	v12 =	vadd.s32 v18, v12;
	v13 =	vadd.s32 v19, v13  }
0x25e: {  	v12 =	vadd.s32 v15, v12;
	v13 =	vadd.s32 v16, v13  }
0x25f: {  	v19 =	vadd.s32 v14, v12;
	v18 =	vadd.s32 v17, v13  }
.LBB2_17:
0x260: {  	v19 =	vimm.s32 $0x0;
	v18 =	vimm.s32 $0x0  }
.LBB2_18:
.Ltmp19:
0x261: {  	(pc) =	sbr.rel @p1 .LBB2_20-.Ltmp19, $2  }
0x262: {  	_ =	sdelay $0x2  }
0x263: {  	s3 =	smov.u32 s30;
	s4 =	smov.u32 s29  }
.LBB2_19:
0x264: {  	v12 =	vld [tilespmem:s20+$0xFFFFDFF0]  }
0x265: {  	v13 =	vld [tilespmem:s20+$0x0];
	_ =	sdelay $0x2  }
0x266: {  	v61 =	vor.u32 s3, v0;
	s4 =	sadd.s32 $0x1, s4  }
0x267: {  	vm1 =	vlt.s32 v61, v8;
	p1 =	slt.s32 s4, s28  }
.Ltmp20:
0x268: {  	vm2 =	vlt.s32 v61, v9;
	vm0 =	vgt.s32 v12, v10;
	vm3 =	vgt.s32 v13, v11;
	(pc) =	sbr.rel @p1 .LBB2_19-.Ltmp20, $3  }
0x269: {  	vm0 =	vmand vm1, vm0;
	vm15 =	vmand vm2, vm3  }
0x26a: {  	v62 =	vmpcnt.ones.xlane vm0;
	v63 =	vmpcnt.ones.xlane vm15;
	_ =	sdelay $0x1  }
0x26b: {  	s20 =	sadd.s32 $0x10, s20;
	s3 =	sadd.s32 $0x10, s3;
	v19 =	vadd.s32 v19, v62;
	v18 =	vadd.s32 v18, v63  }
.LBB2_20:
0x26c: {  	s5 =	simm.s32 $0xA000  }
0x26d: {  	v15 =	vld [tilespmem:s5+$0xFFFFE000];
	_ =	sdelay $0x1  }
0x26e: {  	v16 =	vld [tilespmem:s5+$0xFFFFE020]  }
0x26f: {  	v17 =	vld [tilespmem:s5+$0xFFFFE010]  }
0x270: {  	s3 =	simm.s32 $0x2000;
	v20 =	vld [tilespmem:s5+$0xFFFFE030]  }
0x271: {  	v21 =	vld [tilespmem:s3+$0xFFFFE020];
	vm0 =	vgt.s32 v15, v10  }
0x272: {  	s20 =	simm.s32 $0x6000;
	v22 =	vld [tilespmem:s3+$0xFFFFE000];
	v23 =	vsel vm0, $0x3C800000, v6  }
0x273: {  	v14 =	vimm.s32 $0x80000000;
	v24 =	vld [tilespmem:s3+$0xFFFFE010];
	vm1 =	vgt.s32 v16, v10;
	[tilespmem:s20+$0xFFFFE000] =	vst v23  }
0x274: {  	vm2 =	vgt.s32 v15, v14;
	vm6 =	vgt.s32 v17, v10;
	v25 =	vsel vm1, $0x3C800000, v6;
	v23 =	vld [tilespmem:s5+$0x0]  }
0x275: {  	v15 =	vsel vm2, v15, v14;
	v27 =	vsel vm6, $0x3C800000, v6;
	[tilespmem:s20+$0xFFFFE020] =	vst v25;
	v26 =	vld [tilespmem:s3+$0x0]  }
0x276: {  	v13 =	vimm.f32 $0.0e+00;
	v12 =	vimm.s32 $0x0;
	vm4 =	vgt.s32 v17, v15;
	[tilespmem:s20+$0xFFFFE010] =	vst v27;
	v27 =	vld [tilespmem:s5+$0x20]  }
0x277: {  	s4 =	simm.s32 $0x30;
	s21 =	simm.s32 $0x0;
	v15 =	vsel vm4, v17, v15;
	v17 =	vnsel vm1, $0x0, v21;
	v21 =	vnsel vm0, $0x0, v22;
	v22 =	vld [tilespmem:s5+$0x10]  }
0x278: {  	v29 =	vor.u32 s21, v0;
	v61 =	vor.u32 s4, v0;
	vm3 =	vgt.s32 v20, v10  }
0x279: {  	s6 =	simm.s32 $0x20;
	v28 =	vsel vm3, $0x3C800000, v6;
	v31 =	vsel vm2, v29, v12;
	v24 =	vnsel vm6, $0x0, v24;
	v30 =	vld [tilespmem:s3+$0x10]  }
0x27a: {  	v25 =	vor.u32 s6, v0;
	vm5 =	vgt.s32 v16, v15;
	v21 =	vadd.f32 v21, v13  }
0x27b: {  	v15 =	vsel vm5, v16, v15;
	vm0 =	vgt.s32 v23, v11;
	vm1 =	vgt.s32 v23, v14  }
0x27c: {  	s7 =	simm.s32 $0x10;
	vm8 =	vgt.s32 v27, v11;
	vm2 =	vgt.s32 v22, v11;
	v16 =	vnsel vm0, $0x0, v26  }
0x27d: {  	v14 =	vsel vm1, v23, v14;
	v23 =	vor.u32 s7, v0;
	v12 =	vsel vm1, v29, v12  }
0x27e: {  	v32 =	vld [tilespmem:s3+$0xFFFFE030];
	[tilespmem:s20+$0xFFFFE030] =	vst v28;
	v26 =	vnsel vm2, $0x0, v30;
	v29 =	vsel vm0, $0x3C800000, v6;
	v30 =	vsel vm8, $0x3C800000, v6  }
0x27f: {  	vm0 =	vgt.s32 v20, v15;
	v13 =	vadd.f32 v16, v13;
	vm6 =	vgt.s32 v22, v14;
	v16 =	vld [tilespmem:s5+$0x30]  }
0x280: {  	s8 =	simm.s32 $0xA040;
	v15 =	vsel vm0, v20, v15;
	v14 =	vsel vm6, v22, v14;
	v22 =	vld [tilespmem:s3+$0x20];
	v28 =	vsel vm6, v23, v12  }
0x281: {  	v23 =	vsel vm4, v23, v31;
	v26 =	vadd.f32 v26, v13;
	v13 =	vadd.f32 v24, v21;
	v24 =	vld [tilespmem:s8+$0xFFFFE000]  }
0x282: {  	v12 =	vsel vm2, $0x3C800000, v6;
	v31 =	vld [tilespmem:s8+$0xFFFFE010];
	vm6 =	vgt.s32 v27, v14;
	v23 =	vsel vm5, v25, v23  }
0x283: {  	s4 =	simm.s32 $0x2040;
	v21 =	vsel vm6, v27, v14;
	v27 =	vnsel vm3, $0x0, v32;
	v13 =	vadd.f32 v17, v13;
	v17 =	vld [tilespmem:s8+$0xFFFFE020]  }
0x284: {  	v33 =	vld [tilespmem:s4+$0xFFFFE000];
	v23 =	vsel vm0, v61, v23;
	v25 =	vsel vm6, v25, v28;
	vm7 =	vgt.s32 v16, v11  }
0x285: {  	s10 =	simm.s32 $0x60;
	v34 =	vld [tilespmem:s3+$0x30];
	vm9 =	vgt.s32 v16, v21;
	v20 =	vsel vm7, $0x3C800000, v6;
	v27 =	vadd.f32 v27, v13  }
0x286: {  	v14 =	vld [tilespmem:s8+$0xFFFFE030];
	v13 =	vor.u32 s10, v0;
	v22 =	vnsel vm8, $0x0, v22;
	vm0 =	vgt.s32 v24, v10  }
0x287: {  	v35 =	vld [tilespmem:s4+$0xFFFFE020];
	s3 =	simm.s32 $0x6040;
	vm8 =	vgt.s32 v31, v10;
	vm1 =	vgt.s32 v24, v15;
	v36 =	vsel vm0, $0x3C800000, v6  }
0x288: {  	v16 =	vsel vm9, v16, v21;
	v15 =	vsel vm1, v24, v15;
	v24 =	vld [tilespmem:s4+$0xFFFFE010];
	[tilespmem:s3+$0xFFFFE000] =	vst v36;
	vm2 =	vgt.s32 v17, v10  }
0x289: {  	v26 =	vadd.f32 v22, v26;
	vm4 =	vgt.s32 v31, v15;
	v36 =	vld [tilespmem:s8+$0x0];
	v22 =	vsel vm2, $0x3C800000, v6  }
0x28a: {  	v33 =	vnsel vm0, $0x0, v33;
	v15 =	vsel vm4, v31, v15;
	v31 =	vld [tilespmem:s4+$0x0];
	[tilespmem:s3+$0xFFFFE020] =	vst v22;
	v22 =	vsel vm8, $0x3C800000, v6  }
0x28b: {  	vm3 =	vgt.s32 v14, v10;
	v33 =	vadd.f32 v33, v27;
	v27 =	vnsel vm7, $0x0, v34;
	[tilespmem:s3+$0xFFFFE010] =	vst v22;
	v38 =	vld [tilespmem:s8+$0x20]  }
0x28c: {  	s11 =	simm.s32 $0x40;
	s21 =	simm.s32 $0x50;
	v37 =	vsel vm3, $0x3C800000, v6;
	v26 =	vadd.f32 v27, v26;
	vm5 =	vgt.s32 v17, v15;
	v28 =	vld [tilespmem:s8+$0x10]  }
0x28d: {  	v27 =	vor.u32 s21, v0;
	v17 =	vsel vm5, v17, v15;
	v15 =	vor.u32 s11, v0;
	v62 =	vld [tilespmem:s4+$0x10]  }
0x28e: {  	v22 =	vnsel vm2, $0x0, v35;
	v63 =	vnsel vm8, $0x0, v24;
	vm8 =	vgt.s32 v36, v11  }
0x28f: {  	v23 =	vsel vm1, v15, v23;
	vm0 =	vgt.s32 v36, v16;
	v21 =	vnsel vm8, $0x0, v31  }
0x290: {  	v31 =	vsel vm9, v61, v25;
	v16 =	vsel vm0, v36, v16;
	v25 =	vld [tilespmem:s4+$0xFFFFE030];
	[tilespmem:s3+$0xFFFFE030] =	vst v37;
	vm7 =	vgt.s32 v38, v11  }
0x291: {  	[tilespmem:s20+$0x0] =	vst v29;
	v29 =	vsel vm0, v15, v31;
	v15 =	vld [tilespmem:s8+$0x30];
	vm1 =	vgt.s32 v28, v11;
	vm2 =	vgt.s32 v28, v16  }
0x292: {  	v21 =	vadd.f32 v21, v26;
	v26 =	vnsel vm1, $0x0, v62;
	v31 =	vsel vm2, v28, v16  }
0x293: {  	s6 =	simm.s32 $0x70;
	[tilespmem:s20+$0x20] =	vst v30;
	v24 =	vld [tilespmem:s4+$0x20];
	v16 =	vsel vm2, v27, v29;
	v29 =	vadd.f32 v63, v33;
	vm6 =	vgt.s32 v38, v31  }
0x294: {  	s7 =	simm.s32 $0x70;
	s5 =	simm.s32 $0x4;
	[tilespmem:s20+$0x30] =	vst v20;
	s8 =	simm.s32 $0xA080;
	v28 =	vsel vm1, $0x3C800000, v6;
	v26 =	vadd.f32 v26, v21;
	v21 =	vld [tilespmem:s4+$0x30];
	v20 =	vsel vm6, v38, v31  }
.LBB2_21:
0x295: {  	v30 =	vld [tilespmem:s8+$0xFFFFE000];
	s5 =	sadd.s32 $0x4, s5;
	v31 =	vsel vm8, $0x3C800000, v6;
	v32 =	vsel vm7, $0x3C800000, v6;
	v25 =	vnsel vm3, $0x0, v25;
	[tilespmem:s20+$0x10] =	vst v12;
	v12 =	vmovc v28;
	s20 =	smov.u32 s3  }
0x296: {  	vm0 =	vgt.s32 v14, v17;
	v28 =	vld [tilespmem:s8+$0xFFFFE030];
	p1 =	slt.u32 s5, $0x1FC;
	[tilespmem:s3+$0x0] =	vst v31;
	v22 =	vadd.f32 v22, v29;
	vm8 =	vgt.s32 v15, v11  }
0x297: {  	v23 =	vsel vm4, v27, v23;
	s7 =	sadd.s32 $0x40, s7;
	v17 =	vsel vm0, v14, v17;
	v29 =	vld [tilespmem:s8+$0xFFFFE020];
	[tilespmem:s3+$0x20] =	vst v32;
	v14 =	vsel vm8, $0x3C800000, v6  }
0x298: {  	s4 =	sadd.s32 $0x40, s4;
	s10 =	sadd.s32 $0xFFFFFFF0, s7;
	v23 =	vsel vm5, v13, v23;
	v31 =	vor.u32 s6, v0;
	s6 =	smov.u32 s7;
	v27 =	vld [tilespmem:s8+$0xFFFFE010];
	v32 =	vadd.f32 v25, v22;
	[tilespmem:s3+$0x30] =	vst v14  }
0x299: {  	vm9 =	vgt.s32 v15, v20;
	v33 =	vor.u32 s10, v0;
	v23 =	vsel vm0, v31, v23;
	v22 =	vld [tilespmem:s4+$0xFFFFE020]  }
0x29a: {  	v25 =	vnsel vm7, $0x0, v24;
	v34 =	vld [tilespmem:s4+$0xFFFFE000];
	vm0 =	vgt.s32 v30, v10;
	vm10 =	vgt.s32 v30, v17  }
0x29b: {  	s3 =	sadd.s32 $0x40, s3;
	v26 =	vadd.f32 v25, v26;
	v24 =	vsel vm0, $0x3C800000, v6;
	v35 =	vld [tilespmem:s4+$0xFFFFE010];
	vm3 =	vgt.s32 v28, v10;
	v14 =	vmovc v28  }
0x29c: {  	v17 =	vsel vm10, v30, v17;
	[tilespmem:s3+$0xFFFFE000] =	vst v24;
	vm1 =	vgt.s32 v29, v10;
	v25 =	vld [tilespmem:s4+$0xFFFFE030];
	v24 =	vsel vm3, $0x3C800000, v6  }
0x29d: {  	v28 =	vld [tilespmem:s8+$0x0];
	vm2 =	vgt.s32 v27, v10;
	vm4 =	vgt.s32 v27, v17;
	v30 =	vsel vm1, $0x3C800000, v6;
	[tilespmem:s3+$0xFFFFE030] =	vst v24  }
0x29e: {  	s10 =	sadd.s32 $0xFFFFFFD0, s7;
	v36 =	vld [tilespmem:s4+$0x0];
	v24 =	vsel vm2, $0x3C800000, v6;
	v17 =	vsel vm4, v27, v17;
	[tilespmem:s3+$0xFFFFE020] =	vst v30;
	v22 =	vnsel vm1, $0x0, v22  }
0x29f: {  	v30 =	vor.u32 s10, v0;
	v27 =	vnsel vm0, $0x0, v34;
	[tilespmem:s3+$0xFFFFE010] =	vst v24;
	vm5 =	vgt.s32 v29, v17;
	v34 =	vld [tilespmem:s8+$0x20]  }
0x2a0: {  	v23 =	vsel vm10, v30, v23;
	v32 =	vadd.f32 v27, v32;
	v35 =	vnsel vm2, $0x0, v35;
	v37 =	vld [tilespmem:s8+$0x10]  }
0x2a1: {  	v16 =	vsel vm6, v13, v16;
	v13 =	vmovc v33;
	v21 =	vnsel vm8, $0x0, v21;
	v17 =	vsel vm5, v29, v17;
	v38 =	vld [tilespmem:s4+$0x10]  }
0x2a2: {  	v15 =	vsel vm9, v15, v20;
	v21 =	vadd.f32 v21, v26;
	vm8 =	vgt.s32 v28, v11;
	v24 =	vld [tilespmem:s4+$0x20]  }
0x2a3: {  	v16 =	vsel vm9, v31, v16;
	s10 =	sadd.s32 $0xFFFFFFE0, s7;
	vm0 =	vgt.s32 v28, v15;
	v20 =	vnsel vm8, $0x0, v36  }
.Ltmp21:
0x2a4: {  	v27 =	vor.u32 s10, v0;
	v26 =	vsel vm0, v28, v15;
	vm7 =	vgt.s32 v34, v11;
	(pc) =	sbr.rel @p1 .LBB2_21-.Ltmp21, $4  }
0x2a5: {  	v20 =	vadd.f32 v20, v21;
	vm1 =	vgt.s32 v37, v11;
	vm2 =	vgt.s32 v37, v26;
	v15 =	vld [tilespmem:s8+$0x30]  }
0x2a6: {  	v16 =	vsel vm0, v30, v16;
	v21 =	vnsel vm1, $0x0, v38;
	v30 =	vsel vm2, v37, v26  }
0x2a7: {  	v16 =	vsel vm2, v27, v16;
	v26 =	vadd.f32 v21, v20;
	vm6 =	vgt.s32 v34, v30  }
0x2a8: {  	v29 =	vadd.f32 v35, v32;
	s8 =	sadd.s32 $0x40, s8;
	v28 =	vsel vm1, $0x3C800000, v6;
	v20 =	vsel vm6, v34, v30;
	v21 =	vld [tilespmem:s4+$0x30]  }
0x2a9: {  	v19 =	vxor.u32 $0x80000000, v19  }
0x2aa: {  	v18 =	vxor.u32 $0x80000000, v18;
	(xrf0) =	vmax.scan.msk.u32 $0xffff, v19  }
0x2ab: {  	(xrf0) =	vmax.scan.msk.u32 $0xffff, v18;
	_ =	sdelay $0x4  }
0x2ac: {  	v18, _, _ =	vpop (xrf0)  }
0x2ad: {  	(v2sf) =	vpush v18, $0xF;
	v18, _, _ =	vpop (xrf0)  }
0x2ae: {  	(v2sf) =	vpush v18, $0xF;
	_ =	sdelay $0xa  }
0x2af: {  	v30 =	vsel vm8, $0x3C800000, v6;
	[tilespmem:s20+$0x10] =	vst v12  }
0x2b0: {  	v31 =	vsel vm7, $0x3C800000, v6;
	v25 =	vnsel vm3, $0x0, v25;
	vm0 =	vgt.s32 v14, v17;
	[tilespmem:s3+$0x10] =	vst v28  }
0x2b1: {  	v12 =	vsel vm4, v27, v23;
	v62 =	vor.u32 s6, v0;
	vm1 =	vgt.s32 v15, v11;
	[tilespmem:s3+$0x0] =	vst v30  }
.Ltmp22:
0x2b2: {  	v24 =	vnsel vm7, $0x0, v24;
	v16 =	vsel vm6, v13, v16;
	[tilespmem:s3+$0x20] =	vst v31;
	v61 =	vsel vm1, $0x3C800000, v6;
	s21 =	spop (v2sf);
	(pc) =	sbr.rel @p0 .LBB2_23-.Ltmp22, $4  }
0x2b3: {  	v22 =	vadd.f32 v22, v29;
	v14 =	vsel vm0, v14, v17;
	v17 =	vsel vm5, v13, v12;
	[tilespmem:s3+$0x30] =	vst v61;
	s3 =	sxor.u32 $0x7FFFFFFF, s21;
	s4 =	spop (v2sf)  }
0x2b4: {  	v63 =	vadd.f32 v24, v26;
	vm15 =	vgt.s32 v15, v20;
	v17 =	vsel vm0, v62, v17;
	s3 =	ssub.s32 s3, s9;
	s4 =	sxor.u32 $0x7FFFFFFF, s4  }
0x2b5: {  	v15 =	vsel vm15, v15, v20;
	v16 =	vsel vm15, v62, v16;
	v13 =	vnsel vm1, $0x0, v21;
	s3 =	sadd.s32 $0x41, s3;
	s1 =	ssub.s32 s4, s1  }
0x2b6: {  	v12 =	vadd.f32 v25, v22;
	v13 =	vadd.f32 v13, v63;
	s1 =	sadd.s32 $0x41, s1;
	v18 =	vmov s3  }
0x2b7: {  	s4 =	simm.s32 $0x10210  }
0x2b8: {  	v20 =	vld [tilespmem:s4+$0xFFFFE000]  }
0x2b9: {  	v21 =	vld [tilespmem:s4+$0xFFFFDFF0];
	_ =	sdelay $0x1  }
0x2ba: {  	s6 =	simm.s32 $0x10  }
0x2bb: {  	s20 =	simm.s32 $0x0;
	v31 =	vor.u32 s6, v0  }
0x2bc: {  	v22 =	vor.u32 s20, v0;
	vm0 =	vlt.s32 v31, v8;
	vm1 =	veq.s32 v20, v10  }
0x2bd: {  	vm2 =	vlt.s32 v22, v8;
	vm13 =	veq.s32 v21, v10;
	vm5 =	vmand vm0, vm1  }
0x2be: {  	v23 =	vld [tilespmem:s4+$0xFFFFE010];
	vm0 =	vmand vm2, vm13;
	v21 =	vsel vm5, $0x1, v1  }
0x2bf: {  	(xrf0) =	vadd.scan.msk.s32 $0xffff, v21;
	v21 =	vsel vm0, $0x1, v1  }
0x2c0: {  	v20 =	vld [tilespmem:s4+$0xFFFFE020];
	(xrf0) =	vadd.scan.msk.s32 $0xffff, v21  }
0x2c1: {  	s21 =	simm.s32 $0x20  }
0x2c2: {  	s5 =	simm.s32 $0x30;
	v32 =	vor.u32 s21, v0  }
0x2c3: {  	v34 =	vor.u32 s5, v0;
	vm14 =	vlt.s32 v32, v8;
	vm3 =	veq.s32 v23, v10  }
0x2c4: {  	v24 =	vimm.s32 $0x0;
	vm12 =	vlt.s32 v34, v8;
	vm3 =	vmand vm14, vm3  }
0x2c5: {  	v23 =	vmpcnt.ones.xlane vm0;
	vm15 =	veq.s32 v20, v10;
	v20 =	vsel vm0, $0xFFFFFFFF, v1;
	v25, _, _ =	vpop (xrf0)  }
0x2c6: {  	s3 =	simm.s32 $0x14230;
	v26 =	vsel vm3, $0x1, v1;
	v21 =	vsel vm5, $0xFFFFFFFF, v1;
	v20 =	vadd.s32 v20, v24;
	v27, _, _ =	vpop (xrf0)  }
0x2c7: {  	v28 =	vld [tilespmem:s3+$0xFFFFDFF0];
	v23 =	vadd.s32 v24, v23;
	vm4 =	vmand vm12, vm15;
	v20 =	vadd.s32 v27, v20  }
0x2c8: {  	(xrf0) =	vadd.scan.msk.s32 $0xffff, v26;
	v26 =	vsel vm4, $0x1, v1;
	vm13 =	vlt.s32 v20, v18;
	v20 =	vadd.s32 v21, v23  }
0x2c9: {  	(xrf0) =	vadd.scan.msk.s32 $0xffff, v26;
	v21 =	vld [tilespmem:s3+$0xFFFFE000];
	vm0 =	vmand vm0, vm13;
	v20 =	vadd.s32 v25, v20  }
0x2ca: {  	vm14 =	vlt.s32 v20, v18  }
0x2cb: {  	v20 =	vmpcnt.ones.xlane vm5;
	vm1 =	vmand vm5, vm14  }
0x2cc: {  	p1 =	sgt.s32 s29, $0x4;
	v25 =	vmpcnt.ones.xlane vm3  }
.Ltmp23:
0x2cd: {  	v19 =	vmov s1;
	v27 =	vsel vm3, $0xFFFFFFFF, v1;
	v20 =	vadd.s32 v23, v20;
	(pc) =	sbr.rel @!p1 .LBB2_33-.Ltmp23, $4  }
0x2ce: {  	v23, _, _ =	vpop (xrf0);
	v29 =	vadd.s32 v27, v20;
	v20 =	vadd.s32 v20, v25;
	v25 =	vsel vm4, $0xFFFFFFFF, v1  }
0x2cf: {  	v26 =	vmpcnt.ones.xlane vm4;
	v27 =	vld [tilespmem:s3+$0xFFFFE010];
	v23 =	vadd.s32 v23, v29;
	v25 =	vadd.s32 v25, v20;
	[tilespmem:v28+s18+$0x0] =	vst.idx.msk vm0, v7;
	v28, _, _ =	vpop (xrf0)  }
0x2d0: {  	vm9 =	vlt.s32 v22, v9;
	v29 =	vld [tilespmem:s3+$0xFFFFE020];
	vm15 =	vlt.s32 v23, v18;
	v23 =	vadd.s32 v28, v25  }
0x2d1: {  	s9 =	simm.s32 $0x10250;
	p0 =	por $0x0, $0x0;
	s5 =	simm.s32 $0x70;
	v20 =	vadd.s32 v20, v26;
	v33 =	vld [tilespmem:s4+$0x0];
	vm8 =	vmand vm3, vm15;
	[tilespmem:v21+s18+$0x0] =	vst.idx.msk vm1, v7;
	vm11 =	vlt.s32 v23, v18  }
0x2d2: {  	v25 =	vld [tilespmem:s9+$0xFFFFE000]  }
0x2d3: {  	v53 =	vld [tilespmem:s9+$0xFFFFE020]  }
0x2d4: {  	s6 =	simm.s32 $0x50;
	vm0 =	vmand vm4, vm11;
	v26 =	vld [tilespmem:s9+$0xFFFFDFF0];
	s7 =	simm.s32 $0x60;
	v22 =	vor.u32 s5, v0;
	vm5 =	vlt.s32 v34, v9  }
0x2d5: {  	s21 =	simm.s32 $0x40;
	v28 =	vld [tilespmem:s4+$0x10];
	vm11 =	vlt.s32 v32, v9;
	v21 =	vor.u32 s6, v0;
	v23 =	vor.u32 s7, v0  }
0x2d6: {  	v30 =	vor.u32 s21, v0;
	vm2 =	vlt.s32 v23, v8;
	vm1 =	veq.s32 v33, v11  }
0x2d7: {  	vm3 =	vlt.s32 v21, v8;
	vm6 =	vmand vm9, vm1;
	vm1 =	vlt.s32 v30, v8  }
0x2d8: {  	[tilespmem:v27+s18+$0x0] =	vst.idx.msk vm8, v7;
	vm4 =	veq.s32 v25, v10;
	vm12 =	veq.s32 v53, v10;
	v35 =	vsel vm6, $0x1, v1  }
0x2d9: {  	v25 =	vld [tilespmem:s9+$0xFFFFE010];
	v54 =	vmpcnt.ones.xlane vm6;
	vm8 =	vmand vm3, vm4;
	vm3 =	vlt.s32 v31, v9;
	(xrf0) =	vadd.scan.msk.s32 $0xffff, v35  }
0x2da: {  	v27 =	vsel vm6, $0xFFFFFFFF, v1;
	v31 =	vld [tilespmem:s4+$0x20];
	[tilespmem:v29+s18+$0x0] =	vst.idx.msk vm0, v7;
	vm0 =	veq.s32 v28, v11;
	vm4 =	veq.s32 v26, v10  }
0x2db: {  	v55 =	vsel vm8, $0xFFFFFFFF, v1;
	v26 =	vsel vm8, $0x1, v1;
	vm9 =	vmand vm1, vm4  }
0x2dc: {  	vm7 =	vmand vm3, vm0;
	vm1 =	vlt.s32 v22, v8;
	v34 =	vadd.s32 v24, v54  }
0x2dd: {  	v28 =	vld [tilespmem:s4+$0x30];
	v24 =	vadd.s32 v27, v24;
	(xrf0) =	vadd.scan.msk.s32 $0xffff, v26;
	v26 =	vsel vm9, $0x1, v1;
	v27 =	vsel vm9, $0xFFFFFFFF, v1  }
0x2de: {  	v56 =	vsel vm7, $0x1, v1;
	vm4 =	vmand vm1, vm12;
	(xrf0) =	vadd.scan.msk.s32 $0xffff, v26;
	vm0 =	veq.s32 v25, v10  }
0x2df: {  	v26 =	vmpcnt.ones.xlane vm9;
	vm10 =	vmand vm2, vm0;
	vm0 =	veq.s32 v31, v11;
	v31, _, _ =	vpop (xrf0)  }
0x2e0: {  	v27 =	vadd.s32 v27, v20;
	v58 =	vsel vm4, $0x1, v1;
	v24 =	vadd.s32 v31, v24  }
0x2e1: {  	v25 =	vmpcnt.ones.xlane vm8;
	v20 =	vadd.s32 v20, v26;
	v29 =	vsel vm10, $0x1, v1  }
0x2e2: {  	v57 =	vmpcnt.ones.xlane vm10;
	vm3 =	vmand vm11, vm0;
	vm0 =	veq.s32 v28, v11  }
0x2e3: {  	v28 =	vsel vm7, $0xFFFFFFFF, v1;
	v32 =	vadd.s32 v55, v20;
	vm11 =	vlt.s32 v24, v19;
	v24, _, _ =	vpop (xrf0)  }
0x2e4: {  	s20 =	simm.s32 $0x14270;
	v20 =	vadd.s32 v20, v25;
	v36 =	vsel vm3, $0xFFFFFFFF, v1;
	v37 =	vmpcnt.ones.xlane vm3;
	(xrf0) =	vadd.scan.msk.s32 $0xffff, v56;
	v38, _, _ =	vpop (xrf0)  }
0x2e5: {  	v39 =	vld [tilespmem:s20+$0xFFFFDFF0];
	vm5 =	vmand vm5, vm0;
	v28 =	vadd.s32 v28, v34;
	(xrf0) =	vadd.scan.msk.s32 $0xffff, v29;
	v27 =	vadd.s32 v38, v27  }
0x2e6: {  	v59 =	vsel vm3, $0x1, v1;
	v31 =	vmpcnt.ones.xlane vm7;
	vm0 =	vlt.s32 v27, v18  }
0x2e7: {  	v35 =	vadd.s32 v20, v57;
	(xrf0) =	vadd.scan.msk.s32 $0xffff, v59;
	v27 =	vsel vm5, $0x1, v1;
	vm0 =	vmand vm9, vm0  }
0x2e8: {  	v63 =	vmpcnt.ones.xlane vm5;
	v26 =	vadd.s32 v34, v31;
	v31 =	vsel vm10, $0xFFFFFFFF, v1;
	(xrf0) =	vadd.scan.msk.s32 $0xffff, v27  }
0x2e9: {  	v60 =	vld [tilespmem:s20+$0xFFFFE000];
	vm6 =	vmand vm6, vm11;
	v34 =	vadd.s32 v36, v26;
	v24 =	vadd.s32 v24, v32;
	(xrf0) =	vadd.scan.msk.s32 $0xffff, v58  }
0x2ea: {  	v25 =	vld [tilespmem:s3+$0x0];
	v61, _, _ =	vpop (xrf0);
	vm1 =	vlt.s32 v24, v18;
	v24 =	vadd.s32 v26, v37;
	v26 =	vsel vm5, $0xFFFFFFFF, v1  }
0x2eb: {  	v31 =	vadd.s32 v31, v20;
	vm1 =	vmand vm8, vm1;
	v37 =	vadd.s32 v26, v24;
	v20, _, _ =	vpop (xrf0)  }
0x2ec: {  	p1 =	sgt.s32 s29, $0x8;
	v28 =	vadd.s32 v61, v28;
	v27 =	vld [tilespmem:s20+$0xFFFFE010];
	v20 =	vadd.s32 v20, v31;
	v31 =	vsel vm4, $0xFFFFFFFF, v1  }
.Ltmp24:
0x2ed: {  	v29 =	vmpcnt.ones.xlane vm4;
	v26 =	vld [tilespmem:s3+$0x10];
	v24 =	vadd.s32 v24, v63;
	v62, _, _ =	vpop (xrf0);
	[tilespmem:v39+s18+$0x0] =	vst.idx.msk vm0, v7;
	vm0 =	vlt.s32 v20, v18;
	(pc) =	sbr.rel @!p1 .LBB2_35-.Ltmp24, $4  }
0x2ee: {  	vm9 =	vlt.s32 v30, v9;
	v30, _, _ =	vpop (xrf0);
	v33 =	vld [tilespmem:s9+$0x0];
	vm8 =	vmand vm10, vm0;
	vm0 =	vlt.s32 v28, v19  }
0x2ef: {  	v20 =	vadd.s32 v35, v29;
	v29 =	vld [tilespmem:s20+$0xFFFFE020];
	v28 =	vadd.s32 v31, v35;
	v31, _, _ =	vpop (xrf0);
	vm7 =	vmand vm7, vm0  }
0x2f0: {  	s5 =	simm.s32 $0xB0;
	p0 =	por $0x1, $0x1;
	v32 =	vadd.s32 v62, v34;
	v35 =	vadd.s32 v30, v37;
	v30 =	vld [tilespmem:s3+$0x30];
	v31 =	vadd.s32 v31, v28  }
0x2f1: {  	s6 =	simm.s32 $0x10290;
	s4 =	simm.s32 $0x8;
	[tilespmem:v60+s18+$0x0] =	vst.idx.msk vm1, v7;
	vm10 =	vlt.s32 v32, v19;
	v28 =	vld [tilespmem:s3+$0x20];
	s3 =	simm.s32 $0x14270;
	vm11 =	vlt.s32 v31, v18  }
.LBB2_36:
0x2f2: {  	s7 =	sadd.s32 $0xFFFFFFE0, s5;
	v32 =	vld [tilespmem:s6+$0xFFFFE000];
	s4 =	sadd.s32 $0x4, s4;
	vm12 =	vmand vm4, vm11;
	[tilespmem:v25+s19+$0x0] =	vst.idx.msk vm6, v7;
	vm4 =	vmand vm3, vm10;
	vm0 =	vlt.s32 v35, v19  }
0x2f3: {  	v25 =	vld [tilespmem:s6+$0xFFFFDFF0];
	v34 =	vor.u32 s7, v0;
	p1 =	slt.s32 s4, s29;
	vm1 =	veq.s32 v33, v11;
	vm10 =	vmand vm5, vm0  }
0x2f4: {  	s8 =	sadd.s32 $0xFFFFFFF0, s5;
	s7 =	sadd.s32 $0xFFFFFFD0, s5;
	vm5 =	vlt.s32 v22, v9;
	v22 =	vor.u32 s5, v0;
	vm6 =	vmand vm9, vm1;
	v33 =	vld [tilespmem:s9+$0x10];
	[tilespmem:v27+s18+$0x0] =	vst.idx.msk vm8, v7  }
0x2f5: {  	v31 =	vor.u32 s7, v0;
	v27 =	vor.u32 s8, v0;
	v35 =	vld [tilespmem:s6+$0xFFFFE020];
	v36 =	vmpcnt.ones.xlane vm6;
	[tilespmem:v26+s19+$0x0] =	vst.idx.msk vm7, v7  }
0x2f6: {  	vm0 =	vlt.s32 v31, v8;
	vm11 =	vlt.s32 v27, v8;
	v26 =	vsel vm6, $0x1, v1  }
0x2f7: {  	vm3 =	vlt.s32 v23, v9;
	vm1 =	vlt.s32 v34, v8;
	vm2 =	veq.s32 v32, v10;
	v32 =	vld [tilespmem:s6+$0xFFFFE010];
	(xrf0) =	vadd.scan.msk.s32 $0xffff, v26  }
0x2f8: {  	v23 =	vsel vm6, $0xFFFFFFFF, v1;
	vm8 =	vmand vm1, vm2;
	vm1 =	vlt.s32 v21, v9;
	v26 =	vld [tilespmem:s9+$0x20];
	[tilespmem:v29+s18+$0x0] =	vst.idx.msk vm12, v7;
	v21 =	vmovc v34  }
0x2f9: {  	v34 =	vadd.s32 v24, v36;
	v29 =	vsel vm8, $0xFFFFFFFF, v1;
	vm2 =	veq.s32 v33, v11;
	[tilespmem:v28+s19+$0x0] =	vst.idx.msk vm4, v7  }
0x2fa: {  	vm7 =	veq.s32 v25, v10;
	v25 =	vsel vm8, $0x1, v1;
	vm4 =	veq.s32 v35, v10;
	v28 =	vld [tilespmem:s9+$0x30];
	[tilespmem:v30+s19+$0x0] =	vst.idx.msk vm10, v7;
	s9 =	smov.u32 s6  }
0x2fb: {  	v24 =	vadd.s32 v23, v24;
	v23 =	vmovc v27;
	vm9 =	vmand vm0, vm7;
	vm7 =	vmand vm1, vm2;
	(xrf0) =	vadd.scan.msk.s32 $0xffff, v25  }
0x2fc: {  	v27 =	vmpcnt.ones.xlane vm8;
	v33 =	vsel vm9, $0x1, v1;
	vm0 =	veq.s32 v32, v10  }
0x2fd: {  	v30 =	vsel vm9, $0xFFFFFFFF, v1;
	v32 =	vmpcnt.ones.xlane vm9;
	vm10 =	vmand vm11, vm0;
	(xrf0) =	vadd.scan.msk.s32 $0xffff, v33;
	v25, _, _ =	vpop (xrf0)  }
0x2fe: {  	v35 =	vsel vm7, $0x1, v1;
	vm0 =	veq.s32 v26, v11;
	v33 =	vsel vm10, $0x1, v1  }
0x2ff: {  	v26 =	vmpcnt.ones.xlane vm10;
	vm3 =	vmand vm3, vm0;
	vm0 =	veq.s32 v28, v11;
	(xrf0) =	vadd.scan.msk.s32 $0xffff, v35  }
0x300: {  	v24 =	vadd.s32 v25, v24;
	v25 =	vsel vm7, $0xFFFFFFFF, v1;
	v28 =	vmpcnt.ones.xlane vm7  }
0x301: {  	vm1 =	vlt.s32 v22, v8;
	vm11 =	vlt.s32 v24, v19;
	v24 =	vsel vm3, $0xFFFFFFFF, v1;
	v35, _, _ =	vpop (xrf0);
	(xrf0) =	vadd.scan.msk.s32 $0xffff, v33  }
0x302: {  	vm4 =	vmand vm1, vm4;
	vm5 =	vmand vm5, vm0;
	v33 =	vmpcnt.ones.xlane vm3  }
0x303: {  	s3 =	sadd.s32 $0x40, s3;
	v41 =	vadd.s32 v30, v20;
	v36 =	vsel vm4, $0x1, v1;
	v37 =	vmpcnt.ones.xlane vm4;
	v38, _, _ =	vpop (xrf0)  }
0x304: {  	v39 =	vld [tilespmem:s3+$0xFFFFDFF0];
	v40 =	vadd.s32 v38, v41;
	v38 =	vadd.s32 v25, v34;
	v25 =	vsel vm3, $0x1, v1  }
0x305: {  	v20 =	vadd.s32 v20, v32;
	v28 =	vadd.s32 v34, v28;
	vm0 =	vlt.s32 v40, v18;
	v30, _, _ =	vpop (xrf0);
	(xrf0) =	vadd.scan.msk.s32 $0xffff, v25  }
0x306: {  	v32 =	vsel vm5, $0x1, v1;
	v25 =	vsel vm10, $0xFFFFFFFF, v1;
	vm0 =	vmand vm9, vm0  }
0x307: {  	v29 =	vadd.s32 v29, v20;
	v20 =	vadd.s32 v20, v27;
	v40 =	vadd.s32 v24, v28;
	v34, _, _ =	vpop (xrf0);
	(xrf0) =	vadd.scan.msk.s32 $0xffff, v32  }
0x308: {  	v24 =	vadd.s32 v35, v29;
	v35 =	vadd.s32 v20, v26;
	v29 =	vadd.s32 v25, v20;
	v32 =	vld [tilespmem:s3+$0xFFFFE000];
	(xrf0) =	vadd.scan.msk.s32 $0xffff, v36  }
0x309: {  	vm1 =	vlt.s32 v24, v18;
	v24 =	vadd.s32 v28, v33;
	v20 =	vsel vm5, $0xFFFFFFFF, v1;
	v25 =	vld [tilespmem:s20+$0x0]  }
0x30a: {  	vm6 =	vmand vm6, vm11;
	vm12 =	vmand vm8, vm1;
	v36 =	vadd.s32 v20, v24  }
0x30b: {  	v28 =	vsel vm4, $0xFFFFFFFF, v1;
	v20 =	vadd.s32 v34, v29;
	v29 =	vadd.s32 v30, v38;
	v27 =	vld [tilespmem:s3+$0xFFFFE010];
	v30, _, _ =	vpop (xrf0)  }
.Ltmp25:
0x30c: {  	v34 =	vmpcnt.ones.xlane vm5;
	[tilespmem:v39+s18+$0x0] =	vst.idx.msk vm0, v7;
	vm0 =	vlt.s32 v20, v18;
	v20 =	vadd.s32 v35, v37;
	v26 =	vld [tilespmem:s20+$0x10];
	(pc) =	sbr.rel @p1 .LBB2_36-.Ltmp25, $4  }
0x30d: {  	vm9 =	vlt.s32 v31, v9;
	v33 =	vld [tilespmem:s6+$0x0];
	vm8 =	vmand vm10, vm0;
	vm0 =	vlt.s32 v29, v19;
	v31, _, _ =	vpop (xrf0)  }
0x30e: {  	v28 =	vadd.s32 v28, v35;
	v24 =	vadd.s32 v24, v34;
	v29 =	vld [tilespmem:s3+$0xFFFFE020];
	v35, _, _ =	vpop (xrf0);
	vm7 =	vmand vm7, vm0  }
0x30f: {  	v30 =	vadd.s32 v30, v40;
	v34 =	vadd.s32 v35, v28;
	v28 =	vld [tilespmem:s20+$0x20];
	v35 =	vadd.s32 v31, v36  }
0x310: {  	s5 =	sadd.s32 $0x40, s5;
	s6 =	sadd.s32 $0x40, s6;
	vm10 =	vlt.s32 v30, v19;
	[tilespmem:v32+s18+$0x0] =	vst.idx.msk vm12, v7;
	vm11 =	vlt.s32 v34, v18;
	v30 =	vld [tilespmem:s20+$0x30];
	s20 =	smov.u32 s3  }
0x311: {  	s4 =	smov.u32 s9;
	v34 =	vmov v22;
	v32 =	vmov v23;
	v31 =	vmov v21;
	s3 =	smov.u32 s20  }
.LBB2_38:
0x312: {  	vm0 =	vmand vm4, vm11;
	_ =	sdelay $0x4  }
0x313: {  	v21 =	vld [tilespmem:s4+$0x10];
	[tilespmem:v27+s18+$0x0] =	vst.idx.msk vm8, v7  }
0x314: {  	v22 =	vld [tilespmem:s4+$0x20];
	[tilespmem:v29+s18+$0x0] =	vst.idx.msk vm0, v7  }
0x315: {  	v23 =	vld [tilespmem:s4+$0x30]  }
0x316: {  	vm11 =	veq.s32 v33, v11  }
0x317: {  	vm12 =	vlt.s32 v34, v9;
	vm11 =	vmand vm9, vm11  }
0x318: {  	vm1 =	vlt.s32 v31, v9;
	v55 =	vsel vm11, $0x1, v1;
	vm2 =	veq.s32 v21, v11  }
0x319: {  	vm13 =	vlt.s32 v32, v9;
	(xrf0) =	vadd.scan.msk.s32 $0xffff, v55;
	vm9 =	vmand vm1, vm2;
	vm14 =	veq.s32 v22, v11  }
0x31a: {  	v21 =	vsel vm9, $0x1, v1;
	vm15 =	vmand vm13, vm14;
	vm4 =	veq.s32 v23, v11  }
0x31b: {  	(xrf0) =	vadd.scan.msk.s32 $0xffff, v21;
	v21 =	vsel vm15, $0x1, v1;
	vm4 =	vmand vm12, vm4  }
0x31c: {  	(xrf0) =	vadd.scan.msk.s32 $0xffff, v21;
	v21 =	vsel vm4, $0x1, v1;
	_ =	sdelay $0x1  }
0x31d: {  	v22 =	vmpcnt.ones.xlane vm11;
	v23 =	vsel vm11, $0xFFFFFFFF, v1  }
0x31e: {  	vm3 =	vmand @p0 vm3, vm10;
	v56 =	vmpcnt.ones.xlane vm9;
	v23 =	vadd.s32 v23, v24;
	(xrf0) =	vadd.scan.msk.s32 $0xffff, v21;
	v21, _, _ =	vpop (xrf0)  }
0x31f: {  	v22 =	vadd.s32 v24, v22;
	v21 =	vadd.s32 v21, v23;
	v23 =	vsel vm9, $0xFFFFFFFF, v1  }
0x320: {  	vm0 =	vlt.s32 @p0 v35, v19;
	v24 =	vadd.s32 v22, v56;
	v58, _, _ =	vpop (xrf0);
	v22 =	vadd.s32 v23, v22  }
0x321: {  	vm5 =	vmand @p0 vm5, vm0;
	v57 =	vmpcnt.ones.xlane vm15;
	v22 =	vadd.s32 v58, v22  }
0x322: {  	v59 =	vsel vm4, $0xFFFFFFFF, v1;
	vm12 =	vlt.s32 v21, v19;
	v21 =	vsel vm15, $0xFFFFFFFF, v1;
	v23 =	vld [tilespmem:s3+$0x0]  }
0x323: {  	v61 =	vld [tilespmem:s3+$0x10];
	v60, _, _ =	vpop (xrf0);
	v21 =	vadd.s32 v21, v24;
	v24 =	vadd.s32 v24, v57;
	vm0 =	vmand vm11, vm12  }
0x324: {  	v62 =	vld [tilespmem:s3+$0x20];
	v27 =	vadd.s32 v59, v24;
	vm13 =	vlt.s32 v22, v19;
	v21 =	vadd.s32 v60, v21;
	v22, _, _ =	vpop (xrf0)  }
0x325: {  	v63 =	vld [tilespmem:s3+$0x30];
	vm1 =	vmand vm9, vm13;
	vm14 =	vlt.s32 v21, v19;
	v22 =	vadd.s32 v22, v27  }
0x326: {  	[tilespmem:v25+s19+$0x0] =	vst.idx.msk @p0 vm6, v7;
	vm2 =	vmand vm15, vm14;
	vm15 =	vlt.s32 v22, v19  }
0x327: {  	[tilespmem:v26+s19+$0x0] =	vst.idx.msk @p0 vm7, v7;
	vm6 =	vmand vm4, vm15  }
0x328: {  	[tilespmem:v28+s19+$0x0] =	vst.idx.msk @p0 vm3, v7  }
.Ltmp26:
0x329: {  	[tilespmem:v30+s19+$0x0] =	vst.idx.msk @p0 vm5, v7;
	(pc) =	sbr.rel .LBB2_24-.Ltmp26, $4  }
0x32a: {  	[tilespmem:v23+s19+$0x0] =	vst.idx.msk vm0, v7  }
0x32b: {  	v19 =	vmpcnt.ones.xlane vm4;
	[tilespmem:v61+s19+$0x0] =	vst.idx.msk vm1, v7  }
0x32c: {  	[tilespmem:v62+s19+$0x0] =	vst.idx.msk vm2, v7  }
0x32d: {  	v21 =	vadd.s32 v24, v19;
	[tilespmem:v63+s19+$0x0] =	vst.idx.msk vm6, v7  }
.LBB2_23:
0x32e: {  	v20 =	vimm.s32 $0x0;
	v21 =	vimm.s32 $0x0  }
.LBB2_24:
0x32f: {  	p0 =	sgt.s32 s31, $0x0  }
.Ltmp27:
0x330: {  	_ = 	snop;
	(pc) =	sbr.rel @!p0 .LBB2_25-.Ltmp27, $1  }
0x331: {  	_ =	sdelay $0x3  }
0x332: {  	v22 =	vbroadcast v18, $0x0;
	v19 =	vmov s1;
	s1 =	sadd.s32 $0xE200, s0;
	s0 =	sadd.s32 $0x12220, s0  }
.LBB2_40:
0x333: {  	v23 =	vld [tilespmem:s1+$0x0];
	_ =	sdelay $0x3  }
0x334: {  	v24 =	vor.u32 s30, v0  }
0x335: {  	vm0 =	vlt.s32 v24, v8;
	vm1 =	veq.s32 v23, v10  }
0x336: {  	vm0 =	vmand vm0, vm1  }
0x337: {  	v23 =	vsel vm0, $0x1, v1  }
0x338: {  	(xrf0) =	vadd.scan.msk.s32 $0xffff, v23;
	_ =	sdelay $0x4  }
0x339: {  	v23 =	vsel vm0, $0xFFFFFFFF, v1  }
0x33a: {  	v23 =	vadd.s32 v23, v20;
	v25, _, _ =	vpop (xrf0)  }
0x33b: {  	v26 =	vld [tilespmem:s0+$0x0];
	v23 =	vadd.s32 v25, v23  }
0x33c: {  	vm13 =	vlt.s32 v23, v22  }
0x33d: {  	vm1 =	vmand vm0, vm13;
	_ =	sdelay $0x5  }
0x33e: {  	[tilespmem:v26+s18+$0x0] =	vst.idx.msk vm1, v7  }
0x33f: {  	v23 =	vld [tilespmem:s1+$0x2010];
	_ =	sdelay $0x4  }
0x340: {  	vm14 =	vlt.s32 v24, v9;
	vm2 =	veq.s32 v23, v11  }
0x341: {  	vm1 =	vmand vm14, vm2  }
0x342: {  	v23 =	vsel vm1, $0x1, v1  }
0x343: {  	(xrf0) =	vadd.scan.msk.s32 $0xffff, v23;
	_ =	sdelay $0x4  }
0x344: {  	v23 =	vsel vm1, $0xFFFFFFFF, v1  }
0x345: {  	v23 =	vadd.s32 v23, v21;
	v61, _, _ =	vpop (xrf0)  }
0x346: {  	v62 =	vld [tilespmem:s0+$0x2010];
	v23 =	vadd.s32 v61, v23  }
0x347: {  	vm15 =	vlt.s32 v23, v19  }
0x348: {  	s29 =	sadd.s32 $0x1, s29;
	vm2 =	vmand vm1, vm15  }
0x349: {  	p0 =	slt.s32 s29, s28  }
.Ltmp28:
0x34a: {  	_ = 	snop;
	(pc) =	sbr.rel @p0 .LBB2_40-.Ltmp28, $3  }
0x34b: {  	_ = 	snop  }
0x34c: {  	v63 =	vmpcnt.ones.xlane vm1;
	v23 =	vmpcnt.ones.xlane vm0;
	_ =	sdelay $0x1  }
0x34d: {  	s30 =	sadd.s32 $0x10, s30;
	s1 =	sadd.s32 $0x10, s1;
	s0 =	sadd.s32 $0x10, s0;
	v21 =	vadd.s32 v21, v63;
	v20 =	vadd.s32 v20, v23;
	[tilespmem:v62+s19+$0x0] =	vst.idx.msk vm2, v7  }
.Ltmp29:
0x34e: {  	_ = 	snop;
	(pc) =	sbr.rel .LBB2_41-.Ltmp29, $1  }
0x34f: {  	_ =	sdelay $0x3  }
.LBB2_33:
.Ltmp30:
0x350: {  	(pc) =	sbr.rel .LBB2_38-.Ltmp30, $2  }
0x351: {  	_ =	sdelay $0x2  }
0x352: {  	_ = 	snop  }
.LBB2_35:
.Ltmp31:
0x353: {  	(pc) =	sbr.rel .LBB2_38-.Ltmp31, $2  }
0x354: {  	_ =	sdelay $0x2  }
0x355: {  	s4 =	simm.s32 $0x10250;
	v34 =	vmov v22;
	v32 =	vmov v23;
	v31 =	vmov v21;
	s3 =	simm.s32 $0x14270  }
.LBB2_42:
0x356: {  	_ =	sfence.sel $0x180000  }
0x357: {  	[bflag:$0x0] =	sbarrier.arrive $0xFFFF  }
0x358: {  	_ =	strace $0x90000047  }
0x359: {  	s0 =	stileid.u32;
	[bflag:$0x2] =	sbarrier.arrive $0xFFFF  }
0x35a: {  	p0 =	sne.s32 s0, $0x0;
	s0 =	rddreg [dreg:$0x2]  }
0x35b: {  	s0 =	sadd.s32 @!p0 $0x100000, s0  }
0x35c: {  	[sflag:s0] =	ssyncadd.tile.s32 @!p0 $0x1;
	_ =	shalt  }
.Lfunc_end2:
_tile_overlayer_lowered:
.L_overlay_start_2:
0x35d: {  	(tag) =	ssettag $0x2  }
0x35e: {  	s0 =	rddreg [dreg:$0x0];
	s2 =	stileid.u32  }
0x35f: {  	s1 =	rddreg [dreg:$0x1];
	p0 =	sne.s32 s2, $0x0  }
0x360: {  	s3 =	rddreg [dreg:$0x2];
	[bflag:$0x3] =	sbarrier.arrive $0xFFFF;
	s2 =	simm.s32 @!p0 $0x1C05  }
0x361: {  	[timem:s3], [sflag:s2] =	dma.local @!p0 [hbm:s0], s1  }
0x362: {  	s0 =	simm.s32 @!p0 $0x5  }
0x363: {  	_ =	swait.ge @!p0 [sflag:s0], s1  }
0x364: {  	s1 =	ssub.s32 @!p0 $0x0, s1;
	[sflag:s0] =	ssyncset.done @!p0 $0x0  }
0x365: {  	[sflag:s0] =	ssyncadd.s32 @!p0 s1  }
0x366: {  	[bflag:$0x3] =	sbarrier.arrive $0xFFFF  }
0x367: {  	_ =	shalt  }

</sc_bundles>
